<compile_context>
chip_gen: v7x
topology: tpu7x:2x2x1
jax: 0.10.2.dev20260603
libtpu: 0.0.44.dev20260713+nightly
codegen_flags: <defaults>
</compile_context>

<pallas_src>
import functools

import jax
import jax.numpy as jnp
from jax import lax
from jax.experimental import pallas as pl
from jax.experimental.pallas import tpu as pltpu
from jax.experimental.pallas import tpu_sc as plsc

BATCH = 4
SEQ = 8192
EMB = 1024
NC = 2
NS = 16
NW = NC * NS
ROWS_PER_W = SEQ // NW
CHUNK = 32
NCHUNK = ROWS_PER_W // CHUNK
NBUF = 2


def _sc_body(tab_hbm, out_hbm, bufs, load_sem, store_sem):
    wid = lax.axis_index("s") * NC + lax.axis_index("c")
    base = wid * ROWS_PER_W

    def load(i, buf_slot):
        return pltpu.make_async_copy(
            tab_hbm.at[pl.ds(base + i * CHUNK, CHUNK)], bufs.at[buf_slot],
            load_sem)

    def stores(i, buf_slot):
        for b in range(BATCH):
            pltpu.make_async_copy(
                bufs.at[buf_slot],
                out_hbm.at[b, pl.ds(base + i * CHUNK, CHUNK)],
                store_sem).start()

    load(0, 0).start()
    for i in range(NCHUNK):
        slot = i % NBUF
        load(i, slot).wait()
        if i + 1 < NCHUNK:
            load(i + 1, (i + 1) % NBUF).start()
        stores(i, slot)
        if i + 1 < NCHUNK:
            pltpu.make_async_copy(
                bufs.at[slot], out_hbm.at[0, pl.ds(base, CHUNK)],
                store_sem).wait()
            pltpu.make_async_copy(
                bufs.at[slot], out_hbm.at[0, pl.ds(base, CHUNK)],
                store_sem).wait()
            pltpu.make_async_copy(
                bufs.at[slot], out_hbm.at[0, pl.ds(base, CHUNK)],
                store_sem).wait()
            pltpu.make_async_copy(
                bufs.at[slot], out_hbm.at[0, pl.ds(base, CHUNK)],
                store_sem).wait()
    for _ in range(BATCH):
        pltpu.make_async_copy(
            bufs.at[(NCHUNK - 1) % NBUF], out_hbm.at[0, pl.ds(base, CHUNK)],
            store_sem).wait()


@jax.jit
def _sc_broadcast(tab):
    mesh = plsc.VectorSubcoreMesh(
        core_axis_name="c", subcore_axis_name="s", num_cores=NC,
        num_subcores=NS)
    return pl.kernel(
        _sc_body,
        out_type=jax.ShapeDtypeStruct((BATCH, SEQ, EMB), jnp.float32),
        mesh=mesh,
        scratch_types=[
            pltpu.VMEM((NBUF, CHUNK, EMB), jnp.float32),
            pltpu.SemaphoreType.DMA,
            pltpu.SemaphoreType.DMA,
        ],
    )(tab)


def kernel(position_ids, pos_embedding):
    del position_ids
    tab = pos_embedding.reshape(SEQ, EMB)
    return _sc_broadcast(tab)

# --- scband reference (transcript-rebuilt; emitter-appended) ---
"""Pipeline reference for scband-sinu-position-encoding-29626684408117 (READ-ONLY COPY).

The authoritative reference and input builder live on the scoring server;
editing this copy changes nothing except your own understanding.
"""

import jax, jax.numpy as jnp
import numpy as np

EMBED_SIZE = 1024
CONTEXT_LENGTH = 8192
BASE = 10000

def _build_pos_embedding():
    inv_freq = 1.0 / (BASE ** (np.arange(0, EMBED_SIZE, 2).astype(np.float32) / EMBED_SIZE))
    inv_freq = inv_freq.reshape(1, -1)
    position_ids = np.arange(0, CONTEXT_LENGTH).astype(np.float32).reshape(CONTEXT_LENGTH, 1)
    pos_embedding = np.zeros((CONTEXT_LENGTH, EMBED_SIZE), dtype=np.float32)
    pos_embedding[:, 0::2] = np.sin(position_ids @ inv_freq)
    pos_embedding[:, 1::2] = np.cos(position_ids @ inv_freq)
    return jnp.asarray(pos_embedding[None, :, :])  # (1, context_length, embed_size)

def setup_inputs(seed: int = 0) -> dict:
    key = jax.random.key(seed)
    position_ids = jax.random.randint(key, (4, 8192), 0, 8192, dtype=jnp.int64 if jax.config.jax_enable_x64 else jnp.int32).astype(jnp.int64) if jax.config.jax_enable_x64 else jax.random.randint(key, (4, 8192), 0, 8192, dtype=jnp.int32)
    pos_embedding = _build_pos_embedding()
    return {"position_ids": position_ids, "pos_embedding": pos_embedding}

def reference(position_ids, pos_embedding):
    batch_size, seq_len = position_ids.shape
    batch_pos_embedding = jnp.broadcast_to(pos_embedding, (batch_size, pos_embedding.shape[1], pos_embedding.shape[2]))
    return batch_pos_embedding[:, :seq_len, :]

if __name__ == "__main__":
    import jax
    _d = setup_inputs()
    print(jax.jit(kernel)(*tuple(_d.values())))

</pallas_src>

<mosaic_0001>
#map = affine_map<(d0, d1) -> (0, 0)>
#map1 = affine_map<(d0, d1) -> (0, 0, 0)>
module attributes {stable_mosaic.version = 14 : i64} {
  func.func @_sc_body(%arg0: i32, %arg1: i32, %arg2: memref<8192x1024xf32, #tpu.memory_space<hbm>>, %arg3: memref<4x8192x1024xf32, #tpu.memory_space<hbm>>, %arg4: memref<2x32x1024xf32, #tpu.memory_space<vmem>>, %arg5: memref<!tpu.dma_semaphore, #tpu.memory_space<semaphore_mem>>, %arg6: memref<!tpu.dma_semaphore, #tpu.memory_space<semaphore_mem>>) attributes {dimension_semantics = [#tpu.dimension_semantics<core_parallel>, #tpu.dimension_semantics<subcore_parallel>], iteration_bounds = array<i64: 2, 16>, scalar_prefetch = 0 : i64, scratch_operands = 3 : i64, tpu.core_type = #tpu.core_type<sc_vector_subcore>, window_params = [{transform_indices = #map}, {transform_indices = #map1}]} {
    %mul3A = arith.constant 2 : i32
    %mul3A_0 = arith.muli %arg1, %mul3A : i32
    %add3A = arith.addi %mul3A_0, %arg0 : i32
    %mul3A_1 = arith.constant 256 : i32
    %mul3A_2 = arith.muli %add3A, %mul3A_1 : i32
    %add3A_3 = arith.constant 0 : i32
    %add3A_4 = arith.addi %mul3A_2, %add3A_3 : i32
    %dma_start3A = arith.constant 0 : i32
    %dma_start3A_5 = arith.constant 0 : i32
    %dma_start3A_6 = arith.constant 0 : i32
    %dma_start3A_7 = tpu.memref_slice %arg4[%dma_start3A, %dma_start3A_5, %dma_start3A_6] : memref<2x32x1024xf32, #tpu.memory_space<vmem>> -> memref<1x32x1024xf32, #tpu.memory_space<vmem>>
    %dma_start3A_8 = tpu.memref_squeeze %dma_start3A_7 : memref<1x32x1024xf32, #tpu.memory_space<vmem>> -> memref<32x1024xf32, #tpu.memory_space<vmem>>
    %dma_start3A_9 = arith.constant 0 : i32
    %dma_start3A_10 = tpu.memref_slice %arg2[%add3A_4, %dma_start3A_9] : memref<8192x1024xf32, #tpu.memory_space<hbm>> -> memref<32x1024xf32, #tpu.memory_space<hbm>>
    %dma_start3A_11 = arith.constant 0 : i32
    %dma_start3A_12 = arith.constant 0 : i32
    %dma_start3A_13 = tpu.memref_slice %arg4[%dma_start3A, %dma_start3A_11, %dma_start3A_12] : memref<2x32x1024xf32, #tpu.memory_space<vmem>> -> memref<1x32x1024xf32, #tpu.memory_space<vmem>>
    %dma_start3A_14 = tpu.memref_squeeze %dma_start3A_13 : memref<1x32x1024xf32, #tpu.memory_space<vmem>> -> memref<32x1024xf32, #tpu.memory_space<vmem>>
    %dma_start3A_15 = arith.constant 0 : i32
    %dma_start3A_16 = tpu.memref_slice %arg2[%add3A_4, %dma_start3A_15] : memref<8192x1024xf32, #tpu.memory_space<hbm>> -> memref<32x1024xf32, #tpu.memory_space<hbm>>
    tpu.enqueue_dma source(%dma_start3A_16 : memref<32x1024xf32, #tpu.memory_space<hbm>>) target(%dma_start3A_14 : memref<32x1024xf32, #tpu.memory_space<vmem>>) target_semaphore(%arg5 : memref<!tpu.dma_semaphore, #tpu.memory_space<semaphore_mem>>)
    %add3A_17 = arith.constant 0 : i32
    %add3A_18 = arith.addi %mul3A_2, %add3A_17 : i32
    %dma_wait3A = arith.constant 0 : i32
    %dma_wait3A_19 = arith.constant 0 : i32
    %dma_wait3A_20 = arith.constant 0 : i32
    %dma_wait3A_21 = tpu.memref_slice %arg4[%dma_wait3A, %dma_wait3A_19, %dma_wait3A_20] : memref<2x32x1024xf32, #tpu.memory_space<vmem>> -> memref<1x32x1024xf32, #tpu.memory_space<vmem>>
    %dma_wait3A_22 = tpu.memref_squeeze %dma_wait3A_21 : memref<1x32x1024xf32, #tpu.memory_space<vmem>> -> memref<32x1024xf32, #tpu.memory_space<vmem>>
    %dma_wait3A_23 = arith.constant 0 : i32
    %dma_wait3A_24 = tpu.memref_slice %arg2[%add3A_18, %dma_wait3A_23] : memref<8192x1024xf32, #tpu.memory_space<hbm>> -> memref<32x1024xf32, #tpu.memory_space<hbm>>
    %dma_wait3A_25 = arith.constant 0 : i32
    %dma_wait3A_26 = arith.constant 0 : i32
    %dma_wait3A_27 = tpu.memref_slice %arg4[%dma_wait3A, %dma_wait3A_25, %dma_wait3A_26] : memref<2x32x1024xf32, #tpu.memory_space<vmem>> -> memref<1x32x1024xf32, #tpu.memory_space<vmem>>
    %dma_wait3A_28 = tpu.memref_squeeze %dma_wait3A_27 : memref<1x32x1024xf32, #tpu.memory_space<vmem>> -> memref<32x1024xf32, #tpu.memory_space<vmem>>
    %dma_wait3A_29 = arith.constant 0 : i32
    %dma_wait3A_30 = tpu.memref_slice %arg2[%add3A_18, %dma_wait3A_29] : memref<8192x1024xf32, #tpu.memory_space<hbm>> -> memref<32x1024xf32, #tpu.memory_space<hbm>>
    tpu.wait_dma2 semaphore(%arg5 : memref<!tpu.dma_semaphore, #tpu.memory_space<semaphore_mem>>) src(%dma_wait3A_30 : memref<32x1024xf32, #tpu.memory_space<hbm>>) dst(%dma_wait3A_28 : memref<32x1024xf32, #tpu.memory_space<vmem>>)
    %add3A_31 = arith.constant 32 : i32
    %add3A_32 = arith.addi %mul3A_2, %add3A_31 : i32
    %dma_start3A_33 = arith.constant 1 : i32
    %dma_start3A_34 = arith.constant 0 : i32
    %dma_start3A_35 = arith.constant 0 : i32
    %dma_start3A_36 = tpu.memref_slice %arg4[%dma_start3A_33, %dma_start3A_34, %dma_start3A_35] : memref<2x32x1024xf32, #tpu.memory_space<vmem>> -> memref<1x32x1024xf32, #tpu.memory_space<vmem>>
    %dma_start3A_37 = tpu.memref_squeeze %dma_start3A_36 : memref<1x32x1024xf32, #tpu.memory_space<vmem>> -> memref<32x1024xf32, #tpu.memory_space<vmem>>
    %dma_start3A_38 = arith.constant 0 : i32
    %dma_start3A_39 = tpu.memref_slice %arg2[%add3A_32, %dma_start3A_38] : memref<8192x1024xf32, #tpu.memory_space<hbm>> -> memref<32x1024xf32, #tpu.memory_space<hbm>>
    %dma_start3A_40 = arith.constant 0 : i32
    %dma_start3A_41 = arith.constant 0 : i32
    %dma_start3A_42 = tpu.memref_slice %arg4[%dma_start3A_33, %dma_start3A_40, %dma_start3A_41] : memref<2x32x1024xf32, #tpu.memory_space<vmem>> -> memref<1x32x1024xf32, #tpu.memory_space<vmem>>
    %dma_start3A_43 = tpu.memref_squeeze %dma_start3A_42 : memref<1x32x1024xf32, #tpu.memory_space<vmem>> -> memref<32x1024xf32, #tpu.memory_space<vmem>>
    %dma_start3A_44 = arith.constant 0 : i32
    %dma_start3A_45 = tpu.memref_slice %arg2[%add3A_32, %dma_start3A_44] : memref<8192x1024xf32, #tpu.memory_space<hbm>> -> memref<32x1024xf32, #tpu.memory_space<hbm>>
    tpu.enqueue_dma source(%dma_start3A_45 : memref<32x1024xf32, #tpu.memory_space<hbm>>) target(%dma_start3A_43 : memref<32x1024xf32, #tpu.memory_space<vmem>>) target_semaphore(%arg5 : memref<!tpu.dma_semaphore, #tpu.memory_space<semaphore_mem>>)
    %add3A_46 = arith.constant 0 : i32
    %add3A_47 = arith.addi %mul3A_2, %add3A_46 : i32
    %dma_start3A_48 = arith.constant 0 : i32
    %dma_start3A_49 = arith.constant 0 : i32
    %dma_start3A_50 = arith.constant 0 : i32
    %dma_start3A_51 = arith.constant 0 : i32
    %dma_start3A_52 = tpu.memref_slice %arg4[%dma_start3A_48, %dma_start3A_50, %dma_start3A_51] : memref<2x32x1024xf32, #tpu.memory_space<vmem>> -> memref<1x32x1024xf32, #tpu.memory_space<vmem>>
    %dma_start3A_53 = tpu.memref_squeeze %dma_start3A_52 : memref<1x32x1024xf32, #tpu.memory_space<vmem>> -> memref<32x1024xf32, #tpu.memory_space<vmem>>
    %dma_start3A_54 = arith.constant 0 : i32
    %dma_start3A_55 = tpu.memref_slice %arg3[%dma_start3A_49, %add3A_47, %dma_start3A_54] : memref<4x8192x1024xf32, #tpu.memory_space<hbm>> -> memref<1x32x1024xf32, #tpu.memory_space<hbm>>
    %dma_start3A_56 = tpu.memref_squeeze %dma_start3A_55 : memref<1x32x1024xf32, #tpu.memory_space<hbm>> -> memref<32x1024xf32, #tpu.memory_space<hbm>>
    %dma_start3A_57 = arith.constant 0 : i32
    %dma_start3A_58 = tpu.memref_slice %arg3[%dma_start3A_49, %add3A_47, %dma_start3A_57] : memref<4x8192x1024xf32, #tpu.memory_space<hbm>> -> memref<1x32x1024xf32, #tpu.memory_space<hbm>>
    %dma_start3A_59 = tpu.memref_squeeze %dma_start3A_58 : memref<1x32x1024xf32, #tpu.memory_space<hbm>> -> memref<32x1024xf32, #tpu.memory_space<hbm>>
    %dma_start3A_60 = arith.constant 0 : i32
    %dma_start3A_61 = arith.constant 0 : i32
    %dma_start3A_62 = tpu.memref_slice %arg4[%dma_start3A_48, %dma_start3A_60, %dma_start3A_61] : memref<2x32x1024xf32, #tpu.memory_space<vmem>> -> memref<1x32x1024xf32, #tpu.memory_space<vmem>>
    %dma_start3A_63 = tpu.memref_squeeze %dma_start3A_62 : memref<1x32x1024xf32, #tpu.memory_space<vmem>> -> memref<32x1024xf32, #tpu.memory_space<vmem>>
    tpu.enqueue_dma source(%dma_start3A_63 : memref<32x1024xf32, #tpu.memory_space<vmem>>) target(%dma_start3A_59 : memref<32x1024xf32, #tpu.memory_space<hbm>>) target_semaphore(%arg6 : memref<!tpu.dma_semaphore, #tpu.memory_space<semaphore_mem>>)
    %add3A_64 = arith.constant 0 : i32
    %add3A_65 = arith.addi %mul3A_2, %add3A_64 : i32
    %dma_start3A_66 = arith.constant 0 : i32
    %dma_start3A_67 = arith.constant 1 : i32
    %dma_start3A_68 = arith.constant 0 : i32
    %dma_start3A_69 = arith.constant 0 : i32
    %dma_start3A_70 = tpu.memref_slice %arg4[%dma_start3A_66, %dma_start3A_68, %dma_start3A_69] : memref<2x32x1024xf32, #tpu.memory_space<vmem>> -> memref<1x32x1024xf32, #tpu.memory_space<vmem>>
    %dma_start3A_71 = tpu.memref_squeeze %dma_start3A_70 : memref<1x32x1024xf32, #tpu.memory_space<vmem>> -> memref<32x1024xf32, #tpu.memory_space<vmem>>
    %dma_start3A_72 = arith.constant 0 : i32
    %dma_start3A_73 = tpu.memref_slice %arg3[%dma_start3A_67, %add3A_65, %dma_start3A_72] : memref<4x8192x1024xf32, #tpu.memory_space<hbm>> -> memref<1x32x1024xf32, #tpu.memory_space<hbm>>
    %dma_start3A_74 = tpu.memref_squeeze %dma_start3A_73 : memref<1x32x1024xf32, #tpu.memory_space<hbm>> -> memref<32x1024xf32, #tpu.memory_space<hbm>>
    %dma_start3A_75 = arith.constant 0 : i32
    %dma_start3A_76 = tpu.memref_slice %arg3[%dma_start3A_67, %add3A_65, %dma_start3A_75] : memref<4x8192x1024xf32, #tpu.memory_space<hbm>> -> memref<1x32x1024xf32, #tpu.memory_space<hbm>>
    %dma_start3A_77 = tpu.memref_squeeze %dma_start3A_76 : memref<1x32x1024xf32, #tpu.memory_space<hbm>> -> memref<32x1024xf32, #tpu.memory_space<hbm>>
    %dma_start3A_78 = arith.constant 0 : i32
    %dma_start3A_79 = arith.constant 0 : i32
    %dma_start3A_80 = tpu.memref_slice %arg4[%dma_start3A_66, %dma_start3A_78, %dma_start3A_79] : memref<2x32x1024xf32, #tpu.memory_space<vmem>> -> memref<1x32x1024xf32, #tpu.memory_space<vmem>>
    %dma_start3A_81 = tpu.memref_squeeze %dma_start3A_80 : memref<1x32x1024xf32, #tpu.memory_space<vmem>> -> memref<32x1024xf32, #tpu.memory_space<vmem>>
    tpu.enqueue_dma source(%dma_start3A_81 : memref<32x1024xf32, #tpu.memory_space<vmem>>) target(%dma_start3A_77 : memref<32x1024xf32, #tpu.memory_space<hbm>>) target_semaphore(%arg6 : memref<!tpu.dma_semaphore, #tpu.memory_space<semaphore_mem>>)
    %add3A_82 = arith.constant 0 : i32
    %add3A_83 = arith.addi %mul3A_2, %add3A_82 : i32
    %dma_start3A_84 = arith.constant 0 : i32
    %dma_start3A_85 = arith.constant 2 : i32
    %dma_start3A_86 = arith.constant 0 : i32
    %dma_start3A_87 = arith.constant 0 : i32
    %dma_start3A_88 = tpu.memref_slice %arg4[%dma_start3A_84, %dma_start3A_86, %dma_start3A_87] : memref<2x32x1024xf32, #tpu.memory_space<vmem>> -> memref<1x32x1024xf32, #tpu.memory_space<vmem>>
    %dma_start3A_89 = tpu.memref_squeeze %dma_start3A_88 : memref<1x32x1024xf32, #tpu.memory_space<vmem>> -> memref<32x1024xf32, #tpu.memory_space<vmem>>
    %dma_start3A_90 = arith.constant 0 : i32
    %dma_start3A_91 = tpu.memref_slice %arg3[%dma_start3A_85, %add3A_83, %dma_start3A_90] : memref<4x8192x1024xf32, #tpu.memory_space<hbm>> -> memref<1x32x1024xf32, #tpu.memory_space<hbm>>
    %dma_start3A_92 = tpu.memref_squeeze %dma_start3A_91 : memref<1x32x1024xf32, #tpu.memory_space<hbm>> -> memref<32x1024xf32, #tpu.memory_space<hbm>>
    %dma_start3A_93 = arith.constant 0 : i32
    %dma_start3A_94 = tpu.memref_slice %arg3[%dma_start3A_85, %add3A_83, %dma_start3A_93] : memref<4x8192x1024xf32, #tpu.memory_space<hbm>> -> memref<1x32x1024xf32, #tpu.memory_space<hbm>>
    %dma_start3A_95 = tpu.memref_squeeze %dma_start3A_94 : memref<1x32x1024xf32, #tpu.memory_space<hbm>> -> memref<32x1024xf32, #tpu.memory_space<hbm>>
    %dma_start3A_96 = arith.constant 0 : i32
    %dma_start3A_97 = arith.constant 0 : i32
    %dma_start3A_98 = tpu.memref_slice %arg4[%dma_start3A_84, %dma_start3A_96, %dma_start3A_97] : memref<2x32x1024xf32, #tpu.memory_space<vmem>> -> memref<1x32x1024xf32, #tpu.memory_space<vmem>>
    %dma_start3A_99 = tpu.memref_squeeze %dma_start3A_98 : memref<1x32x1024xf32, #tpu.memory_space<vmem>> -> memref<32x1024xf32, #tpu.memory_space<vmem>>
    tpu.enqueue_dma source(%dma_start3A_99 : memref<32x1024xf32, #tpu.memory_space<vmem>>) target(%dma_start3A_95 : memref<32x1024xf32, #tpu.memory_space<hbm>>) target_semaphore(%arg6 : memref<!tpu.dma_semaphore, #tpu.memory_space<semaphore_mem>>)
    %add3A_100 = arith.constant 0 : i32
    %add3A_101 = arith.addi %mul3A_2, %add3A_100 : i32
    %dma_start3A_102 = arith.constant 0 : i32
    %dma_start3A_103 = arith.constant 3 : i32
    %dma_start3A_104 = arith.constant 0 : i32
    %dma_start3A_105 = arith.constant 0 : i32
    %dma_start3A_106 = tpu.memref_slice %arg4[%dma_start3A_102, %dma_start3A_104, %dma_start3A_105] : memref<2x32x1024xf32, #tpu.memory_space<vmem>> -> memref<1x32x1024xf32, #tpu.memory_space<vmem>>
    %dma_start3A_107 = tpu.memref_squeeze %dma_start3A_106 : memref<1x32x1024xf32, #tpu.memory_space<vmem>> -> memref<32x1024xf32, #tpu.memory_space<vmem>>
    %dma_start3A_108 = arith.constant 0 : i32
    %dma_start3A_109 = tpu.memref_slice %arg3[%dma_start3A_103, %add3A_101, %dma_start3A_108] : memref<4x8192x1024xf32, #tpu.memory_space<hbm>> -> memref<1x32x1024xf32, #tpu.memory_space<hbm>>
    %dma_start3A_110 = tpu.memref_squeeze %dma_start3A_109 : memref<1x32x1024xf32, #tpu.memory_space<hbm>> -> memref<32x1024xf32, #tpu.memory_space<hbm>>
    %dma_start3A_111 = arith.constant 0 : i32
    %dma_start3A_112 = tpu.memref_slice %arg3[%dma_start3A_103, %add3A_101, %dma_start3A_111] : memref<4x8192x1024xf32, #tpu.memory_space<hbm>> -> memref<1x32x1024xf32, #tpu.memory_space<hbm>>
    %dma_start3A_113 = tpu.memref_squeeze %dma_start3A_112 : memref<1x32x1024xf32, #tpu.memory_space<hbm>> -> memref<32x1024xf32, #tpu.memory_space<hbm>>
    %dma_start3A_114 = arith.constant 0 : i32
    %dma_start3A_115 = arith.constant 0 : i32
    %dma_start3A_116 = tpu.memref_slice %arg4[%dma_start3A_102, %dma_start3A_114, %dma_start3A_115] : memref<2x32x1024xf32, #tpu.memory_space<vmem>> -> memref<1x32x1024xf32, #tpu.memory_space<vmem>>
    %dma_start3A_117 = tpu.memref_squeeze %dma_start3A_116 : memref<1x32x1024xf32, #tpu.memory_space<vmem>> -> memref<32x1024xf32, #tpu.memory_space<vmem>>
    tpu.enqueue_dma source(%dma_start3A_117 : memref<32x1024xf32, #tpu.memory_space<vmem>>) target(%dma_start3A_113 : memref<32x1024xf32, #tpu.memory_space<hbm>>) target_semaphore(%arg6 : memref<!tpu.dma_semaphore, #tpu.memory_space<semaphore_mem>>)
    %dma_wait3A_118 = arith.constant 0 : i32
    %dma_wait3A_119 = arith.constant 0 : i32
    %dma_wait3A_120 = arith.constant 0 : i32
    %dma_wait3A_121 = arith.constant 0 : i32
    %dma_wait3A_122 = tpu.memref_slice %arg4[%dma_wait3A_118, %dma_wait3A_120, %dma_wait3A_121] : memref<2x32x1024xf32, #tpu.memory_space<vmem>> -> memref<1x32x1024xf32, #tpu.memory_space<vmem>>
    %dma_wait3A_123 = tpu.memref_squeeze %dma_wait3A_122 : memref<1x32x1024xf32, #tpu.memory_space<vmem>> -> memref<32x1024xf32, #tpu.memory_space<vmem>>
    %dma_wait3A_124 = arith.constant 0 : i32
    %dma_wait3A_125 = tpu.memref_slice %arg3[%dma_wait3A_119, %mul3A_2, %dma_wait3A_124] : memref<4x8192x1024xf32, #tpu.memory_space<hbm>> -> memref<1x32x1024xf32, #tpu.memory_space<hbm>>
    %dma_wait3A_126 = tpu.memref_squeeze %dma_wait3A_125 : memref<1x32x1024xf32, #tpu.memory_space<hbm>> -> memref<32x1024xf32, #tpu.memory_space<hbm>>
    %dma_wait3A_127 = arith.constant 0 : i32
    %dma_wait3A_128 = tpu.memref_slice %arg3[%dma_wait3A_119, %mul3A_2, %dma_wait3A_127] : memref<4x8192x1024xf32, #tpu.memory_space<hbm>> -> memref<1x32x1024xf32, #tpu.memory_space<hbm>>
    %dma_wait3A_129 = tpu.memref_squeeze %dma_wait3A_128 : memref<1x32x1024xf32, #tpu.memory_space<hbm>> -> memref<32x1024xf32, #tpu.memory_space<hbm>>
    %dma_wait3A_130 = arith.constant 0 : i32
    %dma_wait3A_131 = arith.constant 0 : i32
    %dma_wait3A_132 = tpu.memref_slice %arg4[%dma_wait3A_118, %dma_wait3A_130, %dma_wait3A_131] : memref<2x32x1024xf32, #tpu.memory_space<vmem>> -> memref<1x32x1024xf32, #tpu.memory_space<vmem>>
    %dma_wait3A_133 = tpu.memref_squeeze %dma_wait3A_132 : memref<1x32x1024xf32, #tpu.memory_space<vmem>> -> memref<32x1024xf32, #tpu.memory_space<vmem>>
    tpu.wait_dma2 semaphore(%arg6 : memref<!tpu.dma_semaphore, #tpu.memory_space<semaphore_mem>>) src(%dma_wait3A_133 : memref<32x1024xf32, #tpu.memory_space<vmem>>) dst(%dma_wait3A_129 : memref<32x1024xf32, #tpu.memory_space<hbm>>)
    %dma_wait3A_134 = arith.constant 0 : i32
    %dma_wait3A_135 = arith.constant 0 : i32
    %dma_wait3A_136 = arith.constant 0 : i32
    %dma_wait3A_137 = arith.constant 0 : i32
    %dma_wait3A_138 = tpu.memref_slice %arg4[%dma_wait3A_134, %dma_wait3A_136, %dma_wait3A_137] : memref<2x32x1024xf32, #tpu.memory_space<vmem>> -> memref<1x32x1024xf32, #tpu.memory_space<vmem>>
    %dma_wait3A_139 = tpu.memref_squeeze %dma_wait3A_138 : memref<1x32x1024xf32, #tpu.memory_space<vmem>> -> memref<32x1024xf32, #tpu.memory_space<vmem>>
    %dma_wait3A_140 = arith.constant 0 : i32
    %dma_wait3A_141 = tpu.memref_slice %arg3[%dma_wait3A_135, %mul3A_2, %dma_wait3A_140] : memref<4x8192x1024xf32, #tpu.memory_space<hbm>> -> memref<1x32x1024xf32, #tpu.memory_space<hbm>>
    %dma_wait3A_142 = tpu.memref_squeeze %dma_wait3A_141 : memref<1x32x1024xf32, #tpu.memory_space<hbm>> -> memref<32x1024xf32, #tpu.memory_space<hbm>>
    %dma_wait3A_143 = arith.constant 0 : i32
    %dma_wait3A_144 = tpu.memref_slice %arg3[%dma_wait3A_135, %mul3A_2, %dma_wait3A_143] : memref<4x8192x1024xf32, #tpu.memory_space<hbm>> -> memref<1x32x1024xf32, #tpu.memory_space<hbm>>
    %dma_wait3A_145 = tpu.memref_squeeze %dma_wait3A_144 : memref<1x32x1024xf32, #tpu.memory_space<hbm>> -> memref<32x1024xf32, #tpu.memory_space<hbm>>
    %dma_wait3A_146 = arith.constant 0 : i32
    %dma_wait3A_147 = arith.constant 0 : i32
    %dma_wait3A_148 = tpu.memref_slice %arg4[%dma_wait3A_134, %dma_wait3A_146, %dma_wait3A_147] : memref<2x32x1024xf32, #tpu.memory_space<vmem>> -> memref<1x32x1024xf32, #tpu.memory_space<vmem>>
    %dma_wait3A_149 = tpu.memref_squeeze %dma_wait3A_148 : memref<1x32x1024xf32, #tpu.memory_space<vmem>> -> memref<32x1024xf32, #tpu.memory_space<vmem>>
    tpu.wait_dma2 semaphore(%arg6 : memref<!tpu.dma_semaphore, #tpu.memory_space<semaphore_mem>>) src(%dma_wait3A_149 : memref<32x1024xf32, #tpu.memory_space<vmem>>) dst(%dma_wait3A_145 : memref<32x1024xf32, #tpu.memory_space<hbm>>)
    %dma_wait3A_150 = arith.constant 0 : i32
    %dma_wait3A_151 = arith.constant 0 : i32
    %dma_wait3A_152 = arith.constant 0 : i32
    %dma_wait3A_153 = arith.constant 0 : i32
    %dma_wait3A_154 = tpu.memref_slice %arg4[%dma_wait3A_150, %dma_wait3A_152, %dma_wait3A_153] : memref<2x32x1024xf32, #tpu.memory_space<vmem>> -> memref<1x32x1024xf32, #tpu.memory_space<vmem>>
    %dma_wait3A_155 = tpu.memref_squeeze %dma_wait3A_154 : memref<1x32x1024xf32, #tpu.memory_space<vmem>> -> memref<32x1024xf32, #tpu.memory_space<vmem>>
    %dma_wait3A_156 = arith.constant 0 : i32
    %dma_wait3A_157 = tpu.memref_slice %arg3[%dma_wait3A_151, %mul3A_2, %dma_wait3A_156] : memref<4x8192x1024xf32, #tpu.memory_space<hbm>> -> memref<1x32x1024xf32, #tpu.memory_space<hbm>>
    %dma_wait3A_158 = tpu.memref_squeeze %dma_wait3A_157 : memref<1x32x1024xf32, #tpu.memory_space<hbm>> -> memref<32x1024xf32, #tpu.memory_space<hbm>>
    %dma_wait3A_159 = arith.constant 0 : i32
    %dma_wait3A_160 = tpu.memref_slice %arg3[%dma_wait3A_151, %mul3A_2, %dma_wait3A_159] : memref<4x8192x1024xf32, #tpu.memory_space<hbm>> -> memref<1x32x1024xf32, #tpu.memory_space<hbm>>
    %dma_wait3A_161 = tpu.memref_squeeze %dma_wait3A_160 : memref<1x32x1024xf32, #tpu.memory_space<hbm>> -> memref<32x1024xf32, #tpu.memory_space<hbm>>
    %dma_wait3A_162 = arith.constant 0 : i32
    %dma_wait3A_163 = arith.constant 0 : i32
    %dma_wait3A_164 = tpu.memref_slice %arg4[%dma_wait3A_150, %dma_wait3A_162, %dma_wait3A_163] : memref<2x32x1024xf32, #tpu.memory_space<vmem>> -> memref<1x32x1024xf32, #tpu.memory_space<vmem>>
    %dma_wait3A_165 = tpu.memref_squeeze %dma_wait3A_164 : memref<1x32x1024xf32, #tpu.memory_space<vmem>> -> memref<32x1024xf32, #tpu.memory_space<vmem>>
    tpu.wait_dma2 semaphore(%arg6 : memref<!tpu.dma_semaphore, #tpu.memory_space<semaphore_mem>>) src(%dma_wait3A_165 : memref<32x1024xf32, #tpu.memory_space<vmem>>) dst(%dma_wait3A_161 : memref<32x1024xf32, #tpu.memory_space<hbm>>)
    %dma_wait3A_166 = arith.constant 0 : i32
    %dma_wait3A_167 = arith.constant 0 : i32
    %dma_wait3A_168 = arith.constant 0 : i32
    %dma_wait3A_169 = arith.constant 0 : i32
    %dma_wait3A_170 = tpu.memref_slice %arg4[%dma_wait3A_166, %dma_wait3A_168, %dma_wait3A_169] : memref<2x32x1024xf32, #tpu.memory_space<vmem>> -> memref<1x32x1024xf32, #tpu.memory_space<vmem>>
    %dma_wait3A_171 = tpu.memref_squeeze %dma_wait3A_170 : memref<1x32x1024xf32, #tpu.memory_space<vmem>> -> memref<32x1024xf32, #tpu.memory_space<vmem>>
    %dma_wait3A_172 = arith.constant 0 : i32
    %dma_wait3A_173 = tpu.memref_slice %arg3[%dma_wait3A_167, %mul3A_2, %dma_wait3A_172] : memref<4x8192x1024xf32, #tpu.memory_space<hbm>> -> memref<1x32x1024xf32, #tpu.memory_space<hbm>>
    %dma_wait3A_174 = tpu.memref_squeeze %dma_wait3A_173 : memref<1x32x1024xf32, #tpu.memory_space<hbm>> -> memref<32x1024xf32, #tpu.memory_space<hbm>>
    %dma_wait3A_175 = arith.constant 0 : i32
    %dma_wait3A_176 = tpu.memref_slice %arg3[%dma_wait3A_167, %mul3A_2, %dma_wait3A_175] : memref<4x8192x1024xf32, #tpu.memory_space<hbm>> -> memref<1x32x1024xf32, #tpu.memory_space<hbm>>
    %dma_wait3A_177 = tpu.memref_squeeze %dma_wait3A_176 : memref<1x32x1024xf32, #tpu.memory_space<hbm>> -> memref<32x1024xf32, #tpu.memory_space<hbm>>
    %dma_wait3A_178 = arith.constant 0 : i32
    %dma_wait3A_179 = arith.constant 0 : i32
    %dma_wait3A_180 = tpu.memref_slice %arg4[%dma_wait3A_166, %dma_wait3A_178, %dma_wait3A_179] : memref<2x32x1024xf32, #tpu.memory_space<vmem>> -> memref<1x32x1024xf32, #tpu.memory_space<vmem>>
    %dma_wait3A_181 = tpu.memref_squeeze %dma_wait3A_180 : memref<1x32x1024xf32, #tpu.memory_space<vmem>> -> memref<32x1024xf32, #tpu.memory_space<vmem>>
    tpu.wait_dma2 semaphore(%arg6 : memref<!tpu.dma_semaphore, #tpu.memory_space<semaphore_mem>>) src(%dma_wait3A_181 : memref<32x1024xf32, #tpu.memory_space<vmem>>) dst(%dma_wait3A_177 : memref<32x1024xf32, #tpu.memory_space<hbm>>)
    %add3A_182 = arith.constant 32 : i32
    %add3A_183 = arith.addi %mul3A_2, %add3A_182 : i32
    %dma_wait3A_184 = arith.constant 1 : i32
    %dma_wait3A_185 = arith.constant 0 : i32
    %dma_wait3A_186 = arith.constant 0 : i32
    %dma_wait3A_187 = tpu.memref_slice %arg4[%dma_wait3A_184, %dma_wait3A_185, %dma_wait3A_186] : memref<2x32x1024xf32, #tpu.memory_space<vmem>> -> memref<1x32x1024xf32, #tpu.memory_space<vmem>>
    %dma_wait3A_188 = tpu.memref_squeeze %dma_wait3A_187 : memref<1x32x1024xf32, #tpu.memory_space<vmem>> -> memref<32x1024xf32, #tpu.memory_space<vmem>>
    %dma_wait3A_189 = arith.constant 0 : i32
    %dma_wait3A_190 = tpu.memref_slice %arg2[%add3A_183, %dma_wait3A_189] : memref<8192x1024xf32, #tpu.memory_space<hbm>> -> memref<32x1024xf32, #tpu.memory_space<hbm>>
    %dma_wait3A_191 = arith.constant 0 : i32
    %dma_wait3A_192 = arith.constant 0 : i32
    %dma_wait3A_193 = tpu.memref_slice %arg4[%dma_wait3A_184, %dma_wait3A_191, %dma_wait3A_192] : memref<2x32x1024xf32, #tpu.memory_space<vmem>> -> memref<1x32x1024xf32, #tpu.memory_space<vmem>>
    %dma_wait3A_194 = tpu.memref_squeeze %dma_wait3A_193 : memref<1x32x1024xf32, #tpu.memory_space<vmem>> -> memref<32x1024xf32, #tpu.memory_space<vmem>>
    %dma_wait3A_195 = arith.constant 0 : i32
    %dma_wait3A_196 = tpu.memref_slice %arg2[%add3A_183, %dma_wait3A_195] : memref<8192x1024xf32, #tpu.memory_space<hbm>> -> memref<32x1024xf32, #tpu.memory_space<hbm>>
    tpu.wait_dma2 semaphore(%arg5 : memref<!tpu.dma_semaphore, #tpu.memory_space<semaphore_mem>>) src(%dma_wait3A_196 : memref<32x1024xf32, #tpu.memory_space<hbm>>) dst(%dma_wait3A_194 : memref<32x1024xf32, #tpu.memory_space<vmem>>)
    %add3A_197 = arith.constant 64 : i32
    %add3A_198 = arith.addi %mul3A_2, %add3A_197 : i32
    %dma_start3A_199 = arith.constant 0 : i32
    %dma_start3A_200 = arith.constant 0 : i32
    %dma_start3A_201 = arith.constant 0 : i32
    %dma_start3A_202 = tpu.memref_slice %arg4[%dma_start3A_199, %dma_start3A_200, %dma_start3A_201] : memref<2x32x1024xf32, #tpu.memory_space<vmem>> -> memref<1x32x1024xf32, #tpu.memory_space<vmem>>
    %dma_start3A_203 = tpu.memref_squeeze %dma_start3A_202 : memref<1x32x1024xf32, #tpu.memory_space<vmem>> -> memref<32x1024xf32, #tpu.memory_space<vmem>>
    %dma_start3A_204 = arith.constant 0 : i32
    %dma_start3A_205 = tpu.memref_slice %arg2[%add3A_198, %dma_start3A_204] : memref<8192x1024xf32, #tpu.memory_space<hbm>> -> memref<32x1024xf32, #tpu.memory_space<hbm>>
    %dma_start3A_206 = arith.constant 0 : i32
    %dma_start3A_207 = arith.constant 0 : i32
    %dma_start3A_208 = tpu.memref_slice %arg4[%dma_start3A_199, %dma_start3A_206, %dma_start3A_207] : memref<2x32x1024xf32, #tpu.memory_space<vmem>> -> memref<1x32x1024xf32, #tpu.memory_space<vmem>>
    %dma_start3A_209 = tpu.memref_squeeze %dma_start3A_208 : memref<1x32x1024xf32, #tpu.memory_space<vmem>> -> memref<32x1024xf32, #tpu.memory_space<vmem>>
    %dma_start3A_210 = arith.constant 0 : i32
    %dma_start3A_211 = tpu.memref_slice %arg2[%add3A_198, %dma_start3A_210] : memref<8192x1024xf32, #tpu.memory_space<hbm>> -> memref<32x1024xf32, #tpu.memory_space<hbm>>
    tpu.enqueue_dma source(%dma_start3A_211 : memref<32x1024xf32, #tpu.memory_space<hbm>>) target(%dma_start3A_209 : memref<32x1024xf32, #tpu.memory_space<vmem>>) target_semaphore(%arg5 : memref<!tpu.dma_semaphore, #tpu.memory_space<semaphore_mem>>)
    %add3A_212 = arith.constant 32 : i32
    %add3A_213 = arith.addi %mul3A_2, %add3A_212 : i32
    %dma_start3A_214 = arith.constant 1 : i32
    %dma_start3A_215 = arith.constant 0 : i32
    %dma_start3A_216 = arith.constant 0 : i32
    %dma_start3A_217 = arith.constant 0 : i32
    %dma_start3A_218 = tpu.memref_slice %arg4[%dma_start3A_214, %dma_start3A_216, %dma_start3A_217] : memref<2x32x1024xf32, #tpu.memory_space<vmem>> -> memref<1x32x1024xf32, #tpu.memory_space<vmem>>
    %dma_start3A_219 = tpu.memref_squeeze %dma_start3A_218 : memref<1x32x1024xf32, #tpu.memory_space<vmem>> -> memref<32x1024xf32, #tpu.memory_space<vmem>>
    %dma_start3A_220 = arith.constant 0 : i32
    %dma_start3A_221 = tpu.memref_slice %arg3[%dma_start3A_215, %add3A_213, %dma_start3A_220] : memref<4x8192x1024xf32, #tpu.memory_space<hbm>> -> memref<1x32x1024xf32, #tpu.memory_space<hbm>>
    %dma_start3A_222 = tpu.memref_squeeze %dma_start3A_221 : memref<1x32x1024xf32, #tpu.memory_space<hbm>> -> memref<32x1024xf32, #tpu.memory_space<hbm>>
    %dma_start3A_223 = arith.constant 0 : i32
    %dma_start3A_224 = tpu.memref_slice %arg3[%dma_start3A_215, %add3A_213, %dma_start3A_223] : memref<4x8192x1024xf32, #tpu.memory_space<hbm>> -> memref<1x32x1024xf32, #tpu.memory_space<hbm>>
    %dma_start3A_225 = tpu.memref_squeeze %dma_start3A_224 : memref<1x32x1024xf32, #tpu.memory_space<hbm>> -> memref<32x1024xf32, #tpu.memory_space<hbm>>
    %dma_start3A_226 = arith.constant 0 : i32
    %dma_start3A_227 = arith.constant 0 : i32
    %dma_start3A_228 = tpu.memref_slice %arg4[%dma_start3A_214, %dma_start3A_226, %dma_start3A_227] : memref<2x32x1024xf32, #tpu.memory_space<vmem>> -> memref<1x32x1024xf32, #tpu.memory_space<vmem>>
    %dma_start3A_229 = tpu.memref_squeeze %dma_start3A_228 : memref<1x32x1024xf32, #tpu.memory_space<vmem>> -> memref<32x1024xf32, #tpu.memory_space<vmem>>
    tpu.enqueue_dma source(%dma_start3A_229 : memref<32x1024xf32, #tpu.memory_space<vmem>>) target(%dma_start3A_225 : memref<32x1024xf32, #tpu.memory_space<hbm>>) target_semaphore(%arg6 : memref<!tpu.dma_semaphore, #tpu.memory_space<semaphore_mem>>)
    %add3A_230 = arith.constant 32 : i32
    %add3A_231 = arith.addi %mul3A_2, %add3A_230 : i32
    %dma_start3A_232 = arith.constant 1 : i32
    %dma_start3A_233 = arith.constant 1 : i32
    %dma_start3A_234 = arith.constant 0 : i32
    %dma_start3A_235 = arith.constant 0 : i32
    %dma_start3A_236 = tpu.memref_slice %arg4[%dma_start3A_232, %dma_start3A_234, %dma_start3A_235] : memref<2x32x1024xf32, #tpu.memory_space<vmem>> -> memref<1x32x1024xf32, #tpu.memory_space<vmem>>
    %dma_start3A_237 = tpu.memref_squeeze %dma_start3A_236 : memref<1x32x1024xf32, #tpu.memory_space<vmem>> -> memref<32x1024xf32, #tpu.memory_space<vmem>>
    %dma_start3A_238 = arith.constant 0 : i32
    %dma_start3A_239 = tpu.memref_slice %arg3[%dma_start3A_233, %add3A_231, %dma_start3A_238] : memref<4x8192x1024xf32, #tpu.memory_space<hbm>> -> memref<1x32x1024xf32, #tpu.memory_space<hbm>>
    %dma_start3A_240 = tpu.memref_squeeze %dma_start3A_239 : memref<1x32x1024xf32, #tpu.memory_space<hbm>> -> memref<32x1024xf32, #tpu.memory_space<hbm>>
    %dma_start3A_241 = arith.constant 0 : i32
    %dma_start3A_242 = tpu.memref_slice %arg3[%dma_start3A_233, %add3A_231, %dma_start3A_241] : memref<4x8192x1024xf32, #tpu.memory_space<hbm>> -> memref<1x32x1024xf32, #tpu.memory_space<hbm>>
    %dma_start3A_243 = tpu.memref_squeeze %dma_start3A_242 : memref<1x32x1024xf32, #tpu.memory_space<hbm>> -> memref<32x1024xf32, #tpu.memory_space<hbm>>
    %dma_start3A_244 = arith.constant 0 : i32
    %dma_start3A_245 = arith.constant 0 : i32
    %dma_start3A_246 = tpu.memref_slice %arg4[%dma_start3A_232, %dma_start3A_244, %dma_start3A_245] : memref<2x32x1024xf32, #tpu.memory_space<vmem>> -> memref<1x32x1024xf32, #tpu.memory_space<vmem>>
    %dma_start3A_247 = tpu.memref_squeeze %dma_start3A_246 : memref<1x32x1024xf32, #tpu.memory_space<vmem>> -> memref<32x1024xf32, #tpu.memory_space<vmem>>
    tpu.enqueue_dma source(%dma_start3A_247 : memref<32x1024xf32, #tpu.memory_space<vmem>>) target(%dma_start3A_243 : memref<32x1024xf32, #tpu.memory_space<hbm>>) target_semaphore(%arg6 : memref<!tpu.dma_semaphore, #tpu.memory_space<semaphore_mem>>)
    %add3A_248 = arith.constant 32 : i32
    %add3A_249 = arith.addi %mul3A_2, %add3A_248 : i32
    %dma_start3A_250 = arith.constant 1 : i32
    %dma_start3A_251 = arith.constant 2 : i32
    %dma_start3A_252 = arith.constant 0 : i32
    %dma_start3A_253 = arith.constant 0 : i32
    %dma_start3A_254 = tpu.memref_slice %arg4[%dma_start3A_250, %dma_start3A_252, %dma_start3A_253] : memref<2x32x1024xf32, #tpu.memory_space<vmem>> -> memref<1x32x1024xf32, #tpu.memory_space<vmem>>
    %dma_start3A_255 = tpu.memref_squeeze %dma_start3A_254 : memref<1x32x1024xf32, #tpu.memory_space<vmem>> -> memref<32x1024xf32, #tpu.memory_space<vmem>>
    %dma_start3A_256 = arith.constant 0 : i32
    %dma_start3A_257 = tpu.memref_slice %arg3[%dma_start3A_251, %add3A_249, %dma_start3A_256] : memref<4x8192x1024xf32, #tpu.memory_space<hbm>> -> memref<1x32x1024xf32, #tpu.memory_space<hbm>>
    %dma_start3A_258 = tpu.memref_squeeze %dma_start3A_257 : memref<1x32x1024xf32, #tpu.memory_space<hbm>> -> memref<32x1024xf32, #tpu.memory_space<hbm>>
    %dma_start3A_259 = arith.constant 0 : i32
    %dma_start3A_260 = tpu.memref_slice %arg3[%dma_start3A_251, %add3A_249, %dma_start3A_259] : memref<4x8192x1024xf32, #tpu.memory_space<hbm>> -> memref<1x32x1024xf32, #tpu.memory_space<hbm>>
    %dma_start3A_261 = tpu.memref_squeeze %dma_start3A_260 : memref<1x32x1024xf32, #tpu.memory_space<hbm>> -> memref<32x1024xf32, #tpu.memory_space<hbm>>
    %dma_start3A_262 = arith.constant 0 : i32
    %dma_start3A_263 = arith.constant 0 : i32
    %dma_start3A_264 = tpu.memref_slice %arg4[%dma_start3A_250, %dma_start3A_262, %dma_start3A_263] : memref<2x32x1024xf32, #tpu.memory_space<vmem>> -> memref<1x32x1024xf32, #tpu.memory_space<vmem>>
    %dma_start3A_265 = tpu.memref_squeeze %dma_start3A_264 : memref<1x32x1024xf32, #tpu.memory_space<vmem>> -> memref<32x1024xf32, #tpu.memory_space<vmem>>
    tpu.enqueue_dma source(%dma_start3A_265 : memref<32x1024xf32, #tpu.memory_space<vmem>>) target(%dma_start3A_261 : memref<32x1024xf32, #tpu.memory_space<hbm>>) target_semaphore(%arg6 : memref<!tpu.dma_semaphore, #tpu.memory_space<semaphore_mem>>)
    %add3A_266 = arith.constant 32 : i32
    %add3A_267 = arith.addi %mul3A_2, %add3A_266 : i32
    %dma_start3A_268 = arith.constant 1 : i32
    %dma_start3A_269 = arith.constant 3 : i32
    %dma_start3A_270 = arith.constant 0 : i32
    %dma_start3A_271 = arith.constant 0 : i32
    %dma_start3A_272 = tpu.memref_slice %arg4[%dma_start3A_268, %dma_start3A_270, %dma_start3A_271] : memref<2x32x1024xf32, #tpu.memory_space<vmem>> -> memref<1x32x1024xf32, #tpu.memory_space<vmem>>
    %dma_start3A_273 = tpu.memref_squeeze %dma_start3A_272 : memref<1x32x1024xf32, #tpu.memory_space<vmem>> -> memref<32x1024xf32, #tpu.memory_space<vmem>>
    %dma_start3A_274 = arith.constant 0 : i32
    %dma_start3A_275 = tpu.memref_slice %arg3[%dma_start3A_269, %add3A_267, %dma_start3A_274] : memref<4x8192x1024xf32, #tpu.memory_space<hbm>> -> memref<1x32x1024xf32, #tpu.memory_space<hbm>>
    %dma_start3A_276 = tpu.memref_squeeze %dma_start3A_275 : memref<1x32x1024xf32, #tpu.memory_space<hbm>> -> memref<32x1024xf32, #tpu.memory_space<hbm>>
    %dma_start3A_277 = arith.constant 0 : i32
    %dma_start3A_278 = tpu.memref_slice %arg3[%dma_start3A_269, %add3A_267, %dma_start3A_277] : memref<4x8192x1024xf32, #tpu.memory_space<hbm>> -> memref<1x32x1024xf32, #tpu.memory_space<hbm>>
    %dma_start3A_279 = tpu.memref_squeeze %dma_start3A_278 : memref<1x32x1024xf32, #tpu.memory_space<hbm>> -> memref<32x1024xf32, #tpu.memory_space<hbm>>
    %dma_start3A_280 = arith.constant 0 : i32
    %dma_start3A_281 = arith.constant 0 : i32
    %dma_start3A_282 = tpu.memref_slice %arg4[%dma_start3A_268, %dma_start3A_280, %dma_start3A_281] : memref<2x32x1024xf32, #tpu.memory_space<vmem>> -> memref<1x32x1024xf32, #tpu.memory_space<vmem>>
    %dma_start3A_283 = tpu.memref_squeeze %dma_start3A_282 : memref<1x32x1024xf32, #tpu.memory_space<vmem>> -> memref<32x1024xf32, #tpu.memory_space<vmem>>
    tpu.enqueue_dma source(%dma_start3A_283 : memref<32x1024xf32, #tpu.memory_space<vmem>>) target(%dma_start3A_279 : memref<32x1024xf32, #tpu.memory_space<hbm>>) target_semaphore(%arg6 : memref<!tpu.dma_semaphore, #tpu.memory_space<semaphore_mem>>)
    %dma_wait3A_284 = arith.constant 1 : i32
    %dma_wait3A_285 = arith.constant 0 : i32
    %dma_wait3A_286 = arith.constant 0 : i32
    %dma_wait3A_287 = arith.constant 0 : i32
    %dma_wait3A_288 = tpu.memref_slice %arg4[%dma_wait3A_284, %dma_wait3A_286, %dma_wait3A_287] : memref<2x32x1024xf32, #tpu.memory_space<vmem>> -> memref<1x32x1024xf32, #tpu.memory_space<vmem>>
    %dma_wait3A_289 = tpu.memref_squeeze %dma_wait3A_288 : memref<1x32x1024xf32, #tpu.memory_space<vmem>> -> memref<32x1024xf32, #tpu.memory_space<vmem>>
    %dma_wait3A_290 = arith.constant 0 : i32
    %dma_wait3A_291 = tpu.memref_slice %arg3[%dma_wait3A_285, %mul3A_2, %dma_wait3A_290] : memref<4x8192x1024xf32, #tpu.memory_space<hbm>> -> memref<1x32x1024xf32, #tpu.memory_space<hbm>>
    %dma_wait3A_292 = tpu.memref_squeeze %dma_wait3A_291 : memref<1x32x1024xf32, #tpu.memory_space<hbm>> -> memref<32x1024xf32, #tpu.memory_space<hbm>>
    %dma_wait3A_293 = arith.constant 0 : i32
    %dma_wait3A_294 = tpu.memref_slice %arg3[%dma_wait3A_285, %mul3A_2, %dma_wait3A_293] : memref<4x8192x1024xf32, #tpu.memory_space<hbm>> -> memref<1x32x1024xf32, #tpu.memory_space<hbm>>
    %dma_wait3A_295 = tpu.memref_squeeze %dma_wait3A_294 : memref<1x32x1024xf32, #tpu.memory_space<hbm>> -> memref<32x1024xf32, #tpu.memory_space<hbm>>
    %dma_wait3A_296 = arith.constant 0 : i32
    %dma_wait3A_297 = arith.constant 0 : i32
    %dma_wait3A_298 = tpu.memref_slice %arg4[%dma_wait3A_284, %dma_wait3A_296, %dma_wait3A_297] : memref<2x32x1024xf32, #tpu.memory_space<vmem>> -> memref<1x32x1024xf32, #tpu.memory_space<vmem>>
    %dma_wait3A_299 = tpu.memref_squeeze %dma_wait3A_298 : memref<1x32x1024xf32, #tpu.memory_space<vmem>> -> memref<32x1024xf32, #tpu.memory_space<vmem>>
    tpu.wait_dma2 semaphore(%arg6 : memref<!tpu.dma_semaphore, #tpu.memory_space<semaphore_mem>>) src(%dma_wait3A_299 : memref<32x1024xf32, #tpu.memory_space<vmem>>) dst(%dma_wait3A_295 : memref<32x1024xf32, #tpu.memory_space<hbm>>)
    %dma_wait3A_300 = arith.constant 1 : i32
    %dma_wait3A_301 = arith.constant 0 : i32
    %dma_wait3A_302 = arith.constant 0 : i32
    %dma_wait3A_303 = arith.constant 0 : i32
    %dma_wait3A_304 = tpu.memref_slice %arg4[%dma_wait3A_300, %dma_wait3A_302, %dma_wait3A_303] : memref<2x32x1024xf32, #tpu.memory_space<vmem>> -> memref<1x32x1024xf32, #tpu.memory_space<vmem>>
    %dma_wait3A_305 = tpu.memref_squeeze %dma_wait3A_304 : memref<1x32x1024xf32, #tpu.memory_space<vmem>> -> memref<32x1024xf32, #tpu.memory_space<vmem>>
    %dma_wait3A_306 = arith.constant 0 : i32
    %dma_wait3A_307 = tpu.memref_slice %arg3[%dma_wait3A_301, %mul3A_2, %dma_wait3A_306] : memref<4x8192x1024xf32, #tpu.memory_space<hbm>> -> memref<1x32x1024xf32, #tpu.memory_space<hbm>>
    %dma_wait3A_308 = tpu.memref_squeeze %dma_wait3A_307 : memref<1x32x1024xf32, #tpu.memory_space<hbm>> -> memref<32x1024xf32, #tpu.memory_space<hbm>>
    %dma_wait3A_309 = arith.constant 0 : i32
    %dma_wait3A_310 = tpu.memref_slice %arg3[%dma_wait3A_301, %mul3A_2, %dma_wait3A_309] : memref<4x8192x1024xf32, #tpu.memory_space<hbm>> -> memref<1x32x1024xf32, #tpu.memory_space<hbm>>
    %dma_wait3A_311 = tpu.memref_squeeze %dma_wait3A_310 : memref<1x32x1024xf32, #tpu.memory_space<hbm>> -> memref<32x1024xf32, #tpu.memory_space<hbm>>
    %dma_wait3A_312 = arith.constant 0 : i32
    %dma_wait3A_313 = arith.constant 0 : i32
    %dma_wait3A_314 = tpu.memref_slice %arg4[%dma_wait3A_300, %dma_wait3A_312, %dma_wait3A_313] : memref<2x32x1024xf32, #tpu.memory_space<vmem>> -> memref<1x32x1024xf32, #tpu.memory_space<vmem>>
    %dma_wait3A_315 = tpu.memref_squeeze %dma_wait3A_314 : memref<1x32x1024xf32, #tpu.memory_space<vmem>> -> memref<32x1024xf32, #tpu.memory_space<vmem>>
    tpu.wait_dma2 semaphore(%arg6 : memref<!tpu.dma_semaphore, #tpu.memory_space<semaphore_mem>>) src(%dma_wait3A_315 : memref<32x1024xf32, #tpu.memory_space<vmem>>) dst(%dma_wait3A_311 : memref<32x1024xf32, #tpu.memory_space<hbm>>)
    %dma_wait3A_316 = arith.constant 1 : i32
    %dma_wait3A_317 = arith.constant 0 : i32
    %dma_wait3A_318 = arith.constant 0 : i32
    %dma_wait3A_319 = arith.constant 0 : i32
    %dma_wait3A_320 = tpu.memref_slice %arg4[%dma_wait3A_316, %dma_wait3A_318, %dma_wait3A_319] : memref<2x32x1024xf32, #tpu.memory_space<vmem>> -> memref<1x32x1024xf32, #tpu.memory_space<vmem>>
    %dma_wait3A_321 = tpu.memref_squeeze %dma_wait3A_320 : memref<1x32x1024xf32, #tpu.memory_space<vmem>> -> memref<32x1024xf32, #tpu.memory_space<vmem>>
    %dma_wait3A_322 = arith.constant 0 : i32
    %dma_wait3A_323 = tpu.memref_slice %arg3[%dma_wait3A_317, %mul3A_2, %dma_wait3A_322] : memref<4x8192x1024xf32, #tpu.memory_space<hbm>> -> memref<1x32x1024xf32, #tpu.memory_space<hbm>>
    %dma_wait3A_324 = tpu.memref_squeeze %dma_wait3A_323 : memref<1x32x1024xf32, #tpu.memory_space<hbm>> -> memref<32x1024xf32, #tpu.memory_space<hbm>>
    %dma_wait3A_325 = arith.constant 0 : i32
    %dma_wait3A_326 = tpu.memref_slice %arg3[%dma_wait3A_317, %mul3A_2, %dma_wait3A_325] : memref<4x8192x1024xf32, #tpu.memory_space<hbm>> -> memref<1x32x1024xf32, #tpu.memory_space<hbm>>
    %dma_wait3A_327 = tpu.memref_squeeze %dma_wait3A_326 : memref<1x32x1024xf32, #tpu.memory_space<hbm>> -> memref<32x1024xf32, #tpu.memory_space<hbm>>
    %dma_wait3A_328 = arith.constant 0 : i32
    %dma_wait3A_329 = arith.constant 0 : i32
    %dma_wait3A_330 = tpu.memref_slice %arg4[%dma_wait3A_316, %dma_wait3A_328, %dma_wait3A_329] : memref<2x32x1024xf32, #tpu.memory_space<vmem>> -> memref<1x32x1024xf32, #tpu.memory_space<vmem>>
    %dma_wait3A_331 = tpu.memref_squeeze %dma_wait3A_330 : memref<1x32x1024xf32, #tpu.memory_space<vmem>> -> memref<32x1024xf32, #tpu.memory_space<vmem>>
    tpu.wait_dma2 semaphore(%arg6 : memref<!tpu.dma_semaphore, #tpu.memory_space<semaphore_mem>>) src(%dma_wait3A_331 : memref<32x1024xf32, #tpu.memory_space<vmem>>) dst(%dma_wait3A_327 : memref<32x1024xf32, #tpu.memory_space<hbm>>)
    %dma_wait3A_332 = arith.constant 1 : i32
    %dma_wait3A_333 = arith.constant 0 : i32
    %dma_wait3A_334 = arith.constant 0 : i32
    %dma_wait3A_335 = arith.constant 0 : i32
    %dma_wait3A_336 = tpu.memref_slice %arg4[%dma_wait3A_332, %dma_wait3A_334, %dma_wait3A_335] : memref<2x32x1024xf32, #tpu.memory_space<vmem>> -> memref<1x32x1024xf32, #tpu.memory_space<vmem>>
    %dma_wait3A_337 = tpu.memref_squeeze %dma_wait3A_336 : memref<1x32x1024xf32, #tpu.memory_space<vmem>> -> memref<32x1024xf32, #tpu.memory_space<vmem>>
    %dma_wait3A_338 = arith.constant 0 : i32
    %dma_wait3A_339 = tpu.memref_slice %arg3[%dma_wait3A_333, %mul3A_2, %dma_wait3A_338] : memref<4x8192x1024xf32, #tpu.memory_space<hbm>> -> memref<1x32x1024xf32, #tpu.memory_space<hbm>>
    %dma_wait3A_340 = tpu.memref_squeeze %dma_wait3A_339 : memref<1x32x1024xf32, #tpu.memory_space<hbm>> -> memref<32x1024xf32, #tpu.memory_space<hbm>>
    %dma_wait3A_341 = arith.constant 0 : i32
    %dma_wait3A_342 = tpu.memref_slice %arg3[%dma_wait3A_333, %mul3A_2, %dma_wait3A_341] : memref<4x8192x1024xf32, #tpu.memory_space<hbm>> -> memref<1x32x1024xf32, #tpu.memory_space<hbm>>
    %dma_wait3A_343 = tpu.memref_squeeze %dma_wait3A_342 : memref<1x32x1024xf32, #tpu.memory_space<hbm>> -> memref<32x1024xf32, #tpu.memory_space<hbm>>
    %dma_wait3A_344 = arith.constant 0 : i32
    %dma_wait3A_345 = arith.constant 0 : i32
    %dma_wait3A_346 = tpu.memref_slice %arg4[%dma_wait3A_332, %dma_wait3A_344, %dma_wait3A_345] : memref<2x32x1024xf32, #tpu.memory_space<vmem>> -> memref<1x32x1024xf32, #tpu.memory_space<vmem>>
    %dma_wait3A_347 = tpu.memref_squeeze %dma_wait3A_346 : memref<1x32x1024xf32, #tpu.memory_space<vmem>> -> memref<32x1024xf32, #tpu.memory_space<vmem>>
    tpu.wait_dma2 semaphore(%arg6 : memref<!tpu.dma_semaphore, #tpu.memory_space<semaphore_mem>>) src(%dma_wait3A_347 : memref<32x1024xf32, #tpu.memory_space<vmem>>) dst(%dma_wait3A_343 : memref<32x1024xf32, #tpu.memory_space<hbm>>)
    %add3A_348 = arith.constant 64 : i32
    %add3A_349 = arith.addi %mul3A_2, %add3A_348 : i32
    %dma_wait3A_350 = arith.constant 0 : i32
    %dma_wait3A_351 = arith.constant 0 : i32
    %dma_wait3A_352 = arith.constant 0 : i32
    %dma_wait3A_353 = tpu.memref_slice %arg4[%dma_wait3A_350, %dma_wait3A_351, %dma_wait3A_352] : memref<2x32x1024xf32, #tpu.memory_space<vmem>> -> memref<1x32x1024xf32, #tpu.memory_space<vmem>>
    %dma_wait3A_354 = tpu.memref_squeeze %dma_wait3A_353 : memref<1x32x1024xf32, #tpu.memory_space<vmem>> -> memref<32x1024xf32, #tpu.memory_space<vmem>>
    %dma_wait3A_355 = arith.constant 0 : i32
    %dma_wait3A_356 = tpu.memref_slice %arg2[%add3A_349, %dma_wait3A_355] : memref<8192x1024xf32, #tpu.memory_space<hbm>> -> memref<32x1024xf32, #tpu.memory_space<hbm>>
    %dma_wait3A_357 = arith.constant 0 : i32
    %dma_wait3A_358 = arith.constant 0 : i32
    %dma_wait3A_359 = tpu.memref_slice %arg4[%dma_wait3A_350, %dma_wait3A_357, %dma_wait3A_358] : memref<2x32x1024xf32, #tpu.memory_space<vmem>> -> memref<1x32x1024xf32, #tpu.memory_space<vmem>>
    %dma_wait3A_360 = tpu.memref_squeeze %dma_wait3A_359 : memref<1x32x1024xf32, #tpu.memory_space<vmem>> -> memref<32x1024xf32, #tpu.memory_space<vmem>>
    %dma_wait3A_361 = arith.constant 0 : i32
    %dma_wait3A_362 = tpu.memref_slice %arg2[%add3A_349, %dma_wait3A_361] : memref<8192x1024xf32, #tpu.memory_space<hbm>> -> memref<32x1024xf32, #tpu.memory_space<hbm>>
    tpu.wait_dma2 semaphore(%arg5 : memref<!tpu.dma_semaphore, #tpu.memory_space<semaphore_mem>>) src(%dma_wait3A_362 : memref<32x1024xf32, #tpu.memory_space<hbm>>) dst(%dma_wait3A_360 : memref<32x1024xf32, #tpu.memory_space<vmem>>)
    %add3A_363 = arith.constant 96 : i32
    %add3A_364 = arith.addi %mul3A_2, %add3A_363 : i32
    %dma_start3A_365 = arith.constant 1 : i32
    %dma_start3A_366 = arith.constant 0 : i32
    %dma_start3A_367 = arith.constant 0 : i32
    %dma_start3A_368 = tpu.memref_slice %arg4[%dma_start3A_365, %dma_start3A_366, %dma_start3A_367] : memref<2x32x1024xf32, #tpu.memory_space<vmem>> -> memref<1x32x1024xf32, #tpu.memory_space<vmem>>
    %dma_start3A_369 = tpu.memref_squeeze %dma_start3A_368 : memref<1x32x1024xf32, #tpu.memory_space<vmem>> -> memref<32x1024xf32, #tpu.memory_space<vmem>>
    %dma_start3A_370 = arith.constant 0 : i32
    %dma_start3A_371 = tpu.memref_slice %arg2[%add3A_364, %dma_start3A_370] : memref<8192x1024xf32, #tpu.memory_space<hbm>> -> memref<32x1024xf32, #tpu.memory_space<hbm>>
    %dma_start3A_372 = arith.constant 0 : i32
    %dma_start3A_373 = arith.constant 0 : i32
    %dma_start3A_374 = tpu.memref_slice %arg4[%dma_start3A_365, %dma_start3A_372, %dma_start3A_373] : memref<2x32x1024xf32, #tpu.memory_space<vmem>> -> memref<1x32x1024xf32, #tpu.memory_space<vmem>>
    %dma_start3A_375 = tpu.memref_squeeze %dma_start3A_374 : memref<1x32x1024xf32, #tpu.memory_space<vmem>> -> memref<32x1024xf32, #tpu.memory_space<vmem>>
    %dma_start3A_376 = arith.constant 0 : i32
    %dma_start3A_377 = tpu.memref_slice %arg2[%add3A_364, %dma_start3A_376] : memref<8192x1024xf32, #tpu.memory_space<hbm>> -> memref<32x1024xf32, #tpu.memory_space<hbm>>
    tpu.enqueue_dma source(%dma_start3A_377 : memref<32x1024xf32, #tpu.memory_space<hbm>>) target(%dma_start3A_375 : memref<32x1024xf32, #tpu.memory_space<vmem>>) target_semaphore(%arg5 : memref<!tpu.dma_semaphore, #tpu.memory_space<semaphore_mem>>)
    %add3A_378 = arith.constant 64 : i32
    %add3A_379 = arith.addi %mul3A_2, %add3A_378 : i32
    %dma_start3A_380 = arith.constant 0 : i32
    %dma_start3A_381 = arith.constant 0 : i32
    %dma_start3A_382 = arith.constant 0 : i32
    %dma_start3A_383 = arith.constant 0 : i32
    %dma_start3A_384 = tpu.memref_slice %arg4[%dma_start3A_380, %dma_start3A_382, %dma_start3A_383] : memref<2x32x1024xf32, #tpu.memory_space<vmem>> -> memref<1x32x1024xf32, #tpu.memory_space<vmem>>
    %dma_start3A_385 = tpu.memref_squeeze %dma_start3A_384 : memref<1x32x1024xf32, #tpu.memory_space<vmem>> -> memref<32x1024xf32, #tpu.memory_space<vmem>>
    %dma_start3A_386 = arith.constant 0 : i32
    %dma_start3A_387 = tpu.memref_slice %arg3[%dma_start3A_381, %add3A_379, %dma_start3A_386] : memref<4x8192x1024xf32, #tpu.memory_space<hbm>> -> memref<1x32x1024xf32, #tpu.memory_space<hbm>>
    %dma_start3A_388 = tpu.memref_squeeze %dma_start3A_387 : memref<1x32x1024xf32, #tpu.memory_space<hbm>> -> memref<32x1024xf32, #tpu.memory_space<hbm>>
    %dma_start3A_389 = arith.constant 0 : i32
    %dma_start3A_390 = tpu.memref_slice %arg3[%dma_start3A_381, %add3A_379, %dma_start3A_389] : memref<4x8192x1024xf32, #tpu.memory_space<hbm>> -> memref<1x32x1024xf32, #tpu.memory_space<hbm>>
    %dma_start3A_391 = tpu.memref_squeeze %dma_start3A_390 : memref<1x32x1024xf32, #tpu.memory_space<hbm>> -> memref<32x1024xf32, #tpu.memory_space<hbm>>
    %dma_start3A_392 = arith.constant 0 : i32
    %dma_start3A_393 = arith.constant 0 : i32
    %dma_start3A_394 = tpu.memref_slice %arg4[%dma_start3A_380, %dma_start3A_392, %dma_start3A_393] : memref<2x32x1024xf32, #tpu.memory_space<vmem>> -> memref<1x32x1024xf32, #tpu.memory_space<vmem>>
    %dma_start3A_395 = tpu.memref_squeeze %dma_start3A_394 : memref<1x32x1024xf32, #tpu.memory_space<vmem>> -> memref<32x1024xf32, #tpu.memory_space<vmem>>
    tpu.enqueue_dma source(%dma_start3A_395 : memref<32x1024xf32, #tpu.memory_space<vmem>>) target(%dma_start3A_391 : memref<32x1024xf32, #tpu.memory_space<hbm>>) target_semaphore(%arg6 : memref<!tpu.dma_semaphore, #tpu.memory_space<semaphore_mem>>)
    %add3A_396 = arith.constant 64 : i32
    %add3A_397 = arith.addi %mul3A_2, %add3A_396 : i32
    %dma_start3A_398 = arith.constant 0 : i32
    %dma_start3A_399 = arith.constant 1 : i32
    %dma_start3A_400 = arith.constant 0 : i32
    %dma_start3A_401 = arith.constant 0 : i32
    %dma_start3A_402 = tpu.memref_slice %arg4[%dma_start3A_398, %dma_start3A_400, %dma_start3A_401] : memref<2x32x1024xf32, #tpu.memory_space<vmem>> -> memref<1x32x1024xf32, #tpu.memory_space<vmem>>
    %dma_start3A_403 = tpu.memref_squeeze %dma_start3A_402 : memref<1x32x1024xf32, #tpu.memory_space<vmem>> -> memref<32x1024xf32, #tpu.memory_space<vmem>>
    %dma_start3A_404 = arith.constant 0 : i32
    %dma_start3A_405 = tpu.memref_slice %arg3[%dma_start3A_399, %add3A_397, %dma_start3A_404] : memref<4x8192x1024xf32, #tpu.memory_space<hbm>> -> memref<1x32x1024xf32, #tpu.memory_space<hbm>>
    %dma_start3A_406 = tpu.memref_squeeze %dma_start3A_405 : memref<1x32x1024xf32, #tpu.memory_space<hbm>> -> memref<32x1024xf32, #tpu.memory_space<hbm>>
    %dma_start3A_407 = arith.constant 0 : i32
    %dma_start3A_408 = tpu.memref_slice %arg3[%dma_start3A_399, %add3A_397, %dma_start3A_407] : memref<4x8192x1024xf32, #tpu.memory_space<hbm>> -> memref<1x32x1024xf32, #tpu.memory_space<hbm>>
    %dma_start3A_409 = tpu.memref_squeeze %dma_start3A_408 : memref<1x32x1024xf32, #tpu.memory_space<hbm>> -> memref<32x1024xf32, #tpu.memory_space<hbm>>
    %dma_start3A_410 = arith.constant 0 : i32
    %dma_start3A_411 = arith.constant 0 : i32
    %dma_start3A_412 = tpu.memref_slice %arg4[%dma_start3A_398, %dma_start3A_410, %dma_start3A_411] : memref<2x32x1024xf32, #tpu.memory_space<vmem>> -> memref<1x32x1024xf32, #tpu.memory_space<vmem>>
    %dma_start3A_413 = tpu.memref_squeeze %dma_start3A_412 : memref<1x32x1024xf32, #tpu.memory_space<vmem>> -> memref<32x1024xf32, #tpu.memory_space<vmem>>
    tpu.enqueue_dma source(%dma_start3A_413 : memref<32x1024xf32, #tpu.memory_space<vmem>>) target(%dma_start3A_409 : memref<32x1024xf32, #tpu.memory_space<hbm>>) target_semaphore(%arg6 : memref<!tpu.dma_semaphore, #tpu.memory_space<semaphore_mem>>)
    %add3A_414 = arith.constant 64 : i32
    %add3A_415 = arith.addi %mul3A_2, %add3A_414 : i32
    %dma_start3A_416 = arith.constant 0 : i32
    %dma_start3A_417 = arith.constant 2 : i32
    %dma_start3A_418 = arith.constant 0 : i32
    %dma_start3A_419 = arith.constant 0 : i32
    %dma_start3A_420 = tpu.memref_slice %arg4[%dma_start3A_416, %dma_start3A_418, %dma_start3A_419] : memref<2x32x1024xf32, #tpu.memory_space<vmem>> -> memref<1x32x1024xf32, #tpu.memory_space<vmem>>
    %dma_start3A_421 = tpu.memref_squeeze %dma_start3A_420 : memref<1x32x1024xf32, #tpu.memory_space<vmem>> -> memref<32x1024xf32, #tpu.memory_space<vmem>>
    %dma_start3A_422 = arith.constant 0 : i32
    %dma_start3A_423 = tpu.memref_slice %arg3[%dma_start3A_417, %add3A_415, %dma_start3A_422] : memref<4x8192x1024xf32, #tpu.memory_space<hbm>> -> memref<1x32x1024xf32, #tpu.memory_space<hbm>>
    %dma_start3A_424 = tpu.memref_squeeze %dma_start3A_423 : memref<1x32x1024xf32, #tpu.memory_space<hbm>> -> memref<32x1024xf32, #tpu.memory_space<hbm>>
    %dma_start3A_425 = arith.constant 0 : i32
    %dma_start3A_426 = tpu.memref_slice %arg3[%dma_start3A_417, %add3A_415, %dma_start3A_425] : memref<4x8192x1024xf32, #tpu.memory_space<hbm>> -> memref<1x32x1024xf32, #tpu.memory_space<hbm>>
    %dma_start3A_427 = tpu.memref_squeeze %dma_start3A_426 : memref<1x32x1024xf32, #tpu.memory_space<hbm>> -> memref<32x1024xf32, #tpu.memory_space<hbm>>
    %dma_start3A_428 = arith.constant 0 : i32
    %dma_start3A_429 = arith.constant 0 : i32
    %dma_start3A_430 = tpu.memref_slice %arg4[%dma_start3A_416, %dma_start3A_428, %dma_start3A_429] : memref<2x32x1024xf32, #tpu.memory_space<vmem>> -> memref<1x32x1024xf32, #tpu.memory_space<vmem>>
    %dma_start3A_431 = tpu.memref_squeeze %dma_start3A_430 : memref<1x32x1024xf32, #tpu.memory_space<vmem>> -> memref<32x1024xf32, #tpu.memory_space<vmem>>
    tpu.enqueue_dma source(%dma_start3A_431 : memref<32x1024xf32, #tpu.memory_space<vmem>>) target(%dma_start3A_427 : memref<32x1024xf32, #tpu.memory_space<hbm>>) target_semaphore(%arg6 : memref<!tpu.dma_semaphore, #tpu.memory_space<semaphore_mem>>)
    %add3A_432 = arith.constant 64 : i32
    %add3A_433 = arith.addi %mul3A_2, %add3A_432 : i32
    %dma_start3A_434 = arith.constant 0 : i32
    %dma_start3A_435 = arith.constant 3 : i32
    %dma_start3A_436 = arith.constant 0 : i32
    %dma_start3A_437 = arith.constant 0 : i32
    %dma_start3A_438 = tpu.memref_slice %arg4[%dma_start3A_434, %dma_start3A_436, %dma_start3A_437] : memref<2x32x1024xf32, #tpu.memory_space<vmem>> -> memref<1x32x1024xf32, #tpu.memory_space<vmem>>
    %dma_start3A_439 = tpu.memref_squeeze %dma_start3A_438 : memref<1x32x1024xf32, #tpu.memory_space<vmem>> -> memref<32x1024xf32, #tpu.memory_space<vmem>>
    %dma_start3A_440 = arith.constant 0 : i32
    %dma_start3A_441 = tpu.memref_slice %arg3[%dma_start3A_435, %add3A_433, %dma_start3A_440] : memref<4x8192x1024xf32, #tpu.memory_space<hbm>> -> memref<1x32x1024xf32, #tpu.memory_space<hbm>>
    %dma_start3A_442 = tpu.memref_squeeze %dma_start3A_441 : memref<1x32x1024xf32, #tpu.memory_space<hbm>> -> memref<32x1024xf32, #tpu.memory_space<hbm>>
    %dma_start3A_443 = arith.constant 0 : i32
    %dma_start3A_444 = tpu.memref_slice %arg3[%dma_start3A_435, %add3A_433, %dma_start3A_443] : memref<4x8192x1024xf32, #tpu.memory_space<hbm>> -> memref<1x32x1024xf32, #tpu.memory_space<hbm>>
    %dma_start3A_445 = tpu.memref_squeeze %dma_start3A_444 : memref<1x32x1024xf32, #tpu.memory_space<hbm>> -> memref<32x1024xf32, #tpu.memory_space<hbm>>
    %dma_start3A_446 = arith.constant 0 : i32
    %dma_start3A_447 = arith.constant 0 : i32
    %dma_start3A_448 = tpu.memref_slice %arg4[%dma_start3A_434, %dma_start3A_446, %dma_start3A_447] : memref<2x32x1024xf32, #tpu.memory_space<vmem>> -> memref<1x32x1024xf32, #tpu.memory_space<vmem>>
    %dma_start3A_449 = tpu.memref_squeeze %dma_start3A_448 : memref<1x32x1024xf32, #tpu.memory_space<vmem>> -> memref<32x1024xf32, #tpu.memory_space<vmem>>
    tpu.enqueue_dma source(%dma_start3A_449 : memref<32x1024xf32, #tpu.memory_space<vmem>>) target(%dma_start3A_445 : memref<32x1024xf32, #tpu.memory_space<hbm>>) target_semaphore(%arg6 : memref<!tpu.dma_semaphore, #tpu.memory_space<semaphore_mem>>)
    %dma_wait3A_450 = arith.constant 0 : i32
    %dma_wait3A_451 = arith.constant 0 : i32
    %dma_wait3A_452 = arith.constant 0 : i32
    %dma_wait3A_453 = arith.constant 0 : i32
    %dma_wait3A_454 = tpu.memref_slice %arg4[%dma_wait3A_450, %dma_wait3A_452, %dma_wait3A_453] : memref<2x32x1024xf32, #tpu.memory_space<vmem>> -> memref<1x32x1024xf32, #tpu.memory_space<vmem>>
    %dma_wait3A_455 = tpu.memref_squeeze %dma_wait3A_454 : memref<1x32x1024xf32, #tpu.memory_space<vmem>> -> memref<32x1024xf32, #tpu.memory_space<vmem>>
    %dma_wait3A_456 = arith.constant 0 : i32
    %dma_wait3A_457 = tpu.memref_slice %arg3[%dma_wait3A_451, %mul3A_2, %dma_wait3A_456] : memref<4x8192x1024xf32, #tpu.memory_space<hbm>> -> memref<1x32x1024xf32, #tpu.memory_space<hbm>>
    %dma_wait3A_458 = tpu.memref_squeeze %dma_wait3A_457 : memref<1x32x1024xf32, #tpu.memory_space<hbm>> -> memref<32x1024xf32, #tpu.memory_space<hbm>>
    %dma_wait3A_459 = arith.constant 0 : i32
    %dma_wait3A_460 = tpu.memref_slice %arg3[%dma_wait3A_451, %mul3A_2, %dma_wait3A_459] : memref<4x8192x1024xf32, #tpu.memory_space<hbm>> -> memref<1x32x1024xf32, #tpu.memory_space<hbm>>
    %dma_wait3A_461 = tpu.memref_squeeze %dma_wait3A_460 : memref<1x32x1024xf32, #tpu.memory_space<hbm>> -> memref<32x1024xf32, #tpu.memory_space<hbm>>
    %dma_wait3A_462 = arith.constant 0 : i32
    %dma_wait3A_463 = arith.constant 0 : i32
    %dma_wait3A_464 = tpu.memref_slice %arg4[%dma_wait3A_450, %dma_wait3A_462, %dma_wait3A_463] : memref<2x32x1024xf32, #tpu.memory_space<vmem>> -> memref<1x32x1024xf32, #tpu.memory_space<vmem>>
    %dma_wait3A_465 = tpu.memref_squeeze %dma_wait3A_464 : memref<1x32x1024xf32, #tpu.memory_space<vmem>> -> memref<32x1024xf32, #tpu.memory_space<vmem>>
    tpu.wait_dma2 semaphore(%arg6 : memref<!tpu.dma_semaphore, #tpu.memory_space<semaphore_mem>>) src(%dma_wait3A_465 : memref<32x1024xf32, #tpu.memory_space<vmem>>) dst(%dma_wait3A_461 : memref<32x1024xf32, #tpu.memory_space<hbm>>)
    %dma_wait3A_466 = arith.constant 0 : i32
    %dma_wait3A_467 = arith.constant 0 : i32
    %dma_wait3A_468 = arith.constant 0 : i32
    %dma_wait3A_469 = arith.constant 0 : i32
    %dma_wait3A_470 = tpu.memref_slice %arg4[%dma_wait3A_466, %dma_wait3A_468, %dma_wait3A_469] : memref<2x32x1024xf32, #tpu.memory_space<vmem>> -> memref<1x32x1024xf32, #tpu.memory_space<vmem>>
    %dma_wait3A_471 = tpu.memref_squeeze %dma_wait3A_470 : memref<1x32x1024xf32, #tpu.memory_space<vmem>> -> memref<32x1024xf32, #tpu.memory_space<vmem>>
    %dma_wait3A_472 = arith.constant 0 : i32
    %dma_wait3A_473 = tpu.memref_slice %arg3[%dma_wait3A_467, %mul3A_2, %dma_wait3A_472] : memref<4x8192x1024xf32, #tpu.memory_space<hbm>> -> memref<1x32x1024xf32, #tpu.memory_space<hbm>>
    %dma_wait3A_474 = tpu.memref_squeeze %dma_wait3A_473 : memref<1x32x1024xf32, #tpu.memory_space<hbm>> -> memref<32x1024xf32, #tpu.memory_space<hbm>>
    %dma_wait3A_475 = arith.constant 0 : i32
    %dma_wait3A_476 = tpu.memref_slice %arg3[%dma_wait3A_467, %mul3A_2, %dma_wait3A_475] : memref<4x8192x1024xf32, #tpu.memory_space<hbm>> -> memref<1x32x1024xf32, #tpu.memory_space<hbm>>
    %dma_wait3A_477 = tpu.memref_squeeze %dma_wait3A_476 : memref<1x32x1024xf32, #tpu.memory_space<hbm>> -> memref<32x1024xf32, #tpu.memory_space<hbm>>
    %dma_wait3A_478 = arith.constant 0 : i32
    %dma_wait3A_479 = arith.constant 0 : i32
    %dma_wait3A_480 = tpu.memref_slice %arg4[%dma_wait3A_466, %dma_wait3A_478, %dma_wait3A_479] : memref<2x32x1024xf32, #tpu.memory_space<vmem>> -> memref<1x32x1024xf32, #tpu.memory_space<vmem>>
    %dma_wait3A_481 = tpu.memref_squeeze %dma_wait3A_480 : memref<1x32x1024xf32, #tpu.memory_space<vmem>> -> memref<32x1024xf32, #tpu.memory_space<vmem>>
    tpu.wait_dma2 semaphore(%arg6 : memref<!tpu.dma_semaphore, #tpu.memory_space<semaphore_mem>>) src(%dma_wait3A_481 : memref<32x1024xf32, #tpu.memory_space<vmem>>) dst(%dma_wait3A_477 : memref<32x1024xf32, #tpu.memory_space<hbm>>)
    %dma_wait3A_482 = arith.constant 0 : i32
    %dma_wait3A_483 = arith.constant 0 : i32
    %dma_wait3A_484 = arith.constant 0 : i32
    %dma_wait3A_485 = arith.constant 0 : i32
    %dma_wait3A_486 = tpu.memref_slice %arg4[%dma_wait3A_482, %dma_wait3A_484, %dma_wait3A_485] : memref<2x32x1024xf32, #tpu.memory_space<vmem>> -> memref<1x32x1024xf32, #tpu.memory_space<vmem>>
    %dma_wait3A_487 = tpu.memref_squeeze %dma_wait3A_486 : memref<1x32x1024xf32, #tpu.memory_space<vmem>> -> memref<32x1024xf32, #tpu.memory_space<vmem>>
    %dma_wait3A_488 = arith.constant 0 : i32
    %dma_wait3A_489 = tpu.memref_slice %arg3[%dma_wait3A_483, %mul3A_2, %dma_wait3A_488] : memref<4x8192x1024xf32, #tpu.memory_space<hbm>> -> memref<1x32x1024xf32, #tpu.memory_space<hbm>>
    %dma_wait3A_490 = tpu.memref_squeeze %dma_wait3A_489 : memref<1x32x1024xf32, #tpu.memory_space<hbm>> -> memref<32x1024xf32, #tpu.memory_space<hbm>>
    %dma_wait3A_491 = arith.constant 0 : i32
    %dma_wait3A_492 = tpu.memref_slice %arg3[%dma_wait3A_483, %mul3A_2, %dma_wait3A_491] : memref<4x8192x1024xf32, #tpu.memory_space<hbm>> -> memref<1x32x1024xf32, #tpu.memory_space<hbm>>
    %dma_wait3A_493 = tpu.memref_squeeze %dma_wait3A_492 : memref<1x32x1024xf32, #tpu.memory_space<hbm>> -> memref<32x1024xf32, #tpu.memory_space<hbm>>
    %dma_wait3A_494 = arith.constant 0 : i32
    %dma_wait3A_495 = arith.constant 0 : i32
    %dma_wait3A_496 = tpu.memref_slice %arg4[%dma_wait3A_482, %dma_wait3A_494, %dma_wait3A_495] : memref<2x32x1024xf32, #tpu.memory_space<vmem>> -> memref<1x32x1024xf32, #tpu.memory_space<vmem>>
    %dma_wait3A_497 = tpu.memref_squeeze %dma_wait3A_496 : memref<1x32x1024xf32, #tpu.memory_space<vmem>> -> memref<32x1024xf32, #tpu.memory_space<vmem>>
    tpu.wait_dma2 semaphore(%arg6 : memref<!tpu.dma_semaphore, #tpu.memory_space<semaphore_mem>>) src(%dma_wait3A_497 : memref<32x1024xf32, #tpu.memory_space<vmem>>) dst(%dma_wait3A_493 : memref<32x1024xf32, #tpu.memory_space<hbm>>)
    %dma_wait3A_498 = arith.constant 0 : i32
    %dma_wait3A_499 = arith.constant 0 : i32
    %dma_wait3A_500 = arith.constant 0 : i32
    %dma_wait3A_501 = arith.constant 0 : i32
    %dma_wait3A_502 = tpu.memref_slice %arg4[%dma_wait3A_498, %dma_wait3A_500, %dma_wait3A_501] : memref<2x32x1024xf32, #tpu.memory_space<vmem>> -> memref<1x32x1024xf32, #tpu.memory_space<vmem>>
    %dma_wait3A_503 = tpu.memref_squeeze %dma_wait3A_502 : memref<1x32x1024xf32, #tpu.memory_space<vmem>> -> memref<32x1024xf32, #tpu.memory_space<vmem>>
    %dma_wait3A_504 = arith.constant 0 : i32
    %dma_wait3A_505 = tpu.memref_slice %arg3[%dma_wait3A_499, %mul3A_2, %dma_wait3A_504] : memref<4x8192x1024xf32, #tpu.memory_space<hbm>> -> memref<1x32x1024xf32, #tpu.memory_space<hbm>>
    %dma_wait3A_506 = tpu.memref_squeeze %dma_wait3A_505 : memref<1x32x1024xf32, #tpu.memory_space<hbm>> -> memref<32x1024xf32, #tpu.memory_space<hbm>>
    %dma_wait3A_507 = arith.constant 0 : i32
    %dma_wait3A_508 = tpu.memref_slice %arg3[%dma_wait3A_499, %mul3A_2, %dma_wait3A_507] : memref<4x8192x1024xf32, #tpu.memory_space<hbm>> -> memref<1x32x1024xf32, #tpu.memory_space<hbm>>
    %dma_wait3A_509 = tpu.memref_squeeze %dma_wait3A_508 : memref<1x32x1024xf32, #tpu.memory_space<hbm>> -> memref<32x1024xf32, #tpu.memory_space<hbm>>
    %dma_wait3A_510 = arith.constant 0 : i32
    %dma_wait3A_511 = arith.constant 0 : i32
    %dma_wait3A_512 = tpu.memref_slice %arg4[%dma_wait3A_498, %dma_wait3A_510, %dma_wait3A_511] : memref<2x32x1024xf32, #tpu.memory_space<vmem>> -> memref<1x32x1024xf32, #tpu.memory_space<vmem>>
    %dma_wait3A_513 = tpu.memref_squeeze %dma_wait3A_512 : memref<1x32x1024xf32, #tpu.memory_space<vmem>> -> memref<32x1024xf32, #tpu.memory_space<vmem>>
    tpu.wait_dma2 semaphore(%arg6 : memref<!tpu.dma_semaphore, #tpu.memory_space<semaphore_mem>>) src(%dma_wait3A_513 : memref<32x1024xf32, #tpu.memory_space<vmem>>) dst(%dma_wait3A_509 : memref<32x1024xf32, #tpu.memory_space<hbm>>)
    %add3A_514 = arith.constant 96 : i32
    %add3A_515 = arith.addi %mul3A_2, %add3A_514 : i32
    %dma_wait3A_516 = arith.constant 1 : i32
    %dma_wait3A_517 = arith.constant 0 : i32
    %dma_wait3A_518 = arith.constant 0 : i32
    %dma_wait3A_519 = tpu.memref_slice %arg4[%dma_wait3A_516, %dma_wait3A_517, %dma_wait3A_518] : memref<2x32x1024xf32, #tpu.memory_space<vmem>> -> memref<1x32x1024xf32, #tpu.memory_space<vmem>>
    %dma_wait3A_520 = tpu.memref_squeeze %dma_wait3A_519 : memref<1x32x1024xf32, #tpu.memory_space<vmem>> -> memref<32x1024xf32, #tpu.memory_space<vmem>>
    %dma_wait3A_521 = arith.constant 0 : i32
    %dma_wait3A_522 = tpu.memref_slice %arg2[%add3A_515, %dma_wait3A_521] : memref<8192x1024xf32, #tpu.memory_space<hbm>> -> memref<32x1024xf32, #tpu.memory_space<hbm>>
    %dma_wait3A_523 = arith.constant 0 : i32
    %dma_wait3A_524 = arith.constant 0 : i32
    %dma_wait3A_525 = tpu.memref_slice %arg4[%dma_wait3A_516, %dma_wait3A_523, %dma_wait3A_524] : memref<2x32x1024xf32, #tpu.memory_space<vmem>> -> memref<1x32x1024xf32, #tpu.memory_space<vmem>>
    %dma_wait3A_526 = tpu.memref_squeeze %dma_wait3A_525 : memref<1x32x1024xf32, #tpu.memory_space<vmem>> -> memref<32x1024xf32, #tpu.memory_space<vmem>>
    %dma_wait3A_527 = arith.constant 0 : i32
    %dma_wait3A_528 = tpu.memref_slice %arg2[%add3A_515, %dma_wait3A_527] : memref<8192x1024xf32, #tpu.memory_space<hbm>> -> memref<32x1024xf32, #tpu.memory_space<hbm>>
    tpu.wait_dma2 semaphore(%arg5 : memref<!tpu.dma_semaphore, #tpu.memory_space<semaphore_mem>>) src(%dma_wait3A_528 : memref<32x1024xf32, #tpu.memory_space<hbm>>) dst(%dma_wait3A_526 : memref<32x1024xf32, #tpu.memory_space<vmem>>)
    %add3A_529 = arith.constant 128 : i32
    %add3A_530 = arith.addi %mul3A_2, %add3A_529 : i32
    %dma_start3A_531 = arith.constant 0 : i32
    %dma_start3A_532 = arith.constant 0 : i32
    %dma_start3A_533 = arith.constant 0 : i32
    %dma_start3A_534 = tpu.memref_slice %arg4[%dma_start3A_531, %dma_start3A_532, %dma_start3A_533] : memref<2x32x1024xf32, #tpu.memory_space<vmem>> -> memref<1x32x1024xf32, #tpu.memory_space<vmem>>
    %dma_start3A_535 = tpu.memref_squeeze %dma_start3A_534 : memref<1x32x1024xf32, #tpu.memory_space<vmem>> -> memref<32x1024xf32, #tpu.memory_space<vmem>>
    %dma_start3A_536 = arith.constant 0 : i32
    %dma_start3A_537 = tpu.memref_slice %arg2[%add3A_530, %dma_start3A_536] : memref<8192x1024xf32, #tpu.memory_space<hbm>> -> memref<32x1024xf32, #tpu.memory_space<hbm>>
    %dma_start3A_538 = arith.constant 0 : i32
    %dma_start3A_539 = arith.constant 0 : i32
    %dma_start3A_540 = tpu.memref_slice %arg4[%dma_start3A_531, %dma_start3A_538, %dma_start3A_539] : memref<2x32x1024xf32, #tpu.memory_space<vmem>> -> memref<1x32x1024xf32, #tpu.memory_space<vmem>>
    %dma_start3A_541 = tpu.memref_squeeze %dma_start3A_540 : memref<1x32x1024xf32, #tpu.memory_space<vmem>> -> memref<32x1024xf32, #tpu.memory_space<vmem>>
    %dma_start3A_542 = arith.constant 0 : i32
    %dma_start3A_543 = tpu.memref_slice %arg2[%add3A_530, %dma_start3A_542] : memref<8192x1024xf32, #tpu.memory_space<hbm>> -> memref<32x1024xf32, #tpu.memory_space<hbm>>
    tpu.enqueue_dma source(%dma_start3A_543 : memref<32x1024xf32, #tpu.memory_space<hbm>>) target(%dma_start3A_541 : memref<32x1024xf32, #tpu.memory_space<vmem>>) target_semaphore(%arg5 : memref<!tpu.dma_semaphore, #tpu.memory_space<semaphore_mem>>)
    %add3A_544 = arith.constant 96 : i32
    %add3A_545 = arith.addi %mul3A_2, %add3A_544 : i32
    %dma_start3A_546 = arith.constant 1 : i32
    %dma_start3A_547 = arith.constant 0 : i32
    %dma_start3A_548 = arith.constant 0 : i32
    %dma_start3A_549 = arith.constant 0 : i32
    %dma_start3A_550 = tpu.memref_slice %arg4[%dma_start3A_546, %dma_start3A_548, %dma_start3A_549] : memref<2x32x1024xf32, #tpu.memory_space<vmem>> -> memref<1x32x1024xf32, #tpu.memory_space<vmem>>
    %dma_start3A_551 = tpu.memref_squeeze %dma_start3A_550 : memref<1x32x1024xf32, #tpu.memory_space<vmem>> -> memref<32x1024xf32, #tpu.memory_space<vmem>>
    %dma_start3A_552 = arith.constant 0 : i32
    %dma_start3A_553 = tpu.memref_slice %arg3[%dma_start3A_547, %add3A_545, %dma_start3A_552] : memref<4x8192x1024xf32, #tpu.memory_space<hbm>> -> memref<1x32x1024xf32, #tpu.memory_space<hbm>>
    %dma_start3A_554 = tpu.memref_squeeze %dma_start3A_553 : memref<1x32x1024xf32, #tpu.memory_space<hbm>> -> memref<32x1024xf32, #tpu.memory_space<hbm>>
    %dma_start3A_555 = arith.constant 0 : i32
    %dma_start3A_556 = tpu.memref_slice %arg3[%dma_start3A_547, %add3A_545, %dma_start3A_555] : memref<4x8192x1024xf32, #tpu.memory_space<hbm>> -> memref<1x32x1024xf32, #tpu.memory_space<hbm>>
    %dma_start3A_557 = tpu.memref_squeeze %dma_start3A_556 : memref<1x32x1024xf32, #tpu.memory_space<hbm>> -> memref<32x1024xf32, #tpu.memory_space<hbm>>
    %dma_start3A_558 = arith.constant 0 : i32
    %dma_start3A_559 = arith.constant 0 : i32
    %dma_start3A_560 = tpu.memref_slice %arg4[%dma_start3A_546, %dma_start3A_558, %dma_start3A_559] : memref<2x32x1024xf32, #tpu.memory_space<vmem>> -> memref<1x32x1024xf32, #tpu.memory_space<vmem>>
    %dma_start3A_561 = tpu.memref_squeeze %dma_start3A_560 : memref<1x32x1024xf32, #tpu.memory_space<vmem>> -> memref<32x1024xf32, #tpu.memory_space<vmem>>
    tpu.enqueue_dma source(%dma_start3A_561 : memref<32x1024xf32, #tpu.memory_space<vmem>>) target(%dma_start3A_557 : memref<32x1024xf32, #tpu.memory_space<hbm>>) target_semaphore(%arg6 : memref<!tpu.dma_semaphore, #tpu.memory_space<semaphore_mem>>)
    %add3A_562 = arith.constant 96 : i32
    %add3A_563 = arith.addi %mul3A_2, %add3A_562 : i32
    %dma_start3A_564 = arith.constant 1 : i32
    %dma_start3A_565 = arith.constant 1 : i32
    %dma_start3A_566 = arith.constant 0 : i32
    %dma_start3A_567 = arith.constant 0 : i32
    %dma_start3A_568 = tpu.memref_slice %arg4[%dma_start3A_564, %dma_start3A_566, %dma_start3A_567] : memref<2x32x1024xf32, #tpu.memory_space<vmem>> -> memref<1x32x1024xf32, #tpu.memory_space<vmem>>
    %dma_start3A_569 = tpu.memref_squeeze %dma_start3A_568 : memref<1x32x1024xf32, #tpu.memory_space<vmem>> -> memref<32x1024xf32, #tpu.memory_space<vmem>>
    %dma_start3A_570 = arith.constant 0 : i32
    %dma_start3A_571 = tpu.memref_slice %arg3[%dma_start3A_565, %add3A_563, %dma_start3A_570] : memref<4x8192x1024xf32, #tpu.memory_space<hbm>> -> memref<1x32x1024xf32, #tpu.memory_space<hbm>>
    %dma_start3A_572 = tpu.memref_squeeze %dma_start3A_571 : memref<1x32x1024xf32, #tpu.memory_space<hbm>> -> memref<32x1024xf32, #tpu.memory_space<hbm>>
    %dma_start3A_573 = arith.constant 0 : i32
    %dma_start3A_574 = tpu.memref_slice %arg3[%dma_start3A_565, %add3A_563, %dma_start3A_573] : memref<4x8192x1024xf32, #tpu.memory_space<hbm>> -> memref<1x32x1024xf32, #tpu.memory_space<hbm>>
    %dma_start3A_575 = tpu.memref_squeeze %dma_start3A_574 : memref<1x32x1024xf32, #tpu.memory_space<hbm>> -> memref<32x1024xf32, #tpu.memory_space<hbm>>
    %dma_start3A_576 = arith.constant 0 : i32
    %dma_start3A_577 = arith.constant 0 : i32
    %dma_start3A_578 = tpu.memref_slice %arg4[%dma_start3A_564, %dma_start3A_576, %dma_start3A_577] : memref<2x32x1024xf32, #tpu.memory_space<vmem>> -> memref<1x32x1024xf32, #tpu.memory_space<vmem>>
    %dma_start3A_579 = tpu.memref_squeeze %dma_start3A_578 : memref<1x32x1024xf32, #tpu.memory_space<vmem>> -> memref<32x1024xf32, #tpu.memory_space<vmem>>
    tpu.enqueue_dma source(%dma_start3A_579 : memref<32x1024xf32, #tpu.memory_space<vmem>>) target(%dma_start3A_575 : memref<32x1024xf32, #tpu.memory_space<hbm>>) target_semaphore(%arg6 : memref<!tpu.dma_semaphore, #tpu.memory_space<semaphore_mem>>)
    %add3A_580 = arith.constant 96 : i32
    %add3A_581 = arith.addi %mul3A_2, %add3A_580 : i32
    %dma_start3A_582 = arith.constant 1 : i32
    %dma_start3A_583 = arith.constant 2 : i32
    %dma_start3A_584 = arith.constant 0 : i32
    %dma_start3A_585 = arith.constant 0 : i32
    %dma_start3A_586 = tpu.memref_slice %arg4[%dma_start3A_582, %dma_start3A_584, %dma_start3A_585] : memref<2x32x1024xf32, #tpu.memory_space<vmem>> -> memref<1x32x1024xf32, #tpu.memory_space<vmem>>
    %dma_start3A_587 = tpu.memref_squeeze %dma_start3A_586 : memref<1x32x1024xf32, #tpu.memory_space<vmem>> -> memref<32x1024xf32, #tpu.memory_space<vmem>>
    %dma_start3A_588 = arith.constant 0 : i32
    %dma_start3A_589 = tpu.memref_slice %arg3[%dma_start3A_583, %add3A_581, %dma_start3A_588] : memref<4x8192x1024xf32, #tpu.memory_space<hbm>> -> memref<1x32x1024xf32, #tpu.memory_space<hbm>>
    %dma_start3A_590 = tpu.memref_squeeze %dma_start3A_589 : memref<1x32x1024xf32, #tpu.memory_space<hbm>> -> memref<32x1024xf32, #tpu.memory_space<hbm>>
    %dma_start3A_591 = arith.constant 0 : i32
    %dma_start3A_592 = tpu.memref_slice %arg3[%dma_start3A_583, %add3A_581, %dma_start3A_591] : memref<4x8192x1024xf32, #tpu.memory_space<hbm>> -> memref<1x32x1024xf32, #tpu.memory_space<hbm>>
    %dma_start3A_593 = tpu.memref_squeeze %dma_start3A_592 : memref<1x32x1024xf32, #tpu.memory_space<hbm>> -> memref<32x1024xf32, #tpu.memory_space<hbm>>
    %dma_start3A_594 = arith.constant 0 : i32
    %dma_start3A_595 = arith.constant 0 : i32
    %dma_start3A_596 = tpu.memref_slice %arg4[%dma_start3A_582, %dma_start3A_594, %dma_start3A_595] : memref<2x32x1024xf32, #tpu.memory_space<vmem>> -> memref<1x32x1024xf32, #tpu.memory_space<vmem>>
    %dma_start3A_597 = tpu.memref_squeeze %dma_start3A_596 : memref<1x32x1024xf32, #tpu.memory_space<vmem>> -> memref<32x1024xf32, #tpu.memory_space<vmem>>
    tpu.enqueue_dma source(%dma_start3A_597 : memref<32x1024xf32, #tpu.memory_space<vmem>>) target(%dma_start3A_593 : memref<32x1024xf32, #tpu.memory_space<hbm>>) target_semaphore(%arg6 : memref<!tpu.dma_semaphore, #tpu.memory_space<semaphore_mem>>)
    %add3A_598 = arith.constant 96 : i32
    %add3A_599 = arith.addi %mul3A_2, %add3A_598 : i32
    %dma_start3A_600 = arith.constant 1 : i32
    %dma_start3A_601 = arith.constant 3 : i32
    %dma_start3A_602 = arith.constant 0 : i32
    %dma_start3A_603 = arith.constant 0 : i32
    %dma_start3A_604 = tpu.memref_slice %arg4[%dma_start3A_600, %dma_start3A_602, %dma_start3A_603] : memref<2x32x1024xf32, #tpu.memory_space<vmem>> -> memref<1x32x1024xf32, #tpu.memory_space<vmem>>
    %dma_start3A_605 = tpu.memref_squeeze %dma_start3A_604 : memref<1x32x1024xf32, #tpu.memory_space<vmem>> -> memref<32x1024xf32, #tpu.memory_space<vmem>>
    %dma_start3A_606 = arith.constant 0 : i32
    %dma_start3A_607 = tpu.memref_slice %arg3[%dma_start3A_601, %add3A_599, %dma_start3A_606] : memref<4x8192x1024xf32, #tpu.memory_space<hbm>> -> memref<1x32x1024xf32, #tpu.memory_space<hbm>>
    %dma_start3A_608 = tpu.memref_squeeze %dma_start3A_607 : memref<1x32x1024xf32, #tpu.memory_space<hbm>> -> memref<32x1024xf32, #tpu.memory_space<hbm>>
    %dma_start3A_609 = arith.constant 0 : i32
    %dma_start3A_610 = tpu.memref_slice %arg3[%dma_start3A_601, %add3A_599, %dma_start3A_609] : memref<4x8192x1024xf32, #tpu.memory_space<hbm>> -> memref<1x32x1024xf32, #tpu.memory_space<hbm>>
    %dma_start3A_611 = tpu.memref_squeeze %dma_start3A_610 : memref<1x32x1024xf32, #tpu.memory_space<hbm>> -> memref<32x1024xf32, #tpu.memory_space<hbm>>
    %dma_start3A_612 = arith.constant 0 : i32
    %dma_start3A_613 = arith.constant 0 : i32
    %dma_start3A_614 = tpu.memref_slice %arg4[%dma_start3A_600, %dma_start3A_612, %dma_start3A_613] : memref<2x32x1024xf32, #tpu.memory_space<vmem>> -> memref<1x32x1024xf32, #tpu.memory_space<vmem>>
    %dma_start3A_615 = tpu.memref_squeeze %dma_start3A_614 : memref<1x32x1024xf32, #tpu.memory_space<vmem>> -> memref<32x1024xf32, #tpu.memory_space<vmem>>
    tpu.enqueue_dma source(%dma_start3A_615 : memref<32x1024xf32, #tpu.memory_space<vmem>>) target(%dma_start3A_611 : memref<32x1024xf32, #tpu.memory_space<hbm>>) target_semaphore(%arg6 : memref<!tpu.dma_semaphore, #tpu.memory_space<semaphore_mem>>)
    %dma_wait3A_616 = arith.constant 1 : i32
    %dma_wait3A_617 = arith.constant 0 : i32
    %dma_wait3A_618 = arith.constant 0 : i32
    %dma_wait3A_619 = arith.constant 0 : i32
    %dma_wait3A_620 = tpu.memref_slice %arg4[%dma_wait3A_616, %dma_wait3A_618, %dma_wait3A_619] : memref<2x32x1024xf32, #tpu.memory_space<vmem>> -> memref<1x32x1024xf32, #tpu.memory_space<vmem>>
    %dma_wait3A_621 = tpu.memref_squeeze %dma_wait3A_620 : memref<1x32x1024xf32, #tpu.memory_space<vmem>> -> memref<32x1024xf32, #tpu.memory_space<vmem>>
    %dma_wait3A_622 = arith.constant 0 : i32
    %dma_wait3A_623 = tpu.memref_slice %arg3[%dma_wait3A_617, %mul3A_2, %dma_wait3A_622] : memref<4x8192x1024xf32, #tpu.memory_space<hbm>> -> memref<1x32x1024xf32, #tpu.memory_space<hbm>>
    %dma_wait3A_624 = tpu.memref_squeeze %dma_wait3A_623 : memref<1x32x1024xf32, #tpu.memory_space<hbm>> -> memref<32x1024xf32, #tpu.memory_space<hbm>>
    %dma_wait3A_625 = arith.constant 0 : i32
    %dma_wait3A_626 = tpu.memref_slice %arg3[%dma_wait3A_617, %mul3A_2, %dma_wait3A_625] : memref<4x8192x1024xf32, #tpu.memory_space<hbm>> -> memref<1x32x1024xf32, #tpu.memory_space<hbm>>
    %dma_wait3A_627 = tpu.memref_squeeze %dma_wait3A_626 : memref<1x32x1024xf32, #tpu.memory_space<hbm>> -> memref<32x1024xf32, #tpu.memory_space<hbm>>
    %dma_wait3A_628 = arith.constant 0 : i32
    %dma_wait3A_629 = arith.constant 0 : i32
    %dma_wait3A_630 = tpu.memref_slice %arg4[%dma_wait3A_616, %dma_wait3A_628, %dma_wait3A_629] : memref<2x32x1024xf32, #tpu.memory_space<vmem>> -> memref<1x32x1024xf32, #tpu.memory_space<vmem>>
    %dma_wait3A_631 = tpu.memref_squeeze %dma_wait3A_630 : memref<1x32x1024xf32, #tpu.memory_space<vmem>> -> memref<32x1024xf32, #tpu.memory_space<vmem>>
    tpu.wait_dma2 semaphore(%arg6 : memref<!tpu.dma_semaphore, #tpu.memory_space<semaphore_mem>>) src(%dma_wait3A_631 : memref<32x1024xf32, #tpu.memory_space<vmem>>) dst(%dma_wait3A_627 : memref<32x1024xf32, #tpu.memory_space<hbm>>)
    %dma_wait3A_632 = arith.constant 1 : i32
    %dma_wait3A_633 = arith.constant 0 : i32
    %dma_wait3A_634 = arith.constant 0 : i32
    %dma_wait3A_635 = arith.constant 0 : i32
    %dma_wait3A_636 = tpu.memref_slice %arg4[%dma_wait3A_632, %dma_wait3A_634, %dma_wait3A_635] : memref<2x32x1024xf32, #tpu.memory_space<vmem>> -> memref<1x32x1024xf32, #tpu.memory_space<vmem>>
    %dma_wait3A_637 = tpu.memref_squeeze %dma_wait3A_636 : memref<1x32x1024xf32, #tpu.memory_space<vmem>> -> memref<32x1024xf32, #tpu.memory_space<vmem>>
    %dma_wait3A_638 = arith.constant 0 : i32
    %dma_wait3A_639 = tpu.memref_slice %arg3[%dma_wait3A_633, %mul3A_2, %dma_wait3A_638] : memref<4x8192x1024xf32, #tpu.memory_space<hbm>> -> memref<1x32x1024xf32, #tpu.memory_space<hbm>>
    %dma_wait3A_640 = tpu.memref_squeeze %dma_wait3A_639 : memref<1x32x1024xf32, #tpu.memory_space<hbm>> -> memref<32x1024xf32, #tpu.memory_space<hbm>>
    %dma_wait3A_641 = arith.constant 0 : i32
    %dma_wait3A_642 = tpu.memref_slice %arg3[%dma_wait3A_633, %mul3A_2, %dma_wait3A_641] : memref<4x8192x1024xf32, #tpu.memory_space<hbm>> -> memref<1x32x1024xf32, #tpu.memory_space<hbm>>
    %dma_wait3A_643 = tpu.memref_squeeze %dma_wait3A_642 : memref<1x32x1024xf32, #tpu.memory_space<hbm>> -> memref<32x1024xf32, #tpu.memory_space<hbm>>
    %dma_wait3A_644 = arith.constant 0 : i32
    %dma_wait3A_645 = arith.constant 0 : i32
    %dma_wait3A_646 = tpu.memref_slice %arg4[%dma_wait3A_632, %dma_wait3A_644, %dma_wait3A_645] : memref<2x32x1024xf32, #tpu.memory_space<vmem>> -> memref<1x32x1024xf32, #tpu.memory_space<vmem>>
    %dma_wait3A_647 = tpu.memref_squeeze %dma_wait3A_646 : memref<1x32x1024xf32, #tpu.memory_space<vmem>> -> memref<32x1024xf32, #tpu.memory_space<vmem>>
    tpu.wait_dma2 semaphore(%arg6 : memref<!tpu.dma_semaphore, #tpu.memory_space<semaphore_mem>>) src(%dma_wait3A_647 : memref<32x1024xf32, #tpu.memory_space<vmem>>) dst(%dma_wait3A_643 : memref<32x1024xf32, #tpu.memory_space<hbm>>)
    %dma_wait3A_648 = arith.constant 1 : i32
    %dma_wait3A_649 = arith.constant 0 : i32
    %dma_wait3A_650 = arith.constant 0 : i32
    %dma_wait3A_651 = arith.constant 0 : i32
    %dma_wait3A_652 = tpu.memref_slice %arg4[%dma_wait3A_648, %dma_wait3A_650, %dma_wait3A_651] : memref<2x32x1024xf32, #tpu.memory_space<vmem>> -> memref<1x32x1024xf32, #tpu.memory_space<vmem>>
    %dma_wait3A_653 = tpu.memref_squeeze %dma_wait3A_652 : memref<1x32x1024xf32, #tpu.memory_space<vmem>> -> memref<32x1024xf32, #tpu.memory_space<vmem>>
    %dma_wait3A_654 = arith.constant 0 : i32
    %dma_wait3A_655 = tpu.memref_slice %arg3[%dma_wait3A_649, %mul3A_2, %dma_wait3A_654] : memref<4x8192x1024xf32, #tpu.memory_space<hbm>> -> memref<1x32x1024xf32, #tpu.memory_space<hbm>>
    %dma_wait3A_656 = tpu.memref_squeeze %dma_wait3A_655 : memref<1x32x1024xf32, #tpu.memory_space<hbm>> -> memref<32x1024xf32, #tpu.memory_space<hbm>>
    %dma_wait3A_657 = arith.constant 0 : i32
    %dma_wait3A_658 = tpu.memref_slice %arg3[%dma_wait3A_649, %mul3A_2, %dma_wait3A_657] : memref<4x8192x1024xf32, #tpu.memory_space<hbm>> -> memref<1x32x1024xf32, #tpu.memory_space<hbm>>
    %dma_wait3A_659 = tpu.memref_squeeze %dma_wait3A_658 : memref<1x32x1024xf32, #tpu.memory_space<hbm>> -> memref<32x1024xf32, #tpu.memory_space<hbm>>
    %dma_wait3A_660 = arith.constant 0 : i32
    %dma_wait3A_661 = arith.constant 0 : i32
    %dma_wait3A_662 = tpu.memref_slice %arg4[%dma_wait3A_648, %dma_wait3A_660, %dma_wait3A_661] : memref<2x32x1024xf32, #tpu.memory_space<vmem>> -> memref<1x32x1024xf32, #tpu.memory_space<vmem>>
    %dma_wait3A_663 = tpu.memref_squeeze %dma_wait3A_662 : memref<1x32x1024xf32, #tpu.memory_space<vmem>> -> memref<32x1024xf32, #tpu.memory_space<vmem>>
    tpu.wait_dma2 semaphore(%arg6 : memref<!tpu.dma_semaphore, #tpu.memory_space<semaphore_mem>>) src(%dma_wait3A_663 : memref<32x1024xf32, #tpu.memory_space<vmem>>) dst(%dma_wait3A_659 : memref<32x1024xf32, #tpu.memory_space<hbm>>)
    %dma_wait3A_664 = arith.constant 1 : i32
    %dma_wait3A_665 = arith.constant 0 : i32
    %dma_wait3A_666 = arith.constant 0 : i32
    %dma_wait3A_667 = arith.constant 0 : i32
    %dma_wait3A_668 = tpu.memref_slice %arg4[%dma_wait3A_664, %dma_wait3A_666, %dma_wait3A_667] : memref<2x32x1024xf32, #tpu.memory_space<vmem>> -> memref<1x32x1024xf32, #tpu.memory_space<vmem>>
    %dma_wait3A_669 = tpu.memref_squeeze %dma_wait3A_668 : memref<1x32x1024xf32, #tpu.memory_space<vmem>> -> memref<32x1024xf32, #tpu.memory_space<vmem>>
    %dma_wait3A_670 = arith.constant 0 : i32
    %dma_wait3A_671 = tpu.memref_slice %arg3[%dma_wait3A_665, %mul3A_2, %dma_wait3A_670] : memref<4x8192x1024xf32, #tpu.memory_space<hbm>> -> memref<1x32x1024xf32, #tpu.memory_space<hbm>>
    %dma_wait3A_672 = tpu.memref_squeeze %dma_wait3A_671 : memref<1x32x1024xf32, #tpu.memory_space<hbm>> -> memref<32x1024xf32, #tpu.memory_space<hbm>>
    %dma_wait3A_673 = arith.constant 0 : i32
    %dma_wait3A_674 = tpu.memref_slice %arg3[%dma_wait3A_665, %mul3A_2, %dma_wait3A_673] : memref<4x8192x1024xf32, #tpu.memory_space<hbm>> -> memref<1x32x1024xf32, #tpu.memory_space<hbm>>
    %dma_wait3A_675 = tpu.memref_squeeze %dma_wait3A_674 : memref<1x32x1024xf32, #tpu.memory_space<hbm>> -> memref<32x1024xf32, #tpu.memory_space<hbm>>
    %dma_wait3A_676 = arith.constant 0 : i32
    %dma_wait3A_677 = arith.constant 0 : i32
    %dma_wait3A_678 = tpu.memref_slice %arg4[%dma_wait3A_664, %dma_wait3A_676, %dma_wait3A_677] : memref<2x32x1024xf32, #tpu.memory_space<vmem>> -> memref<1x32x1024xf32, #tpu.memory_space<vmem>>
    %dma_wait3A_679 = tpu.memref_squeeze %dma_wait3A_678 : memref<1x32x1024xf32, #tpu.memory_space<vmem>> -> memref<32x1024xf32, #tpu.memory_space<vmem>>
    tpu.wait_dma2 semaphore(%arg6 : memref<!tpu.dma_semaphore, #tpu.memory_space<semaphore_mem>>) src(%dma_wait3A_679 : memref<32x1024xf32, #tpu.memory_space<vmem>>) dst(%dma_wait3A_675 : memref<32x1024xf32, #tpu.memory_space<hbm>>)
    %add3A_680 = arith.constant 128 : i32
    %add3A_681 = arith.addi %mul3A_2, %add3A_680 : i32
    %dma_wait3A_682 = arith.constant 0 : i32
    %dma_wait3A_683 = arith.constant 0 : i32
    %dma_wait3A_684 = arith.constant 0 : i32
    %dma_wait3A_685 = tpu.memref_slice %arg4[%dma_wait3A_682, %dma_wait3A_683, %dma_wait3A_684] : memref<2x32x1024xf32, #tpu.memory_space<vmem>> -> memref<1x32x1024xf32, #tpu.memory_space<vmem>>
    %dma_wait3A_686 = tpu.memref_squeeze %dma_wait3A_685 : memref<1x32x1024xf32, #tpu.memory_space<vmem>> -> memref<32x1024xf32, #tpu.memory_space<vmem>>
    %dma_wait3A_687 = arith.constant 0 : i32
    %dma_wait3A_688 = tpu.memref_slice %arg2[%add3A_681, %dma_wait3A_687] : memref<8192x1024xf32, #tpu.memory_space<hbm>> -> memref<32x1024xf32, #tpu.memory_space<hbm>>
    %dma_wait3A_689 = arith.constant 0 : i32
    %dma_wait3A_690 = arith.constant 0 : i32
    %dma_wait3A_691 = tpu.memref_slice %arg4[%dma_wait3A_682, %dma_wait3A_689, %dma_wait3A_690] : memref<2x32x1024xf32, #tpu.memory_space<vmem>> -> memref<1x32x1024xf32, #tpu.memory_space<vmem>>
    %dma_wait3A_692 = tpu.memref_squeeze %dma_wait3A_691 : memref<1x32x1024xf32, #tpu.memory_space<vmem>> -> memref<32x1024xf32, #tpu.memory_space<vmem>>
    %dma_wait3A_693 = arith.constant 0 : i32
    %dma_wait3A_694 = tpu.memref_slice %arg2[%add3A_681, %dma_wait3A_693] : memref<8192x1024xf32, #tpu.memory_space<hbm>> -> memref<32x1024xf32, #tpu.memory_space<hbm>>
    tpu.wait_dma2 semaphore(%arg5 : memref<!tpu.dma_semaphore, #tpu.memory_space<semaphore_mem>>) src(%dma_wait3A_694 : memref<32x1024xf32, #tpu.memory_space<hbm>>) dst(%dma_wait3A_692 : memref<32x1024xf32, #tpu.memory_space<vmem>>)
    %add3A_695 = arith.constant 160 : i32
    %add3A_696 = arith.addi %mul3A_2, %add3A_695 : i32
    %dma_start3A_697 = arith.constant 1 : i32
    %dma_start3A_698 = arith.constant 0 : i32
    %dma_start3A_699 = arith.constant 0 : i32
    %dma_start3A_700 = tpu.memref_slice %arg4[%dma_start3A_697, %dma_start3A_698, %dma_start3A_699] : memref<2x32x1024xf32, #tpu.memory_space<vmem>> -> memref<1x32x1024xf32, #tpu.memory_space<vmem>>
    %dma_start3A_701 = tpu.memref_squeeze %dma_start3A_700 : memref<1x32x1024xf32, #tpu.memory_space<vmem>> -> memref<32x1024xf32, #tpu.memory_space<vmem>>
    %dma_start3A_702 = arith.constant 0 : i32
    %dma_start3A_703 = tpu.memref_slice %arg2[%add3A_696, %dma_start3A_702] : memref<8192x1024xf32, #tpu.memory_space<hbm>> -> memref<32x1024xf32, #tpu.memory_space<hbm>>
    %dma_start3A_704 = arith.constant 0 : i32
    %dma_start3A_705 = arith.constant 0 : i32
    %dma_start3A_706 = tpu.memref_slice %arg4[%dma_start3A_697, %dma_start3A_704, %dma_start3A_705] : memref<2x32x1024xf32, #tpu.memory_space<vmem>> -> memref<1x32x1024xf32, #tpu.memory_space<vmem>>
    %dma_start3A_707 = tpu.memref_squeeze %dma_start3A_706 : memref<1x32x1024xf32, #tpu.memory_space<vmem>> -> memref<32x1024xf32, #tpu.memory_space<vmem>>
    %dma_start3A_708 = arith.constant 0 : i32
    %dma_start3A_709 = tpu.memref_slice %arg2[%add3A_696, %dma_start3A_708] : memref<8192x1024xf32, #tpu.memory_space<hbm>> -> memref<32x1024xf32, #tpu.memory_space<hbm>>
    tpu.enqueue_dma source(%dma_start3A_709 : memref<32x1024xf32, #tpu.memory_space<hbm>>) target(%dma_start3A_707 : memref<32x1024xf32, #tpu.memory_space<vmem>>) target_semaphore(%arg5 : memref<!tpu.dma_semaphore, #tpu.memory_space<semaphore_mem>>)
    %add3A_710 = arith.constant 128 : i32
    %add3A_711 = arith.addi %mul3A_2, %add3A_710 : i32
    %dma_start3A_712 = arith.constant 0 : i32
    %dma_start3A_713 = arith.constant 0 : i32
    %dma_start3A_714 = arith.constant 0 : i32
    %dma_start3A_715 = arith.constant 0 : i32
    %dma_start3A_716 = tpu.memref_slice %arg4[%dma_start3A_712, %dma_start3A_714, %dma_start3A_715] : memref<2x32x1024xf32, #tpu.memory_space<vmem>> -> memref<1x32x1024xf32, #tpu.memory_space<vmem>>
    %dma_start3A_717 = tpu.memref_squeeze %dma_start3A_716 : memref<1x32x1024xf32, #tpu.memory_space<vmem>> -> memref<32x1024xf32, #tpu.memory_space<vmem>>
    %dma_start3A_718 = arith.constant 0 : i32
    %dma_start3A_719 = tpu.memref_slice %arg3[%dma_start3A_713, %add3A_711, %dma_start3A_718] : memref<4x8192x1024xf32, #tpu.memory_space<hbm>> -> memref<1x32x1024xf32, #tpu.memory_space<hbm>>
    %dma_start3A_720 = tpu.memref_squeeze %dma_start3A_719 : memref<1x32x1024xf32, #tpu.memory_space<hbm>> -> memref<32x1024xf32, #tpu.memory_space<hbm>>
    %dma_start3A_721 = arith.constant 0 : i32
    %dma_start3A_722 = tpu.memref_slice %arg3[%dma_start3A_713, %add3A_711, %dma_start3A_721] : memref<4x8192x1024xf32, #tpu.memory_space<hbm>> -> memref<1x32x1024xf32, #tpu.memory_space<hbm>>
    %dma_start3A_723 = tpu.memref_squeeze %dma_start3A_722 : memref<1x32x1024xf32, #tpu.memory_space<hbm>> -> memref<32x1024xf32, #tpu.memory_space<hbm>>
    %dma_start3A_724 = arith.constant 0 : i32
    %dma_start3A_725 = arith.constant 0 : i32
    %dma_start3A_726 = tpu.memref_slice %arg4[%dma_start3A_712, %dma_start3A_724, %dma_start3A_725] : memref<2x32x1024xf32, #tpu.memory_space<vmem>> -> memref<1x32x1024xf32, #tpu.memory_space<vmem>>
    %dma_start3A_727 = tpu.memref_squeeze %dma_start3A_726 : memref<1x32x1024xf32, #tpu.memory_space<vmem>> -> memref<32x1024xf32, #tpu.memory_space<vmem>>
    tpu.enqueue_dma source(%dma_start3A_727 : memref<32x1024xf32, #tpu.memory_space<vmem>>) target(%dma_start3A_723 : memref<32x1024xf32, #tpu.memory_space<hbm>>) target_semaphore(%arg6 : memref<!tpu.dma_semaphore, #tpu.memory_space<semaphore_mem>>)
    %add3A_728 = arith.constant 128 : i32
    %add3A_729 = arith.addi %mul3A_2, %add3A_728 : i32
    %dma_start3A_730 = arith.constant 0 : i32
    %dma_start3A_731 = arith.constant 1 : i32
    %dma_start3A_732 = arith.constant 0 : i32
    %dma_start3A_733 = arith.constant 0 : i32
    %dma_start3A_734 = tpu.memref_slice %arg4[%dma_start3A_730, %dma_start3A_732, %dma_start3A_733] : memref<2x32x1024xf32, #tpu.memory_space<vmem>> -> memref<1x32x1024xf32, #tpu.memory_space<vmem>>
    %dma_start3A_735 = tpu.memref_squeeze %dma_start3A_734 : memref<1x32x1024xf32, #tpu.memory_space<vmem>> -> memref<32x1024xf32, #tpu.memory_space<vmem>>
    %dma_start3A_736 = arith.constant 0 : i32
    %dma_start3A_737 = tpu.memref_slice %arg3[%dma_start3A_731, %add3A_729, %dma_start3A_736] : memref<4x8192x1024xf32, #tpu.memory_space<hbm>> -> memref<1x32x1024xf32, #tpu.memory_space<hbm>>
    %dma_start3A_738 = tpu.memref_squeeze %dma_start3A_737 : memref<1x32x1024xf32, #tpu.memory_space<hbm>> -> memref<32x1024xf32, #tpu.memory_space<hbm>>
    %dma_start3A_739 = arith.constant 0 : i32
    %dma_start3A_740 = tpu.memref_slice %arg3[%dma_start3A_731, %add3A_729, %dma_start3A_739] : memref<4x8192x1024xf32, #tpu.memory_space<hbm>> -> memref<1x32x1024xf32, #tpu.memory_space<hbm>>
    %dma_start3A_741 = tpu.memref_squeeze %dma_start3A_740 : memref<1x32x1024xf32, #tpu.memory_space<hbm>> -> memref<32x1024xf32, #tpu.memory_space<hbm>>
    %dma_start3A_742 = arith.constant 0 : i32
    %dma_start3A_743 = arith.constant 0 : i32
    %dma_start3A_744 = tpu.memref_slice %arg4[%dma_start3A_730, %dma_start3A_742, %dma_start3A_743] : memref<2x32x1024xf32, #tpu.memory_space<vmem>> -> memref<1x32x1024xf32, #tpu.memory_space<vmem>>
    %dma_start3A_745 = tpu.memref_squeeze %dma_start3A_744 : memref<1x32x1024xf32, #tpu.memory_space<vmem>> -> memref<32x1024xf32, #tpu.memory_space<vmem>>
    tpu.enqueue_dma source(%dma_start3A_745 : memref<32x1024xf32, #tpu.memory_space<vmem>>) target(%dma_start3A_741 : memref<32x1024xf32, #tpu.memory_space<hbm>>) target_semaphore(%arg6 : memref<!tpu.dma_semaphore, #tpu.memory_space<semaphore_mem>>)
    %add3A_746 = arith.constant 128 : i32
    %add3A_747 = arith.addi %mul3A_2, %add3A_746 : i32
    %dma_start3A_748 = arith.constant 0 : i32
    %dma_start3A_749 = arith.constant 2 : i32
    %dma_start3A_750 = arith.constant 0 : i32
    %dma_start3A_751 = arith.constant 0 : i32
    %dma_start3A_752 = tpu.memref_slice %arg4[%dma_start3A_748, %dma_start3A_750, %dma_start3A_751] : memref<2x32x1024xf32, #tpu.memory_space<vmem>> -> memref<1x32x1024xf32, #tpu.memory_space<vmem>>
    %dma_start3A_753 = tpu.memref_squeeze %dma_start3A_752 : memref<1x32x1024xf32, #tpu.memory_space<vmem>> -> memref<32x1024xf32, #tpu.memory_space<vmem>>
    %dma_start3A_754 = arith.constant 0 : i32
    %dma_start3A_755 = tpu.memref_slice %arg3[%dma_start3A_749, %add3A_747, %dma_start3A_754] : memref<4x8192x1024xf32, #tpu.memory_space<hbm>> -> memref<1x32x1024xf32, #tpu.memory_space<hbm>>
    %dma_start3A_756 = tpu.memref_squeeze %dma_start3A_755 : memref<1x32x1024xf32, #tpu.memory_space<hbm>> -> memref<32x1024xf32, #tpu.memory_space<hbm>>
    %dma_start3A_757 = arith.constant 0 : i32
    %dma_start3A_758 = tpu.memref_slice %arg3[%dma_start3A_749, %add3A_747, %dma_start3A_757] : memref<4x8192x1024xf32, #tpu.memory_space<hbm>> -> memref<1x32x1024xf32, #tpu.memory_space<hbm>>
    %dma_start3A_759 = tpu.memref_squeeze %dma_start3A_758 : memref<1x32x1024xf32, #tpu.memory_space<hbm>> -> memref<32x1024xf32, #tpu.memory_space<hbm>>
    %dma_start3A_760 = arith.constant 0 : i32
    %dma_start3A_761 = arith.constant 0 : i32
    %dma_start3A_762 = tpu.memref_slice %arg4[%dma_start3A_748, %dma_start3A_760, %dma_start3A_761] : memref<2x32x1024xf32, #tpu.memory_space<vmem>> -> memref<1x32x1024xf32, #tpu.memory_space<vmem>>
    %dma_start3A_763 = tpu.memref_squeeze %dma_start3A_762 : memref<1x32x1024xf32, #tpu.memory_space<vmem>> -> memref<32x1024xf32, #tpu.memory_space<vmem>>
    tpu.enqueue_dma source(%dma_start3A_763 : memref<32x1024xf32, #tpu.memory_space<vmem>>) target(%dma_start3A_759 : memref<32x1024xf32, #tpu.memory_space<hbm>>) target_semaphore(%arg6 : memref<!tpu.dma_semaphore, #tpu.memory_space<semaphore_mem>>)
    %add3A_764 = arith.constant 128 : i32
    %add3A_765 = arith.addi %mul3A_2, %add3A_764 : i32
    %dma_start3A_766 = arith.constant 0 : i32
    %dma_start3A_767 = arith.constant 3 : i32
    %dma_start3A_768 = arith.constant 0 : i32
    %dma_start3A_769 = arith.constant 0 : i32
    %dma_start3A_770 = tpu.memref_slice %arg4[%dma_start3A_766, %dma_start3A_768, %dma_start3A_769] : memref<2x32x1024xf32, #tpu.memory_space<vmem>> -> memref<1x32x1024xf32, #tpu.memory_space<vmem>>
    %dma_start3A_771 = tpu.memref_squeeze %dma_start3A_770 : memref<1x32x1024xf32, #tpu.memory_space<vmem>> -> memref<32x1024xf32, #tpu.memory_space<vmem>>
    %dma_start3A_772 = arith.constant 0 : i32
    %dma_start3A_773 = tpu.memref_slice %arg3[%dma_start3A_767, %add3A_765, %dma_start3A_772] : memref<4x8192x1024xf32, #tpu.memory_space<hbm>> -> memref<1x32x1024xf32, #tpu.memory_space<hbm>>
    %dma_start3A_774 = tpu.memref_squeeze %dma_start3A_773 : memref<1x32x1024xf32, #tpu.memory_space<hbm>> -> memref<32x1024xf32, #tpu.memory_space<hbm>>
    %dma_start3A_775 = arith.constant 0 : i32
    %dma_start3A_776 = tpu.memref_slice %arg3[%dma_start3A_767, %add3A_765, %dma_start3A_775] : memref<4x8192x1024xf32, #tpu.memory_space<hbm>> -> memref<1x32x1024xf32, #tpu.memory_space<hbm>>
    %dma_start3A_777 = tpu.memref_squeeze %dma_start3A_776 : memref<1x32x1024xf32, #tpu.memory_space<hbm>> -> memref<32x1024xf32, #tpu.memory_space<hbm>>
    %dma_start3A_778 = arith.constant 0 : i32
    %dma_start3A_779 = arith.constant 0 : i32
    %dma_start3A_780 = tpu.memref_slice %arg4[%dma_start3A_766, %dma_start3A_778, %dma_start3A_779] : memref<2x32x1024xf32, #tpu.memory_space<vmem>> -> memref<1x32x1024xf32, #tpu.memory_space<vmem>>
    %dma_start3A_781 = tpu.memref_squeeze %dma_start3A_780 : memref<1x32x1024xf32, #tpu.memory_space<vmem>> -> memref<32x1024xf32, #tpu.memory_space<vmem>>
    tpu.enqueue_dma source(%dma_start3A_781 : memref<32x1024xf32, #tpu.memory_space<vmem>>) target(%dma_start3A_777 : memref<32x1024xf32, #tpu.memory_space<hbm>>) target_semaphore(%arg6 : memref<!tpu.dma_semaphore, #tpu.memory_space<semaphore_mem>>)
    %dma_wait3A_782 = arith.constant 0 : i32
    %dma_wait3A_783 = arith.constant 0 : i32
    %dma_wait3A_784 = arith.constant 0 : i32
    %dma_wait3A_785 = arith.constant 0 : i32
    %dma_wait3A_786 = tpu.memref_slice %arg4[%dma_wait3A_782, %dma_wait3A_784, %dma_wait3A_785] : memref<2x32x1024xf32, #tpu.memory_space<vmem>> -> memref<1x32x1024xf32, #tpu.memory_space<vmem>>
    %dma_wait3A_787 = tpu.memref_squeeze %dma_wait3A_786 : memref<1x32x1024xf32, #tpu.memory_space<vmem>> -> memref<32x1024xf32, #tpu.memory_space<vmem>>
    %dma_wait3A_788 = arith.constant 0 : i32
    %dma_wait3A_789 = tpu.memref_slice %arg3[%dma_wait3A_783, %mul3A_2, %dma_wait3A_788] : memref<4x8192x1024xf32, #tpu.memory_space<hbm>> -> memref<1x32x1024xf32, #tpu.memory_space<hbm>>
    %dma_wait3A_790 = tpu.memref_squeeze %dma_wait3A_789 : memref<1x32x1024xf32, #tpu.memory_space<hbm>> -> memref<32x1024xf32, #tpu.memory_space<hbm>>
    %dma_wait3A_791 = arith.constant 0 : i32
    %dma_wait3A_792 = tpu.memref_slice %arg3[%dma_wait3A_783, %mul3A_2, %dma_wait3A_791] : memref<4x8192x1024xf32, #tpu.memory_space<hbm>> -> memref<1x32x1024xf32, #tpu.memory_space<hbm>>
    %dma_wait3A_793 = tpu.memref_squeeze %dma_wait3A_792 : memref<1x32x1024xf32, #tpu.memory_space<hbm>> -> memref<32x1024xf32, #tpu.memory_space<hbm>>
    %dma_wait3A_794 = arith.constant 0 : i32
    %dma_wait3A_795 = arith.constant 0 : i32
    %dma_wait3A_796 = tpu.memref_slice %arg4[%dma_wait3A_782, %dma_wait3A_794, %dma_wait3A_795] : memref<2x32x1024xf32, #tpu.memory_space<vmem>> -> memref<1x32x1024xf32, #tpu.memory_space<vmem>>
    %dma_wait3A_797 = tpu.memref_squeeze %dma_wait3A_796 : memref<1x32x1024xf32, #tpu.memory_space<vmem>> -> memref<32x1024xf32, #tpu.memory_space<vmem>>
    tpu.wait_dma2 semaphore(%arg6 : memref<!tpu.dma_semaphore, #tpu.memory_space<semaphore_mem>>) src(%dma_wait3A_797 : memref<32x1024xf32, #tpu.memory_space<vmem>>) dst(%dma_wait3A_793 : memref<32x1024xf32, #tpu.memory_space<hbm>>)
    %dma_wait3A_798 = arith.constant 0 : i32
    %dma_wait3A_799 = arith.constant 0 : i32
    %dma_wait3A_800 = arith.constant 0 : i32
    %dma_wait3A_801 = arith.constant 0 : i32
    %dma_wait3A_802 = tpu.memref_slice %arg4[%dma_wait3A_798, %dma_wait3A_800, %dma_wait3A_801] : memref<2x32x1024xf32, #tpu.memory_space<vmem>> -> memref<1x32x1024xf32, #tpu.memory_space<vmem>>
    %dma_wait3A_803 = tpu.memref_squeeze %dma_wait3A_802 : memref<1x32x1024xf32, #tpu.memory_space<vmem>> -> memref<32x1024xf32, #tpu.memory_space<vmem>>
    %dma_wait3A_804 = arith.constant 0 : i32
    %dma_wait3A_805 = tpu.memref_slice %arg3[%dma_wait3A_799, %mul3A_2, %dma_wait3A_804] : memref<4x8192x1024xf32, #tpu.memory_space<hbm>> -> memref<1x32x1024xf32, #tpu.memory_space<hbm>>
    %dma_wait3A_806 = tpu.memref_squeeze %dma_wait3A_805 : memref<1x32x1024xf32, #tpu.memory_space<hbm>> -> memref<32x1024xf32, #tpu.memory_space<hbm>>
    %dma_wait3A_807 = arith.constant 0 : i32
    %dma_wait3A_808 = tpu.memref_slice %arg3[%dma_wait3A_799, %mul3A_2, %dma_wait3A_807] : memref<4x8192x1024xf32, #tpu.memory_space<hbm>> -> memref<1x32x1024xf32, #tpu.memory_space<hbm>>
    %dma_wait3A_809 = tpu.memref_squeeze %dma_wait3A_808 : memref<1x32x1024xf32, #tpu.memory_space<hbm>> -> memref<32x1024xf32, #tpu.memory_space<hbm>>
    %dma_wait3A_810 = arith.constant 0 : i32
    %dma_wait3A_811 = arith.constant 0 : i32
    %dma_wait3A_812 = tpu.memref_slice %arg4[%dma_wait3A_798, %dma_wait3A_810, %dma_wait3A_811] : memref<2x32x1024xf32, #tpu.memory_space<vmem>> -> memref<1x32x1024xf32, #tpu.memory_space<vmem>>
    %dma_wait3A_813 = tpu.memref_squeeze %dma_wait3A_812 : memref<1x32x1024xf32, #tpu.memory_space<vmem>> -> memref<32x1024xf32, #tpu.memory_space<vmem>>
    tpu.wait_dma2 semaphore(%arg6 : memref<!tpu.dma_semaphore, #tpu.memory_space<semaphore_mem>>) src(%dma_wait3A_813 : memref<32x1024xf32, #tpu.memory_space<vmem>>) dst(%dma_wait3A_809 : memref<32x1024xf32, #tpu.memory_space<hbm>>)
    %dma_wait3A_814 = arith.constant 0 : i32
    %dma_wait3A_815 = arith.constant 0 : i32
    %dma_wait3A_816 = arith.constant 0 : i32
    %dma_wait3A_817 = arith.constant 0 : i32
    %dma_wait3A_818 = tpu.memref_slice %arg4[%dma_wait3A_814, %dma_wait3A_816, %dma_wait3A_817] : memref<2x32x1024xf32, #tpu.memory_space<vmem>> -> memref<1x32x1024xf32, #tpu.memory_space<vmem>>
    %dma_wait3A_819 = tpu.memref_squeeze %dma_wait3A_818 : memref<1x32x1024xf32, #tpu.memory_space<vmem>> -> memref<32x1024xf32, #tpu.memory_space<vmem>>
    %dma_wait3A_820 = arith.constant 0 : i32
    %dma_wait3A_821 = tpu.memref_slice %arg3[%dma_wait3A_815, %mul3A_2, %dma_wait3A_820] : memref<4x8192x1024xf32, #tpu.memory_space<hbm>> -> memref<1x32x1024xf32, #tpu.memory_space<hbm>>
    %dma_wait3A_822 = tpu.memref_squeeze %dma_wait3A_821 : memref<1x32x1024xf32, #tpu.memory_space<hbm>> -> memref<32x1024xf32, #tpu.memory_space<hbm>>
    %dma_wait3A_823 = arith.constant 0 : i32
    %dma_wait3A_824 = tpu.memref_slice %arg3[%dma_wait3A_815, %mul3A_2, %dma_wait3A_823] : memref<4x8192x1024xf32, #tpu.memory_space<hbm>> -> memref<1x32x1024xf32, #tpu.memory_space<hbm>>
    %dma_wait3A_825 = tpu.memref_squeeze %dma_wait3A_824 : memref<1x32x1024xf32, #tpu.memory_space<hbm>> -> memref<32x1024xf32, #tpu.memory_space<hbm>>
    %dma_wait3A_826 = arith.constant 0 : i32
    %dma_wait3A_827 = arith.constant 0 : i32
    %dma_wait3A_828 = tpu.memref_slice %arg4[%dma_wait3A_814, %dma_wait3A_826, %dma_wait3A_827] : memref<2x32x1024xf32, #tpu.memory_space<vmem>> -> memref<1x32x1024xf32, #tpu.memory_space<vmem>>
    %dma_wait3A_829 = tpu.memref_squeeze %dma_wait3A_828 : memref<1x32x1024xf32, #tpu.memory_space<vmem>> -> memref<32x1024xf32, #tpu.memory_space<vmem>>
    tpu.wait_dma2 semaphore(%arg6 : memref<!tpu.dma_semaphore, #tpu.memory_space<semaphore_mem>>) src(%dma_wait3A_829 : memref<32x1024xf32, #tpu.memory_space<vmem>>) dst(%dma_wait3A_825 : memref<32x1024xf32, #tpu.memory_space<hbm>>)
    %dma_wait3A_830 = arith.constant 0 : i32
    %dma_wait3A_831 = arith.constant 0 : i32
    %dma_wait3A_832 = arith.constant 0 : i32
    %dma_wait3A_833 = arith.constant 0 : i32
    %dma_wait3A_834 = tpu.memref_slice %arg4[%dma_wait3A_830, %dma_wait3A_832, %dma_wait3A_833] : memref<2x32x1024xf32, #tpu.memory_space<vmem>> -> memref<1x32x1024xf32, #tpu.memory_space<vmem>>
    %dma_wait3A_835 = tpu.memref_squeeze %dma_wait3A_834 : memref<1x32x1024xf32, #tpu.memory_space<vmem>> -> memref<32x1024xf32, #tpu.memory_space<vmem>>
    %dma_wait3A_836 = arith.constant 0 : i32
    %dma_wait3A_837 = tpu.memref_slice %arg3[%dma_wait3A_831, %mul3A_2, %dma_wait3A_836] : memref<4x8192x1024xf32, #tpu.memory_space<hbm>> -> memref<1x32x1024xf32, #tpu.memory_space<hbm>>
    %dma_wait3A_838 = tpu.memref_squeeze %dma_wait3A_837 : memref<1x32x1024xf32, #tpu.memory_space<hbm>> -> memref<32x1024xf32, #tpu.memory_space<hbm>>
    %dma_wait3A_839 = arith.constant 0 : i32
    %dma_wait3A_840 = tpu.memref_slice %arg3[%dma_wait3A_831, %mul3A_2, %dma_wait3A_839] : memref<4x8192x1024xf32, #tpu.memory_space<hbm>> -> memref<1x32x1024xf32, #tpu.memory_space<hbm>>
    %dma_wait3A_841 = tpu.memref_squeeze %dma_wait3A_840 : memref<1x32x1024xf32, #tpu.memory_space<hbm>> -> memref<32x1024xf32, #tpu.memory_space<hbm>>
    %dma_wait3A_842 = arith.constant 0 : i32
    %dma_wait3A_843 = arith.constant 0 : i32
    %dma_wait3A_844 = tpu.memref_slice %arg4[%dma_wait3A_830, %dma_wait3A_842, %dma_wait3A_843] : memref<2x32x1024xf32, #tpu.memory_space<vmem>> -> memref<1x32x1024xf32, #tpu.memory_space<vmem>>
    %dma_wait3A_845 = tpu.memref_squeeze %dma_wait3A_844 : memref<1x32x1024xf32, #tpu.memory_space<vmem>> -> memref<32x1024xf32, #tpu.memory_space<vmem>>
    tpu.wait_dma2 semaphore(%arg6 : memref<!tpu.dma_semaphore, #tpu.memory_space<semaphore_mem>>) src(%dma_wait3A_845 : memref<32x1024xf32, #tpu.memory_space<vmem>>) dst(%dma_wait3A_841 : memref<32x1024xf32, #tpu.memory_space<hbm>>)
    %add3A_846 = arith.constant 160 : i32
    %add3A_847 = arith.addi %mul3A_2, %add3A_846 : i32
    %dma_wait3A_848 = arith.constant 1 : i32
    %dma_wait3A_849 = arith.constant 0 : i32
    %dma_wait3A_850 = arith.constant 0 : i32
    %dma_wait3A_851 = tpu.memref_slice %arg4[%dma_wait3A_848, %dma_wait3A_849, %dma_wait3A_850] : memref<2x32x1024xf32, #tpu.memory_space<vmem>> -> memref<1x32x1024xf32, #tpu.memory_space<vmem>>
    %dma_wait3A_852 = tpu.memref_squeeze %dma_wait3A_851 : memref<1x32x1024xf32, #tpu.memory_space<vmem>> -> memref<32x1024xf32, #tpu.memory_space<vmem>>
    %dma_wait3A_853 = arith.constant 0 : i32
    %dma_wait3A_854 = tpu.memref_slice %arg2[%add3A_847, %dma_wait3A_853] : memref<8192x1024xf32, #tpu.memory_space<hbm>> -> memref<32x1024xf32, #tpu.memory_space<hbm>>
    %dma_wait3A_855 = arith.constant 0 : i32
    %dma_wait3A_856 = arith.constant 0 : i32
    %dma_wait3A_857 = tpu.memref_slice %arg4[%dma_wait3A_848, %dma_wait3A_855, %dma_wait3A_856] : memref<2x32x1024xf32, #tpu.memory_space<vmem>> -> memref<1x32x1024xf32, #tpu.memory_space<vmem>>
    %dma_wait3A_858 = tpu.memref_squeeze %dma_wait3A_857 : memref<1x32x1024xf32, #tpu.memory_space<vmem>> -> memref<32x1024xf32, #tpu.memory_space<vmem>>
    %dma_wait3A_859 = arith.constant 0 : i32
    %dma_wait3A_860 = tpu.memref_slice %arg2[%add3A_847, %dma_wait3A_859] : memref<8192x1024xf32, #tpu.memory_space<hbm>> -> memref<32x1024xf32, #tpu.memory_space<hbm>>
    tpu.wait_dma2 semaphore(%arg5 : memref<!tpu.dma_semaphore, #tpu.memory_space<semaphore_mem>>) src(%dma_wait3A_860 : memref<32x1024xf32, #tpu.memory_space<hbm>>) dst(%dma_wait3A_858 : memref<32x1024xf32, #tpu.memory_space<vmem>>)
    %add3A_861 = arith.constant 192 : i32
    %add3A_862 = arith.addi %mul3A_2, %add3A_861 : i32
    %dma_start3A_863 = arith.constant 0 : i32
    %dma_start3A_864 = arith.constant 0 : i32
    %dma_start3A_865 = arith.constant 0 : i32
    %dma_start3A_866 = tpu.memref_slice %arg4[%dma_start3A_863, %dma_start3A_864, %dma_start3A_865] : memref<2x32x1024xf32, #tpu.memory_space<vmem>> -> memref<1x32x1024xf32, #tpu.memory_space<vmem>>
    %dma_start3A_867 = tpu.memref_squeeze %dma_start3A_866 : memref<1x32x1024xf32, #tpu.memory_space<vmem>> -> memref<32x1024xf32, #tpu.memory_space<vmem>>
    %dma_start3A_868 = arith.constant 0 : i32
    %dma_start3A_869 = tpu.memref_slice %arg2[%add3A_862, %dma_start3A_868] : memref<8192x1024xf32, #tpu.memory_space<hbm>> -> memref<32x1024xf32, #tpu.memory_space<hbm>>
    %dma_start3A_870 = arith.constant 0 : i32
    %dma_start3A_871 = arith.constant 0 : i32
    %dma_start3A_872 = tpu.memref_slice %arg4[%dma_start3A_863, %dma_start3A_870, %dma_start3A_871] : memref<2x32x1024xf32, #tpu.memory_space<vmem>> -> memref<1x32x1024xf32, #tpu.memory_space<vmem>>
    %dma_start3A_873 = tpu.memref_squeeze %dma_start3A_872 : memref<1x32x1024xf32, #tpu.memory_space<vmem>> -> memref<32x1024xf32, #tpu.memory_space<vmem>>
    %dma_start3A_874 = arith.constant 0 : i32
    %dma_start3A_875 = tpu.memref_slice %arg2[%add3A_862, %dma_start3A_874] : memref<8192x1024xf32, #tpu.memory_space<hbm>> -> memref<32x1024xf32, #tpu.memory_space<hbm>>
    tpu.enqueue_dma source(%dma_start3A_875 : memref<32x1024xf32, #tpu.memory_space<hbm>>) target(%dma_start3A_873 : memref<32x1024xf32, #tpu.memory_space<vmem>>) target_semaphore(%arg5 : memref<!tpu.dma_semaphore, #tpu.memory_space<semaphore_mem>>)
    %add3A_876 = arith.constant 160 : i32
    %add3A_877 = arith.addi %mul3A_2, %add3A_876 : i32
    %dma_start3A_878 = arith.constant 1 : i32
    %dma_start3A_879 = arith.constant 0 : i32
    %dma_start3A_880 = arith.constant 0 : i32
    %dma_start3A_881 = arith.constant 0 : i32
    %dma_start3A_882 = tpu.memref_slice %arg4[%dma_start3A_878, %dma_start3A_880, %dma_start3A_881] : memref<2x32x1024xf32, #tpu.memory_space<vmem>> -> memref<1x32x1024xf32, #tpu.memory_space<vmem>>
    %dma_start3A_883 = tpu.memref_squeeze %dma_start3A_882 : memref<1x32x1024xf32, #tpu.memory_space<vmem>> -> memref<32x1024xf32, #tpu.memory_space<vmem>>
    %dma_start3A_884 = arith.constant 0 : i32
    %dma_start3A_885 = tpu.memref_slice %arg3[%dma_start3A_879, %add3A_877, %dma_start3A_884] : memref<4x8192x1024xf32, #tpu.memory_space<hbm>> -> memref<1x32x1024xf32, #tpu.memory_space<hbm>>
    %dma_start3A_886 = tpu.memref_squeeze %dma_start3A_885 : memref<1x32x1024xf32, #tpu.memory_space<hbm>> -> memref<32x1024xf32, #tpu.memory_space<hbm>>
    %dma_start3A_887 = arith.constant 0 : i32
    %dma_start3A_888 = tpu.memref_slice %arg3[%dma_start3A_879, %add3A_877, %dma_start3A_887] : memref<4x8192x1024xf32, #tpu.memory_space<hbm>> -> memref<1x32x1024xf32, #tpu.memory_space<hbm>>
    %dma_start3A_889 = tpu.memref_squeeze %dma_start3A_888 : memref<1x32x1024xf32, #tpu.memory_space<hbm>> -> memref<32x1024xf32, #tpu.memory_space<hbm>>
    %dma_start3A_890 = arith.constant 0 : i32
    %dma_start3A_891 = arith.constant 0 : i32
    %dma_start3A_892 = tpu.memref_slice %arg4[%dma_start3A_878, %dma_start3A_890, %dma_start3A_891] : memref<2x32x1024xf32, #tpu.memory_space<vmem>> -> memref<1x32x1024xf32, #tpu.memory_space<vmem>>
    %dma_start3A_893 = tpu.memref_squeeze %dma_start3A_892 : memref<1x32x1024xf32, #tpu.memory_space<vmem>> -> memref<32x1024xf32, #tpu.memory_space<vmem>>
    tpu.enqueue_dma source(%dma_start3A_893 : memref<32x1024xf32, #tpu.memory_space<vmem>>) target(%dma_start3A_889 : memref<32x1024xf32, #tpu.memory_space<hbm>>) target_semaphore(%arg6 : memref<!tpu.dma_semaphore, #tpu.memory_space<semaphore_mem>>)
    %add3A_894 = arith.constant 160 : i32
    %add3A_895 = arith.addi %mul3A_2, %add3A_894 : i32
    %dma_start3A_896 = arith.constant 1 : i32
    %dma_start3A_897 = arith.constant 1 : i32
    %dma_start3A_898 = arith.constant 0 : i32
    %dma_start3A_899 = arith.constant 0 : i32
    %dma_start3A_900 = tpu.memref_slice %arg4[%dma_start3A_896, %dma_start3A_898, %dma_start3A_899] : memref<2x32x1024xf32, #tpu.memory_space<vmem>> -> memref<1x32x1024xf32, #tpu.memory_space<vmem>>
    %dma_start3A_901 = tpu.memref_squeeze %dma_start3A_900 : memref<1x32x1024xf32, #tpu.memory_space<vmem>> -> memref<32x1024xf32, #tpu.memory_space<vmem>>
    %dma_start3A_902 = arith.constant 0 : i32
    %dma_start3A_903 = tpu.memref_slice %arg3[%dma_start3A_897, %add3A_895, %dma_start3A_902] : memref<4x8192x1024xf32, #tpu.memory_space<hbm>> -> memref<1x32x1024xf32, #tpu.memory_space<hbm>>
    %dma_start3A_904 = tpu.memref_squeeze %dma_start3A_903 : memref<1x32x1024xf32, #tpu.memory_space<hbm>> -> memref<32x1024xf32, #tpu.memory_space<hbm>>
    %dma_start3A_905 = arith.constant 0 : i32
    %dma_start3A_906 = tpu.memref_slice %arg3[%dma_start3A_897, %add3A_895, %dma_start3A_905] : memref<4x8192x1024xf32, #tpu.memory_space<hbm>> -> memref<1x32x1024xf32, #tpu.memory_space<hbm>>
    %dma_start3A_907 = tpu.memref_squeeze %dma_start3A_906 : memref<1x32x1024xf32, #tpu.memory_space<hbm>> -> memref<32x1024xf32, #tpu.memory_space<hbm>>
    %dma_start3A_908 = arith.constant 0 : i32
    %dma_start3A_909 = arith.constant 0 : i32
    %dma_start3A_910 = tpu.memref_slice %arg4[%dma_start3A_896, %dma_start3A_908, %dma_start3A_909] : memref<2x32x1024xf32, #tpu.memory_space<vmem>> -> memref<1x32x1024xf32, #tpu.memory_space<vmem>>
    %dma_start3A_911 = tpu.memref_squeeze %dma_start3A_910 : memref<1x32x1024xf32, #tpu.memory_space<vmem>> -> memref<32x1024xf32, #tpu.memory_space<vmem>>
    tpu.enqueue_dma source(%dma_start3A_911 : memref<32x1024xf32, #tpu.memory_space<vmem>>) target(%dma_start3A_907 : memref<32x1024xf32, #tpu.memory_space<hbm>>) target_semaphore(%arg6 : memref<!tpu.dma_semaphore, #tpu.memory_space<semaphore_mem>>)
    %add3A_912 = arith.constant 160 : i32
    %add3A_913 = arith.addi %mul3A_2, %add3A_912 : i32
    %dma_start3A_914 = arith.constant 1 : i32
    %dma_start3A_915 = arith.constant 2 : i32
    %dma_start3A_916 = arith.constant 0 : i32
    %dma_start3A_917 = arith.constant 0 : i32
    %dma_start3A_918 = tpu.memref_slice %arg4[%dma_start3A_914, %dma_start3A_916, %dma_start3A_917] : memref<2x32x1024xf32, #tpu.memory_space<vmem>> -> memref<1x32x1024xf32, #tpu.memory_space<vmem>>
    %dma_start3A_919 = tpu.memref_squeeze %dma_start3A_918 : memref<1x32x1024xf32, #tpu.memory_space<vmem>> -> memref<32x1024xf32, #tpu.memory_space<vmem>>
    %dma_start3A_920 = arith.constant 0 : i32
    %dma_start3A_921 = tpu.memref_slice %arg3[%dma_start3A_915, %add3A_913, %dma_start3A_920] : memref<4x8192x1024xf32, #tpu.memory_space<hbm>> -> memref<1x32x1024xf32, #tpu.memory_space<hbm>>
    %dma_start3A_922 = tpu.memref_squeeze %dma_start3A_921 : memref<1x32x1024xf32, #tpu.memory_space<hbm>> -> memref<32x1024xf32, #tpu.memory_space<hbm>>
    %dma_start3A_923 = arith.constant 0 : i32
    %dma_start3A_924 = tpu.memref_slice %arg3[%dma_start3A_915, %add3A_913, %dma_start3A_923] : memref<4x8192x1024xf32, #tpu.memory_space<hbm>> -> memref<1x32x1024xf32, #tpu.memory_space<hbm>>
    %dma_start3A_925 = tpu.memref_squeeze %dma_start3A_924 : memref<1x32x1024xf32, #tpu.memory_space<hbm>> -> memref<32x1024xf32, #tpu.memory_space<hbm>>
    %dma_start3A_926 = arith.constant 0 : i32
    %dma_start3A_927 = arith.constant 0 : i32
    %dma_start3A_928 = tpu.memref_slice %arg4[%dma_start3A_914, %dma_start3A_926, %dma_start3A_927] : memref<2x32x1024xf32, #tpu.memory_space<vmem>> -> memref<1x32x1024xf32, #tpu.memory_space<vmem>>
    %dma_start3A_929 = tpu.memref_squeeze %dma_start3A_928 : memref<1x32x1024xf32, #tpu.memory_space<vmem>> -> memref<32x1024xf32, #tpu.memory_space<vmem>>
    tpu.enqueue_dma source(%dma_start3A_929 : memref<32x1024xf32, #tpu.memory_space<vmem>>) target(%dma_start3A_925 : memref<32x1024xf32, #tpu.memory_space<hbm>>) target_semaphore(%arg6 : memref<!tpu.dma_semaphore, #tpu.memory_space<semaphore_mem>>)
    %add3A_930 = arith.constant 160 : i32
    %add3A_931 = arith.addi %mul3A_2, %add3A_930 : i32
    %dma_start3A_932 = arith.constant 1 : i32
    %dma_start3A_933 = arith.constant 3 : i32
    %dma_start3A_934 = arith.constant 0 : i32
    %dma_start3A_935 = arith.constant 0 : i32
    %dma_start3A_936 = tpu.memref_slice %arg4[%dma_start3A_932, %dma_start3A_934, %dma_start3A_935] : memref<2x32x1024xf32, #tpu.memory_space<vmem>> -> memref<1x32x1024xf32, #tpu.memory_space<vmem>>
    %dma_start3A_937 = tpu.memref_squeeze %dma_start3A_936 : memref<1x32x1024xf32, #tpu.memory_space<vmem>> -> memref<32x1024xf32, #tpu.memory_space<vmem>>
    %dma_start3A_938 = arith.constant 0 : i32
    %dma_start3A_939 = tpu.memref_slice %arg3[%dma_start3A_933, %add3A_931, %dma_start3A_938] : memref<4x8192x1024xf32, #tpu.memory_space<hbm>> -> memref<1x32x1024xf32, #tpu.memory_space<hbm>>
    %dma_start3A_940 = tpu.memref_squeeze %dma_start3A_939 : memref<1x32x1024xf32, #tpu.memory_space<hbm>> -> memref<32x1024xf32, #tpu.memory_space<hbm>>
    %dma_start3A_941 = arith.constant 0 : i32
    %dma_start3A_942 = tpu.memref_slice %arg3[%dma_start3A_933, %add3A_931, %dma_start3A_941] : memref<4x8192x1024xf32, #tpu.memory_space<hbm>> -> memref<1x32x1024xf32, #tpu.memory_space<hbm>>
    %dma_start3A_943 = tpu.memref_squeeze %dma_start3A_942 : memref<1x32x1024xf32, #tpu.memory_space<hbm>> -> memref<32x1024xf32, #tpu.memory_space<hbm>>
    %dma_start3A_944 = arith.constant 0 : i32
    %dma_start3A_945 = arith.constant 0 : i32
    %dma_start3A_946 = tpu.memref_slice %arg4[%dma_start3A_932, %dma_start3A_944, %dma_start3A_945] : memref<2x32x1024xf32, #tpu.memory_space<vmem>> -> memref<1x32x1024xf32, #tpu.memory_space<vmem>>
    %dma_start3A_947 = tpu.memref_squeeze %dma_start3A_946 : memref<1x32x1024xf32, #tpu.memory_space<vmem>> -> memref<32x1024xf32, #tpu.memory_space<vmem>>
    tpu.enqueue_dma source(%dma_start3A_947 : memref<32x1024xf32, #tpu.memory_space<vmem>>) target(%dma_start3A_943 : memref<32x1024xf32, #tpu.memory_space<hbm>>) target_semaphore(%arg6 : memref<!tpu.dma_semaphore, #tpu.memory_space<semaphore_mem>>)
    %dma_wait3A_948 = arith.constant 1 : i32
    %dma_wait3A_949 = arith.constant 0 : i32
    %dma_wait3A_950 = arith.constant 0 : i32
    %dma_wait3A_951 = arith.constant 0 : i32
    %dma_wait3A_952 = tpu.memref_slice %arg4[%dma_wait3A_948, %dma_wait3A_950, %dma_wait3A_951] : memref<2x32x1024xf32, #tpu.memory_space<vmem>> -> memref<1x32x1024xf32, #tpu.memory_space<vmem>>
    %dma_wait3A_953 = tpu.memref_squeeze %dma_wait3A_952 : memref<1x32x1024xf32, #tpu.memory_space<vmem>> -> memref<32x1024xf32, #tpu.memory_space<vmem>>
    %dma_wait3A_954 = arith.constant 0 : i32
    %dma_wait3A_955 = tpu.memref_slice %arg3[%dma_wait3A_949, %mul3A_2, %dma_wait3A_954] : memref<4x8192x1024xf32, #tpu.memory_space<hbm>> -> memref<1x32x1024xf32, #tpu.memory_space<hbm>>
    %dma_wait3A_956 = tpu.memref_squeeze %dma_wait3A_955 : memref<1x32x1024xf32, #tpu.memory_space<hbm>> -> memref<32x1024xf32, #tpu.memory_space<hbm>>
    %dma_wait3A_957 = arith.constant 0 : i32
    %dma_wait3A_958 = tpu.memref_slice %arg3[%dma_wait3A_949, %mul3A_2, %dma_wait3A_957] : memref<4x8192x1024xf32, #tpu.memory_space<hbm>> -> memref<1x32x1024xf32, #tpu.memory_space<hbm>>
    %dma_wait3A_959 = tpu.memref_squeeze %dma_wait3A_958 : memref<1x32x1024xf32, #tpu.memory_space<hbm>> -> memref<32x1024xf32, #tpu.memory_space<hbm>>
    %dma_wait3A_960 = arith.constant 0 : i32
    %dma_wait3A_961 = arith.constant 0 : i32
    %dma_wait3A_962 = tpu.memref_slice %arg4[%dma_wait3A_948, %dma_wait3A_960, %dma_wait3A_961] : memref<2x32x1024xf32, #tpu.memory_space<vmem>> -> memref<1x32x1024xf32, #tpu.memory_space<vmem>>
    %dma_wait3A_963 = tpu.memref_squeeze %dma_wait3A_962 : memref<1x32x1024xf32, #tpu.memory_space<vmem>> -> memref<32x1024xf32, #tpu.memory_space<vmem>>
    tpu.wait_dma2 semaphore(%arg6 : memref<!tpu.dma_semaphore, #tpu.memory_space<semaphore_mem>>) src(%dma_wait3A_963 : memref<32x1024xf32, #tpu.memory_space<vmem>>) dst(%dma_wait3A_959 : memref<32x1024xf32, #tpu.memory_space<hbm>>)
    %dma_wait3A_964 = arith.constant 1 : i32
    %dma_wait3A_965 = arith.constant 0 : i32
    %dma_wait3A_966 = arith.constant 0 : i32
    %dma_wait3A_967 = arith.constant 0 : i32
    %dma_wait3A_968 = tpu.memref_slice %arg4[%dma_wait3A_964, %dma_wait3A_966, %dma_wait3A_967] : memref<2x32x1024xf32, #tpu.memory_space<vmem>> -> memref<1x32x1024xf32, #tpu.memory_space<vmem>>
    %dma_wait3A_969 = tpu.memref_squeeze %dma_wait3A_968 : memref<1x32x1024xf32, #tpu.memory_space<vmem>> -> memref<32x1024xf32, #tpu.memory_space<vmem>>
    %dma_wait3A_970 = arith.constant 0 : i32
    %dma_wait3A_971 = tpu.memref_slice %arg3[%dma_wait3A_965, %mul3A_2, %dma_wait3A_970] : memref<4x8192x1024xf32, #tpu.memory_space<hbm>> -> memref<1x32x1024xf32, #tpu.memory_space<hbm>>
    %dma_wait3A_972 = tpu.memref_squeeze %dma_wait3A_971 : memref<1x32x1024xf32, #tpu.memory_space<hbm>> -> memref<32x1024xf32, #tpu.memory_space<hbm>>
    %dma_wait3A_973 = arith.constant 0 : i32
    %dma_wait3A_974 = tpu.memref_slice %arg3[%dma_wait3A_965, %mul3A_2, %dma_wait3A_973] : memref<4x8192x1024xf32, #tpu.memory_space<hbm>> -> memref<1x32x1024xf32, #tpu.memory_space<hbm>>
    %dma_wait3A_975 = tpu.memref_squeeze %dma_wait3A_974 : memref<1x32x1024xf32, #tpu.memory_space<hbm>> -> memref<32x1024xf32, #tpu.memory_space<hbm>>
    %dma_wait3A_976 = arith.constant 0 : i32
    %dma_wait3A_977 = arith.constant 0 : i32
    %dma_wait3A_978 = tpu.memref_slice %arg4[%dma_wait3A_964, %dma_wait3A_976, %dma_wait3A_977] : memref<2x32x1024xf32, #tpu.memory_space<vmem>> -> memref<1x32x1024xf32, #tpu.memory_space<vmem>>
    %dma_wait3A_979 = tpu.memref_squeeze %dma_wait3A_978 : memref<1x32x1024xf32, #tpu.memory_space<vmem>> -> memref<32x1024xf32, #tpu.memory_space<vmem>>
    tpu.wait_dma2 semaphore(%arg6 : memref<!tpu.dma_semaphore, #tpu.memory_space<semaphore_mem>>) src(%dma_wait3A_979 : memref<32x1024xf32, #tpu.memory_space<vmem>>) dst(%dma_wait3A_975 : memref<32x1024xf32, #tpu.memory_space<hbm>>)
    %dma_wait3A_980 = arith.constant 1 : i32
    %dma_wait3A_981 = arith.constant 0 : i32
    %dma_wait3A_982 = arith.constant 0 : i32
    %dma_wait3A_983 = arith.constant 0 : i32
    %dma_wait3A_984 = tpu.memref_slice %arg4[%dma_wait3A_980, %dma_wait3A_982, %dma_wait3A_983] : memref<2x32x1024xf32, #tpu.memory_space<vmem>> -> memref<1x32x1024xf32, #tpu.memory_space<vmem>>
    %dma_wait3A_985 = tpu.memref_squeeze %dma_wait3A_984 : memref<1x32x1024xf32, #tpu.memory_space<vmem>> -> memref<32x1024xf32, #tpu.memory_space<vmem>>
    %dma_wait3A_986 = arith.constant 0 : i32
    %dma_wait3A_987 = tpu.memref_slice %arg3[%dma_wait3A_981, %mul3A_2, %dma_wait3A_986] : memref<4x8192x1024xf32, #tpu.memory_space<hbm>> -> memref<1x32x1024xf32, #tpu.memory_space<hbm>>
    %dma_wait3A_988 = tpu.memref_squeeze %dma_wait3A_987 : memref<1x32x1024xf32, #tpu.memory_space<hbm>> -> memref<32x1024xf32, #tpu.memory_space<hbm>>
    %dma_wait3A_989 = arith.constant 0 : i32
    %dma_wait3A_990 = tpu.memref_slice %arg3[%dma_wait3A_981, %mul3A_2, %dma_wait3A_989] : memref<4x8192x1024xf32, #tpu.memory_space<hbm>> -> memref<1x32x1024xf32, #tpu.memory_space<hbm>>
    %dma_wait3A_991 = tpu.memref_squeeze %dma_wait3A_990 : memref<1x32x1024xf32, #tpu.memory_space<hbm>> -> memref<32x1024xf32, #tpu.memory_space<hbm>>
    %dma_wait3A_992 = arith.constant 0 : i32
    %dma_wait3A_993 = arith.constant 0 : i32
    %dma_wait3A_994 = tpu.memref_slice %arg4[%dma_wait3A_980, %dma_wait3A_992, %dma_wait3A_993] : memref<2x32x1024xf32, #tpu.memory_space<vmem>> -> memref<1x32x1024xf32, #tpu.memory_space<vmem>>
    %dma_wait3A_995 = tpu.memref_squeeze %dma_wait3A_994 : memref<1x32x1024xf32, #tpu.memory_space<vmem>> -> memref<32x1024xf32, #tpu.memory_space<vmem>>
    tpu.wait_dma2 semaphore(%arg6 : memref<!tpu.dma_semaphore, #tpu.memory_space<semaphore_mem>>) src(%dma_wait3A_995 : memref<32x1024xf32, #tpu.memory_space<vmem>>) dst(%dma_wait3A_991 : memref<32x1024xf32, #tpu.memory_space<hbm>>)
    %dma_wait3A_996 = arith.constant 1 : i32
    %dma_wait3A_997 = arith.constant 0 : i32
    %dma_wait3A_998 = arith.constant 0 : i32
    %dma_wait3A_999 = arith.constant 0 : i32
    %dma_wait3A_1000 = tpu.memref_slice %arg4[%dma_wait3A_996, %dma_wait3A_998, %dma_wait3A_999] : memref<2x32x1024xf32, #tpu.memory_space<vmem>> -> memref<1x32x1024xf32, #tpu.memory_space<vmem>>
    %dma_wait3A_1001 = tpu.memref_squeeze %dma_wait3A_1000 : memref<1x32x1024xf32, #tpu.memory_space<vmem>> -> memref<32x1024xf32, #tpu.memory_space<vmem>>
    %dma_wait3A_1002 = arith.constant 0 : i32
    %dma_wait3A_1003 = tpu.memref_slice %arg3[%dma_wait3A_997, %mul3A_2, %dma_wait3A_1002] : memref<4x8192x1024xf32, #tpu.memory_space<hbm>> -> memref<1x32x1024xf32, #tpu.memory_space<hbm>>
    %dma_wait3A_1004 = tpu.memref_squeeze %dma_wait3A_1003 : memref<1x32x1024xf32, #tpu.memory_space<hbm>> -> memref<32x1024xf32, #tpu.memory_space<hbm>>
    %dma_wait3A_1005 = arith.constant 0 : i32
    %dma_wait3A_1006 = tpu.memref_slice %arg3[%dma_wait3A_997, %mul3A_2, %dma_wait3A_1005] : memref<4x8192x1024xf32, #tpu.memory_space<hbm>> -> memref<1x32x1024xf32, #tpu.memory_space<hbm>>
    %dma_wait3A_1007 = tpu.memref_squeeze %dma_wait3A_1006 : memref<1x32x1024xf32, #tpu.memory_space<hbm>> -> memref<32x1024xf32, #tpu.memory_space<hbm>>
    %dma_wait3A_1008 = arith.constant 0 : i32
    %dma_wait3A_1009 = arith.constant 0 : i32
    %dma_wait3A_1010 = tpu.memref_slice %arg4[%dma_wait3A_996, %dma_wait3A_1008, %dma_wait3A_1009] : memref<2x32x1024xf32, #tpu.memory_space<vmem>> -> memref<1x32x1024xf32, #tpu.memory_space<vmem>>
    %dma_wait3A_1011 = tpu.memref_squeeze %dma_wait3A_1010 : memref<1x32x1024xf32, #tpu.memory_space<vmem>> -> memref<32x1024xf32, #tpu.memory_space<vmem>>
    tpu.wait_dma2 semaphore(%arg6 : memref<!tpu.dma_semaphore, #tpu.memory_space<semaphore_mem>>) src(%dma_wait3A_1011 : memref<32x1024xf32, #tpu.memory_space<vmem>>) dst(%dma_wait3A_1007 : memref<32x1024xf32, #tpu.memory_space<hbm>>)
    %add3A_1012 = arith.constant 192 : i32
    %add3A_1013 = arith.addi %mul3A_2, %add3A_1012 : i32
    %dma_wait3A_1014 = arith.constant 0 : i32
    %dma_wait3A_1015 = arith.constant 0 : i32
    %dma_wait3A_1016 = arith.constant 0 : i32
    %dma_wait3A_1017 = tpu.memref_slice %arg4[%dma_wait3A_1014, %dma_wait3A_1015, %dma_wait3A_1016] : memref<2x32x1024xf32, #tpu.memory_space<vmem>> -> memref<1x32x1024xf32, #tpu.memory_space<vmem>>
    %dma_wait3A_1018 = tpu.memref_squeeze %dma_wait3A_1017 : memref<1x32x1024xf32, #tpu.memory_space<vmem>> -> memref<32x1024xf32, #tpu.memory_space<vmem>>
    %dma_wait3A_1019 = arith.constant 0 : i32
    %dma_wait3A_1020 = tpu.memref_slice %arg2[%add3A_1013, %dma_wait3A_1019] : memref<8192x1024xf32, #tpu.memory_space<hbm>> -> memref<32x1024xf32, #tpu.memory_space<hbm>>
    %dma_wait3A_1021 = arith.constant 0 : i32
    %dma_wait3A_1022 = arith.constant 0 : i32
    %dma_wait3A_1023 = tpu.memref_slice %arg4[%dma_wait3A_1014, %dma_wait3A_1021, %dma_wait3A_1022] : memref<2x32x1024xf32, #tpu.memory_space<vmem>> -> memref<1x32x1024xf32, #tpu.memory_space<vmem>>
    %dma_wait3A_1024 = tpu.memref_squeeze %dma_wait3A_1023 : memref<1x32x1024xf32, #tpu.memory_space<vmem>> -> memref<32x1024xf32, #tpu.memory_space<vmem>>
    %dma_wait3A_1025 = arith.constant 0 : i32
    %dma_wait3A_1026 = tpu.memref_slice %arg2[%add3A_1013, %dma_wait3A_1025] : memref<8192x1024xf32, #tpu.memory_space<hbm>> -> memref<32x1024xf32, #tpu.memory_space<hbm>>
    tpu.wait_dma2 semaphore(%arg5 : memref<!tpu.dma_semaphore, #tpu.memory_space<semaphore_mem>>) src(%dma_wait3A_1026 : memref<32x1024xf32, #tpu.memory_space<hbm>>) dst(%dma_wait3A_1024 : memref<32x1024xf32, #tpu.memory_space<vmem>>)
    %add3A_1027 = arith.constant 224 : i32
    %add3A_1028 = arith.addi %mul3A_2, %add3A_1027 : i32
    %dma_start3A_1029 = arith.constant 1 : i32
    %dma_start3A_1030 = arith.constant 0 : i32
    %dma_start3A_1031 = arith.constant 0 : i32
    %dma_start3A_1032 = tpu.memref_slice %arg4[%dma_start3A_1029, %dma_start3A_1030, %dma_start3A_1031] : memref<2x32x1024xf32, #tpu.memory_space<vmem>> -> memref<1x32x1024xf32, #tpu.memory_space<vmem>>
    %dma_start3A_1033 = tpu.memref_squeeze %dma_start3A_1032 : memref<1x32x1024xf32, #tpu.memory_space<vmem>> -> memref<32x1024xf32, #tpu.memory_space<vmem>>
    %dma_start3A_1034 = arith.constant 0 : i32
    %dma_start3A_1035 = tpu.memref_slice %arg2[%add3A_1028, %dma_start3A_1034] : memref<8192x1024xf32, #tpu.memory_space<hbm>> -> memref<32x1024xf32, #tpu.memory_space<hbm>>
    %dma_start3A_1036 = arith.constant 0 : i32
    %dma_start3A_1037 = arith.constant 0 : i32
    %dma_start3A_1038 = tpu.memref_slice %arg4[%dma_start3A_1029, %dma_start3A_1036, %dma_start3A_1037] : memref<2x32x1024xf32, #tpu.memory_space<vmem>> -> memref<1x32x1024xf32, #tpu.memory_space<vmem>>
    %dma_start3A_1039 = tpu.memref_squeeze %dma_start3A_1038 : memref<1x32x1024xf32, #tpu.memory_space<vmem>> -> memref<32x1024xf32, #tpu.memory_space<vmem>>
    %dma_start3A_1040 = arith.constant 0 : i32
    %dma_start3A_1041 = tpu.memref_slice %arg2[%add3A_1028, %dma_start3A_1040] : memref<8192x1024xf32, #tpu.memory_space<hbm>> -> memref<32x1024xf32, #tpu.memory_space<hbm>>
    tpu.enqueue_dma source(%dma_start3A_1041 : memref<32x1024xf32, #tpu.memory_space<hbm>>) target(%dma_start3A_1039 : memref<32x1024xf32, #tpu.memory_space<vmem>>) target_semaphore(%arg5 : memref<!tpu.dma_semaphore, #tpu.memory_space<semaphore_mem>>)
    %add3A_1042 = arith.constant 192 : i32
    %add3A_1043 = arith.addi %mul3A_2, %add3A_1042 : i32
    %dma_start3A_1044 = arith.constant 0 : i32
    %dma_start3A_1045 = arith.constant 0 : i32
    %dma_start3A_1046 = arith.constant 0 : i32
    %dma_start3A_1047 = arith.constant 0 : i32
    %dma_start3A_1048 = tpu.memref_slice %arg4[%dma_start3A_1044, %dma_start3A_1046, %dma_start3A_1047] : memref<2x32x1024xf32, #tpu.memory_space<vmem>> -> memref<1x32x1024xf32, #tpu.memory_space<vmem>>
    %dma_start3A_1049 = tpu.memref_squeeze %dma_start3A_1048 : memref<1x32x1024xf32, #tpu.memory_space<vmem>> -> memref<32x1024xf32, #tpu.memory_space<vmem>>
    %dma_start3A_1050 = arith.constant 0 : i32
    %dma_start3A_1051 = tpu.memref_slice %arg3[%dma_start3A_1045, %add3A_1043, %dma_start3A_1050] : memref<4x8192x1024xf32, #tpu.memory_space<hbm>> -> memref<1x32x1024xf32, #tpu.memory_space<hbm>>
    %dma_start3A_1052 = tpu.memref_squeeze %dma_start3A_1051 : memref<1x32x1024xf32, #tpu.memory_space<hbm>> -> memref<32x1024xf32, #tpu.memory_space<hbm>>
    %dma_start3A_1053 = arith.constant 0 : i32
    %dma_start3A_1054 = tpu.memref_slice %arg3[%dma_start3A_1045, %add3A_1043, %dma_start3A_1053] : memref<4x8192x1024xf32, #tpu.memory_space<hbm>> -> memref<1x32x1024xf32, #tpu.memory_space<hbm>>
    %dma_start3A_1055 = tpu.memref_squeeze %dma_start3A_1054 : memref<1x32x1024xf32, #tpu.memory_space<hbm>> -> memref<32x1024xf32, #tpu.memory_space<hbm>>
    %dma_start3A_1056 = arith.constant 0 : i32
    %dma_start3A_1057 = arith.constant 0 : i32
    %dma_start3A_1058 = tpu.memref_slice %arg4[%dma_start3A_1044, %dma_start3A_1056, %dma_start3A_1057] : memref<2x32x1024xf32, #tpu.memory_space<vmem>> -> memref<1x32x1024xf32, #tpu.memory_space<vmem>>
    %dma_start3A_1059 = tpu.memref_squeeze %dma_start3A_1058 : memref<1x32x1024xf32, #tpu.memory_space<vmem>> -> memref<32x1024xf32, #tpu.memory_space<vmem>>
    tpu.enqueue_dma source(%dma_start3A_1059 : memref<32x1024xf32, #tpu.memory_space<vmem>>) target(%dma_start3A_1055 : memref<32x1024xf32, #tpu.memory_space<hbm>>) target_semaphore(%arg6 : memref<!tpu.dma_semaphore, #tpu.memory_space<semaphore_mem>>)
    %add3A_1060 = arith.constant 192 : i32
    %add3A_1061 = arith.addi %mul3A_2, %add3A_1060 : i32
    %dma_start3A_1062 = arith.constant 0 : i32
    %dma_start3A_1063 = arith.constant 1 : i32
    %dma_start3A_1064 = arith.constant 0 : i32
    %dma_start3A_1065 = arith.constant 0 : i32
    %dma_start3A_1066 = tpu.memref_slice %arg4[%dma_start3A_1062, %dma_start3A_1064, %dma_start3A_1065] : memref<2x32x1024xf32, #tpu.memory_space<vmem>> -> memref<1x32x1024xf32, #tpu.memory_space<vmem>>
    %dma_start3A_1067 = tpu.memref_squeeze %dma_start3A_1066 : memref<1x32x1024xf32, #tpu.memory_space<vmem>> -> memref<32x1024xf32, #tpu.memory_space<vmem>>
    %dma_start3A_1068 = arith.constant 0 : i32
    %dma_start3A_1069 = tpu.memref_slice %arg3[%dma_start3A_1063, %add3A_1061, %dma_start3A_1068] : memref<4x8192x1024xf32, #tpu.memory_space<hbm>> -> memref<1x32x1024xf32, #tpu.memory_space<hbm>>
    %dma_start3A_1070 = tpu.memref_squeeze %dma_start3A_1069 : memref<1x32x1024xf32, #tpu.memory_space<hbm>> -> memref<32x1024xf32, #tpu.memory_space<hbm>>
    %dma_start3A_1071 = arith.constant 0 : i32
    %dma_start3A_1072 = tpu.memref_slice %arg3[%dma_start3A_1063, %add3A_1061, %dma_start3A_1071] : memref<4x8192x1024xf32, #tpu.memory_space<hbm>> -> memref<1x32x1024xf32, #tpu.memory_space<hbm>>
    %dma_start3A_1073 = tpu.memref_squeeze %dma_start3A_1072 : memref<1x32x1024xf32, #tpu.memory_space<hbm>> -> memref<32x1024xf32, #tpu.memory_space<hbm>>
    %dma_start3A_1074 = arith.constant 0 : i32
    %dma_start3A_1075 = arith.constant 0 : i32
    %dma_start3A_1076 = tpu.memref_slice %arg4[%dma_start3A_1062, %dma_start3A_1074, %dma_start3A_1075] : memref<2x32x1024xf32, #tpu.memory_space<vmem>> -> memref<1x32x1024xf32, #tpu.memory_space<vmem>>
    %dma_start3A_1077 = tpu.memref_squeeze %dma_start3A_1076 : memref<1x32x1024xf32, #tpu.memory_space<vmem>> -> memref<32x1024xf32, #tpu.memory_space<vmem>>
    tpu.enqueue_dma source(%dma_start3A_1077 : memref<32x1024xf32, #tpu.memory_space<vmem>>) target(%dma_start3A_1073 : memref<32x1024xf32, #tpu.memory_space<hbm>>) target_semaphore(%arg6 : memref<!tpu.dma_semaphore, #tpu.memory_space<semaphore_mem>>)
    %add3A_1078 = arith.constant 192 : i32
    %add3A_1079 = arith.addi %mul3A_2, %add3A_1078 : i32
    %dma_start3A_1080 = arith.constant 0 : i32
    %dma_start3A_1081 = arith.constant 2 : i32
    %dma_start3A_1082 = arith.constant 0 : i32
    %dma_start3A_1083 = arith.constant 0 : i32
    %dma_start3A_1084 = tpu.memref_slice %arg4[%dma_start3A_1080, %dma_start3A_1082, %dma_start3A_1083] : memref<2x32x1024xf32, #tpu.memory_space<vmem>> -> memref<1x32x1024xf32, #tpu.memory_space<vmem>>
    %dma_start3A_1085 = tpu.memref_squeeze %dma_start3A_1084 : memref<1x32x1024xf32, #tpu.memory_space<vmem>> -> memref<32x1024xf32, #tpu.memory_space<vmem>>
    %dma_start3A_1086 = arith.constant 0 : i32
    %dma_start3A_1087 = tpu.memref_slice %arg3[%dma_start3A_1081, %add3A_1079, %dma_start3A_1086] : memref<4x8192x1024xf32, #tpu.memory_space<hbm>> -> memref<1x32x1024xf32, #tpu.memory_space<hbm>>
    %dma_start3A_1088 = tpu.memref_squeeze %dma_start3A_1087 : memref<1x32x1024xf32, #tpu.memory_space<hbm>> -> memref<32x1024xf32, #tpu.memory_space<hbm>>
    %dma_start3A_1089 = arith.constant 0 : i32
    %dma_start3A_1090 = tpu.memref_slice %arg3[%dma_start3A_1081, %add3A_1079, %dma_start3A_1089] : memref<4x8192x1024xf32, #tpu.memory_space<hbm>> -> memref<1x32x1024xf32, #tpu.memory_space<hbm>>
    %dma_start3A_1091 = tpu.memref_squeeze %dma_start3A_1090 : memref<1x32x1024xf32, #tpu.memory_space<hbm>> -> memref<32x1024xf32, #tpu.memory_space<hbm>>
    %dma_start3A_1092 = arith.constant 0 : i32
    %dma_start3A_1093 = arith.constant 0 : i32
    %dma_start3A_1094 = tpu.memref_slice %arg4[%dma_start3A_1080, %dma_start3A_1092, %dma_start3A_1093] : memref<2x32x1024xf32, #tpu.memory_space<vmem>> -> memref<1x32x1024xf32, #tpu.memory_space<vmem>>
    %dma_start3A_1095 = tpu.memref_squeeze %dma_start3A_1094 : memref<1x32x1024xf32, #tpu.memory_space<vmem>> -> memref<32x1024xf32, #tpu.memory_space<vmem>>
    tpu.enqueue_dma source(%dma_start3A_1095 : memref<32x1024xf32, #tpu.memory_space<vmem>>) target(%dma_start3A_1091 : memref<32x1024xf32, #tpu.memory_space<hbm>>) target_semaphore(%arg6 : memref<!tpu.dma_semaphore, #tpu.memory_space<semaphore_mem>>)
    %add3A_1096 = arith.constant 192 : i32
    %add3A_1097 = arith.addi %mul3A_2, %add3A_1096 : i32
    %dma_start3A_1098 = arith.constant 0 : i32
    %dma_start3A_1099 = arith.constant 3 : i32
    %dma_start3A_1100 = arith.constant 0 : i32
    %dma_start3A_1101 = arith.constant 0 : i32
    %dma_start3A_1102 = tpu.memref_slice %arg4[%dma_start3A_1098, %dma_start3A_1100, %dma_start3A_1101] : memref<2x32x1024xf32, #tpu.memory_space<vmem>> -> memref<1x32x1024xf32, #tpu.memory_space<vmem>>
    %dma_start3A_1103 = tpu.memref_squeeze %dma_start3A_1102 : memref<1x32x1024xf32, #tpu.memory_space<vmem>> -> memref<32x1024xf32, #tpu.memory_space<vmem>>
    %dma_start3A_1104 = arith.constant 0 : i32
    %dma_start3A_1105 = tpu.memref_slice %arg3[%dma_start3A_1099, %add3A_1097, %dma_start3A_1104] : memref<4x8192x1024xf32, #tpu.memory_space<hbm>> -> memref<1x32x1024xf32, #tpu.memory_space<hbm>>
    %dma_start3A_1106 = tpu.memref_squeeze %dma_start3A_1105 : memref<1x32x1024xf32, #tpu.memory_space<hbm>> -> memref<32x1024xf32, #tpu.memory_space<hbm>>
    %dma_start3A_1107 = arith.constant 0 : i32
    %dma_start3A_1108 = tpu.memref_slice %arg3[%dma_start3A_1099, %add3A_1097, %dma_start3A_1107] : memref<4x8192x1024xf32, #tpu.memory_space<hbm>> -> memref<1x32x1024xf32, #tpu.memory_space<hbm>>
    %dma_start3A_1109 = tpu.memref_squeeze %dma_start3A_1108 : memref<1x32x1024xf32, #tpu.memory_space<hbm>> -> memref<32x1024xf32, #tpu.memory_space<hbm>>
    %dma_start3A_1110 = arith.constant 0 : i32
    %dma_start3A_1111 = arith.constant 0 : i32
    %dma_start3A_1112 = tpu.memref_slice %arg4[%dma_start3A_1098, %dma_start3A_1110, %dma_start3A_1111] : memref<2x32x1024xf32, #tpu.memory_space<vmem>> -> memref<1x32x1024xf32, #tpu.memory_space<vmem>>
    %dma_start3A_1113 = tpu.memref_squeeze %dma_start3A_1112 : memref<1x32x1024xf32, #tpu.memory_space<vmem>> -> memref<32x1024xf32, #tpu.memory_space<vmem>>
    tpu.enqueue_dma source(%dma_start3A_1113 : memref<32x1024xf32, #tpu.memory_space<vmem>>) target(%dma_start3A_1109 : memref<32x1024xf32, #tpu.memory_space<hbm>>) target_semaphore(%arg6 : memref<!tpu.dma_semaphore, #tpu.memory_space<semaphore_mem>>)
    %dma_wait3A_1114 = arith.constant 0 : i32
    %dma_wait3A_1115 = arith.constant 0 : i32
    %dma_wait3A_1116 = arith.constant 0 : i32
    %dma_wait3A_1117 = arith.constant 0 : i32
    %dma_wait3A_1118 = tpu.memref_slice %arg4[%dma_wait3A_1114, %dma_wait3A_1116, %dma_wait3A_1117] : memref<2x32x1024xf32, #tpu.memory_space<vmem>> -> memref<1x32x1024xf32, #tpu.memory_space<vmem>>
    %dma_wait3A_1119 = tpu.memref_squeeze %dma_wait3A_1118 : memref<1x32x1024xf32, #tpu.memory_space<vmem>> -> memref<32x1024xf32, #tpu.memory_space<vmem>>
    %dma_wait3A_1120 = arith.constant 0 : i32
    %dma_wait3A_1121 = tpu.memref_slice %arg3[%dma_wait3A_1115, %mul3A_2, %dma_wait3A_1120] : memref<4x8192x1024xf32, #tpu.memory_space<hbm>> -> memref<1x32x1024xf32, #tpu.memory_space<hbm>>
    %dma_wait3A_1122 = tpu.memref_squeeze %dma_wait3A_1121 : memref<1x32x1024xf32, #tpu.memory_space<hbm>> -> memref<32x1024xf32, #tpu.memory_space<hbm>>
    %dma_wait3A_1123 = arith.constant 0 : i32
    %dma_wait3A_1124 = tpu.memref_slice %arg3[%dma_wait3A_1115, %mul3A_2, %dma_wait3A_1123] : memref<4x8192x1024xf32, #tpu.memory_space<hbm>> -> memref<1x32x1024xf32, #tpu.memory_space<hbm>>
    %dma_wait3A_1125 = tpu.memref_squeeze %dma_wait3A_1124 : memref<1x32x1024xf32, #tpu.memory_space<hbm>> -> memref<32x1024xf32, #tpu.memory_space<hbm>>
    %dma_wait3A_1126 = arith.constant 0 : i32
    %dma_wait3A_1127 = arith.constant 0 : i32
    %dma_wait3A_1128 = tpu.memref_slice %arg4[%dma_wait3A_1114, %dma_wait3A_1126, %dma_wait3A_1127] : memref<2x32x1024xf32, #tpu.memory_space<vmem>> -> memref<1x32x1024xf32, #tpu.memory_space<vmem>>
    %dma_wait3A_1129 = tpu.memref_squeeze %dma_wait3A_1128 : memref<1x32x1024xf32, #tpu.memory_space<vmem>> -> memref<32x1024xf32, #tpu.memory_space<vmem>>
    tpu.wait_dma2 semaphore(%arg6 : memref<!tpu.dma_semaphore, #tpu.memory_space<semaphore_mem>>) src(%dma_wait3A_1129 : memref<32x1024xf32, #tpu.memory_space<vmem>>) dst(%dma_wait3A_1125 : memref<32x1024xf32, #tpu.memory_space<hbm>>)
    %dma_wait3A_1130 = arith.constant 0 : i32
    %dma_wait3A_1131 = arith.constant 0 : i32
    %dma_wait3A_1132 = arith.constant 0 : i32
    %dma_wait3A_1133 = arith.constant 0 : i32
    %dma_wait3A_1134 = tpu.memref_slice %arg4[%dma_wait3A_1130, %dma_wait3A_1132, %dma_wait3A_1133] : memref<2x32x1024xf32, #tpu.memory_space<vmem>> -> memref<1x32x1024xf32, #tpu.memory_space<vmem>>
    %dma_wait3A_1135 = tpu.memref_squeeze %dma_wait3A_1134 : memref<1x32x1024xf32, #tpu.memory_space<vmem>> -> memref<32x1024xf32, #tpu.memory_space<vmem>>
    %dma_wait3A_1136 = arith.constant 0 : i32
    %dma_wait3A_1137 = tpu.memref_slice %arg3[%dma_wait3A_1131, %mul3A_2, %dma_wait3A_1136] : memref<4x8192x1024xf32, #tpu.memory_space<hbm>> -> memref<1x32x1024xf32, #tpu.memory_space<hbm>>
    %dma_wait3A_1138 = tpu.memref_squeeze %dma_wait3A_1137 : memref<1x32x1024xf32, #tpu.memory_space<hbm>> -> memref<32x1024xf32, #tpu.memory_space<hbm>>
    %dma_wait3A_1139 = arith.constant 0 : i32
    %dma_wait3A_1140 = tpu.memref_slice %arg3[%dma_wait3A_1131, %mul3A_2, %dma_wait3A_1139] : memref<4x8192x1024xf32, #tpu.memory_space<hbm>> -> memref<1x32x1024xf32, #tpu.memory_space<hbm>>
    %dma_wait3A_1141 = tpu.memref_squeeze %dma_wait3A_1140 : memref<1x32x1024xf32, #tpu.memory_space<hbm>> -> memref<32x1024xf32, #tpu.memory_space<hbm>>
    %dma_wait3A_1142 = arith.constant 0 : i32
    %dma_wait3A_1143 = arith.constant 0 : i32
    %dma_wait3A_1144 = tpu.memref_slice %arg4[%dma_wait3A_1130, %dma_wait3A_1142, %dma_wait3A_1143] : memref<2x32x1024xf32, #tpu.memory_space<vmem>> -> memref<1x32x1024xf32, #tpu.memory_space<vmem>>
    %dma_wait3A_1145 = tpu.memref_squeeze %dma_wait3A_1144 : memref<1x32x1024xf32, #tpu.memory_space<vmem>> -> memref<32x1024xf32, #tpu.memory_space<vmem>>
    tpu.wait_dma2 semaphore(%arg6 : memref<!tpu.dma_semaphore, #tpu.memory_space<semaphore_mem>>) src(%dma_wait3A_1145 : memref<32x1024xf32, #tpu.memory_space<vmem>>) dst(%dma_wait3A_1141 : memref<32x1024xf32, #tpu.memory_space<hbm>>)
    %dma_wait3A_1146 = arith.constant 0 : i32
    %dma_wait3A_1147 = arith.constant 0 : i32
    %dma_wait3A_1148 = arith.constant 0 : i32
    %dma_wait3A_1149 = arith.constant 0 : i32
    %dma_wait3A_1150 = tpu.memref_slice %arg4[%dma_wait3A_1146, %dma_wait3A_1148, %dma_wait3A_1149] : memref<2x32x1024xf32, #tpu.memory_space<vmem>> -> memref<1x32x1024xf32, #tpu.memory_space<vmem>>
    %dma_wait3A_1151 = tpu.memref_squeeze %dma_wait3A_1150 : memref<1x32x1024xf32, #tpu.memory_space<vmem>> -> memref<32x1024xf32, #tpu.memory_space<vmem>>
    %dma_wait3A_1152 = arith.constant 0 : i32
    %dma_wait3A_1153 = tpu.memref_slice %arg3[%dma_wait3A_1147, %mul3A_2, %dma_wait3A_1152] : memref<4x8192x1024xf32, #tpu.memory_space<hbm>> -> memref<1x32x1024xf32, #tpu.memory_space<hbm>>
    %dma_wait3A_1154 = tpu.memref_squeeze %dma_wait3A_1153 : memref<1x32x1024xf32, #tpu.memory_space<hbm>> -> memref<32x1024xf32, #tpu.memory_space<hbm>>
    %dma_wait3A_1155 = arith.constant 0 : i32
    %dma_wait3A_1156 = tpu.memref_slice %arg3[%dma_wait3A_1147, %mul3A_2, %dma_wait3A_1155] : memref<4x8192x1024xf32, #tpu.memory_space<hbm>> -> memref<1x32x1024xf32, #tpu.memory_space<hbm>>
    %dma_wait3A_1157 = tpu.memref_squeeze %dma_wait3A_1156 : memref<1x32x1024xf32, #tpu.memory_space<hbm>> -> memref<32x1024xf32, #tpu.memory_space<hbm>>
    %dma_wait3A_1158 = arith.constant 0 : i32
    %dma_wait3A_1159 = arith.constant 0 : i32
    %dma_wait3A_1160 = tpu.memref_slice %arg4[%dma_wait3A_1146, %dma_wait3A_1158, %dma_wait3A_1159] : memref<2x32x1024xf32, #tpu.memory_space<vmem>> -> memref<1x32x1024xf32, #tpu.memory_space<vmem>>
    %dma_wait3A_1161 = tpu.memref_squeeze %dma_wait3A_1160 : memref<1x32x1024xf32, #tpu.memory_space<vmem>> -> memref<32x1024xf32, #tpu.memory_space<vmem>>
    tpu.wait_dma2 semaphore(%arg6 : memref<!tpu.dma_semaphore, #tpu.memory_space<semaphore_mem>>) src(%dma_wait3A_1161 : memref<32x1024xf32, #tpu.memory_space<vmem>>) dst(%dma_wait3A_1157 : memref<32x1024xf32, #tpu.memory_space<hbm>>)
    %dma_wait3A_1162 = arith.constant 0 : i32
    %dma_wait3A_1163 = arith.constant 0 : i32
    %dma_wait3A_1164 = arith.constant 0 : i32
    %dma_wait3A_1165 = arith.constant 0 : i32
    %dma_wait3A_1166 = tpu.memref_slice %arg4[%dma_wait3A_1162, %dma_wait3A_1164, %dma_wait3A_1165] : memref<2x32x1024xf32, #tpu.memory_space<vmem>> -> memref<1x32x1024xf32, #tpu.memory_space<vmem>>
    %dma_wait3A_1167 = tpu.memref_squeeze %dma_wait3A_1166 : memref<1x32x1024xf32, #tpu.memory_space<vmem>> -> memref<32x1024xf32, #tpu.memory_space<vmem>>
    %dma_wait3A_1168 = arith.constant 0 : i32
    %dma_wait3A_1169 = tpu.memref_slice %arg3[%dma_wait3A_1163, %mul3A_2, %dma_wait3A_1168] : memref<4x8192x1024xf32, #tpu.memory_space<hbm>> -> memref<1x32x1024xf32, #tpu.memory_space<hbm>>
    %dma_wait3A_1170 = tpu.memref_squeeze %dma_wait3A_1169 : memref<1x32x1024xf32, #tpu.memory_space<hbm>> -> memref<32x1024xf32, #tpu.memory_space<hbm>>
    %dma_wait3A_1171 = arith.constant 0 : i32
    %dma_wait3A_1172 = tpu.memref_slice %arg3[%dma_wait3A_1163, %mul3A_2, %dma_wait3A_1171] : memref<4x8192x1024xf32, #tpu.memory_space<hbm>> -> memref<1x32x1024xf32, #tpu.memory_space<hbm>>
    %dma_wait3A_1173 = tpu.memref_squeeze %dma_wait3A_1172 : memref<1x32x1024xf32, #tpu.memory_space<hbm>> -> memref<32x1024xf32, #tpu.memory_space<hbm>>
    %dma_wait3A_1174 = arith.constant 0 : i32
    %dma_wait3A_1175 = arith.constant 0 : i32
    %dma_wait3A_1176 = tpu.memref_slice %arg4[%dma_wait3A_1162, %dma_wait3A_1174, %dma_wait3A_1175] : memref<2x32x1024xf32, #tpu.memory_space<vmem>> -> memref<1x32x1024xf32, #tpu.memory_space<vmem>>
    %dma_wait3A_1177 = tpu.memref_squeeze %dma_wait3A_1176 : memref<1x32x1024xf32, #tpu.memory_space<vmem>> -> memref<32x1024xf32, #tpu.memory_space<vmem>>
    tpu.wait_dma2 semaphore(%arg6 : memref<!tpu.dma_semaphore, #tpu.memory_space<semaphore_mem>>) src(%dma_wait3A_1177 : memref<32x1024xf32, #tpu.memory_space<vmem>>) dst(%dma_wait3A_1173 : memref<32x1024xf32, #tpu.memory_space<hbm>>)
    %add3A_1178 = arith.constant 224 : i32
    %add3A_1179 = arith.addi %mul3A_2, %add3A_1178 : i32
    %dma_wait3A_1180 = arith.constant 1 : i32
    %dma_wait3A_1181 = arith.constant 0 : i32
    %dma_wait3A_1182 = arith.constant 0 : i32
    %dma_wait3A_1183 = tpu.memref_slice %arg4[%dma_wait3A_1180, %dma_wait3A_1181, %dma_wait3A_1182] : memref<2x32x1024xf32, #tpu.memory_space<vmem>> -> memref<1x32x1024xf32, #tpu.memory_space<vmem>>
    %dma_wait3A_1184 = tpu.memref_squeeze %dma_wait3A_1183 : memref<1x32x1024xf32, #tpu.memory_space<vmem>> -> memref<32x1024xf32, #tpu.memory_space<vmem>>
    %dma_wait3A_1185 = arith.constant 0 : i32
    %dma_wait3A_1186 = tpu.memref_slice %arg2[%add3A_1179, %dma_wait3A_1185] : memref<8192x1024xf32, #tpu.memory_space<hbm>> -> memref<32x1024xf32, #tpu.memory_space<hbm>>
    %dma_wait3A_1187 = arith.constant 0 : i32
    %dma_wait3A_1188 = arith.constant 0 : i32
    %dma_wait3A_1189 = tpu.memref_slice %arg4[%dma_wait3A_1180, %dma_wait3A_1187, %dma_wait3A_1188] : memref<2x32x1024xf32, #tpu.memory_space<vmem>> -> memref<1x32x1024xf32, #tpu.memory_space<vmem>>
    %dma_wait3A_1190 = tpu.memref_squeeze %dma_wait3A_1189 : memref<1x32x1024xf32, #tpu.memory_space<vmem>> -> memref<32x1024xf32, #tpu.memory_space<vmem>>
    %dma_wait3A_1191 = arith.constant 0 : i32
    %dma_wait3A_1192 = tpu.memref_slice %arg2[%add3A_1179, %dma_wait3A_1191] : memref<8192x1024xf32, #tpu.memory_space<hbm>> -> memref<32x1024xf32, #tpu.memory_space<hbm>>
    tpu.wait_dma2 semaphore(%arg5 : memref<!tpu.dma_semaphore, #tpu.memory_space<semaphore_mem>>) src(%dma_wait3A_1192 : memref<32x1024xf32, #tpu.memory_space<hbm>>) dst(%dma_wait3A_1190 : memref<32x1024xf32, #tpu.memory_space<vmem>>)
    %add3A_1193 = arith.constant 224 : i32
    %add3A_1194 = arith.addi %mul3A_2, %add3A_1193 : i32
    %dma_start3A_1195 = arith.constant 1 : i32
    %dma_start3A_1196 = arith.constant 0 : i32
    %dma_start3A_1197 = arith.constant 0 : i32
    %dma_start3A_1198 = arith.constant 0 : i32
    %dma_start3A_1199 = tpu.memref_slice %arg4[%dma_start3A_1195, %dma_start3A_1197, %dma_start3A_1198] : memref<2x32x1024xf32, #tpu.memory_space<vmem>> -> memref<1x32x1024xf32, #tpu.memory_space<vmem>>
    %dma_start3A_1200 = tpu.memref_squeeze %dma_start3A_1199 : memref<1x32x1024xf32, #tpu.memory_space<vmem>> -> memref<32x1024xf32, #tpu.memory_space<vmem>>
    %dma_start3A_1201 = arith.constant 0 : i32
    %dma_start3A_1202 = tpu.memref_slice %arg3[%dma_start3A_1196, %add3A_1194, %dma_start3A_1201] : memref<4x8192x1024xf32, #tpu.memory_space<hbm>> -> memref<1x32x1024xf32, #tpu.memory_space<hbm>>
    %dma_start3A_1203 = tpu.memref_squeeze %dma_start3A_1202 : memref<1x32x1024xf32, #tpu.memory_space<hbm>> -> memref<32x1024xf32, #tpu.memory_space<hbm>>
    %dma_start3A_1204 = arith.constant 0 : i32
    %dma_start3A_1205 = tpu.memref_slice %arg3[%dma_start3A_1196, %add3A_1194, %dma_start3A_1204] : memref<4x8192x1024xf32, #tpu.memory_space<hbm>> -> memref<1x32x1024xf32, #tpu.memory_space<hbm>>
    %dma_start3A_1206 = tpu.memref_squeeze %dma_start3A_1205 : memref<1x32x1024xf32, #tpu.memory_space<hbm>> -> memref<32x1024xf32, #tpu.memory_space<hbm>>
    %dma_start3A_1207 = arith.constant 0 : i32
    %dma_start3A_1208 = arith.constant 0 : i32
    %dma_start3A_1209 = tpu.memref_slice %arg4[%dma_start3A_1195, %dma_start3A_1207, %dma_start3A_1208] : memref<2x32x1024xf32, #tpu.memory_space<vmem>> -> memref<1x32x1024xf32, #tpu.memory_space<vmem>>
    %dma_start3A_1210 = tpu.memref_squeeze %dma_start3A_1209 : memref<1x32x1024xf32, #tpu.memory_space<vmem>> -> memref<32x1024xf32, #tpu.memory_space<vmem>>
    tpu.enqueue_dma source(%dma_start3A_1210 : memref<32x1024xf32, #tpu.memory_space<vmem>>) target(%dma_start3A_1206 : memref<32x1024xf32, #tpu.memory_space<hbm>>) target_semaphore(%arg6 : memref<!tpu.dma_semaphore, #tpu.memory_space<semaphore_mem>>)
    %add3A_1211 = arith.constant 224 : i32
    %add3A_1212 = arith.addi %mul3A_2, %add3A_1211 : i32
    %dma_start3A_1213 = arith.constant 1 : i32
    %dma_start3A_1214 = arith.constant 1 : i32
    %dma_start3A_1215 = arith.constant 0 : i32
    %dma_start3A_1216 = arith.constant 0 : i32
    %dma_start3A_1217 = tpu.memref_slice %arg4[%dma_start3A_1213, %dma_start3A_1215, %dma_start3A_1216] : memref<2x32x1024xf32, #tpu.memory_space<vmem>> -> memref<1x32x1024xf32, #tpu.memory_space<vmem>>
    %dma_start3A_1218 = tpu.memref_squeeze %dma_start3A_1217 : memref<1x32x1024xf32, #tpu.memory_space<vmem>> -> memref<32x1024xf32, #tpu.memory_space<vmem>>
    %dma_start3A_1219 = arith.constant 0 : i32
    %dma_start3A_1220 = tpu.memref_slice %arg3[%dma_start3A_1214, %add3A_1212, %dma_start3A_1219] : memref<4x8192x1024xf32, #tpu.memory_space<hbm>> -> memref<1x32x1024xf32, #tpu.memory_space<hbm>>
    %dma_start3A_1221 = tpu.memref_squeeze %dma_start3A_1220 : memref<1x32x1024xf32, #tpu.memory_space<hbm>> -> memref<32x1024xf32, #tpu.memory_space<hbm>>
    %dma_start3A_1222 = arith.constant 0 : i32
    %dma_start3A_1223 = tpu.memref_slice %arg3[%dma_start3A_1214, %add3A_1212, %dma_start3A_1222] : memref<4x8192x1024xf32, #tpu.memory_space<hbm>> -> memref<1x32x1024xf32, #tpu.memory_space<hbm>>
    %dma_start3A_1224 = tpu.memref_squeeze %dma_start3A_1223 : memref<1x32x1024xf32, #tpu.memory_space<hbm>> -> memref<32x1024xf32, #tpu.memory_space<hbm>>
    %dma_start3A_1225 = arith.constant 0 : i32
    %dma_start3A_1226 = arith.constant 0 : i32
    %dma_start3A_1227 = tpu.memref_slice %arg4[%dma_start3A_1213, %dma_start3A_1225, %dma_start3A_1226] : memref<2x32x1024xf32, #tpu.memory_space<vmem>> -> memref<1x32x1024xf32, #tpu.memory_space<vmem>>
    %dma_start3A_1228 = tpu.memref_squeeze %dma_start3A_1227 : memref<1x32x1024xf32, #tpu.memory_space<vmem>> -> memref<32x1024xf32, #tpu.memory_space<vmem>>
    tpu.enqueue_dma source(%dma_start3A_1228 : memref<32x1024xf32, #tpu.memory_space<vmem>>) target(%dma_start3A_1224 : memref<32x1024xf32, #tpu.memory_space<hbm>>) target_semaphore(%arg6 : memref<!tpu.dma_semaphore, #tpu.memory_space<semaphore_mem>>)
    %add3A_1229 = arith.constant 224 : i32
    %add3A_1230 = arith.addi %mul3A_2, %add3A_1229 : i32
    %dma_start3A_1231 = arith.constant 1 : i32
    %dma_start3A_1232 = arith.constant 2 : i32
    %dma_start3A_1233 = arith.constant 0 : i32
    %dma_start3A_1234 = arith.constant 0 : i32
    %dma_start3A_1235 = tpu.memref_slice %arg4[%dma_start3A_1231, %dma_start3A_1233, %dma_start3A_1234] : memref<2x32x1024xf32, #tpu.memory_space<vmem>> -> memref<1x32x1024xf32, #tpu.memory_space<vmem>>
    %dma_start3A_1236 = tpu.memref_squeeze %dma_start3A_1235 : memref<1x32x1024xf32, #tpu.memory_space<vmem>> -> memref<32x1024xf32, #tpu.memory_space<vmem>>
    %dma_start3A_1237 = arith.constant 0 : i32
    %dma_start3A_1238 = tpu.memref_slice %arg3[%dma_start3A_1232, %add3A_1230, %dma_start3A_1237] : memref<4x8192x1024xf32, #tpu.memory_space<hbm>> -> memref<1x32x1024xf32, #tpu.memory_space<hbm>>
    %dma_start3A_1239 = tpu.memref_squeeze %dma_start3A_1238 : memref<1x32x1024xf32, #tpu.memory_space<hbm>> -> memref<32x1024xf32, #tpu.memory_space<hbm>>
    %dma_start3A_1240 = arith.constant 0 : i32
    %dma_start3A_1241 = tpu.memref_slice %arg3[%dma_start3A_1232, %add3A_1230, %dma_start3A_1240] : memref<4x8192x1024xf32, #tpu.memory_space<hbm>> -> memref<1x32x1024xf32, #tpu.memory_space<hbm>>
    %dma_start3A_1242 = tpu.memref_squeeze %dma_start3A_1241 : memref<1x32x1024xf32, #tpu.memory_space<hbm>> -> memref<32x1024xf32, #tpu.memory_space<hbm>>
    %dma_start3A_1243 = arith.constant 0 : i32
    %dma_start3A_1244 = arith.constant 0 : i32
    %dma_start3A_1245 = tpu.memref_slice %arg4[%dma_start3A_1231, %dma_start3A_1243, %dma_start3A_1244] : memref<2x32x1024xf32, #tpu.memory_space<vmem>> -> memref<1x32x1024xf32, #tpu.memory_space<vmem>>
    %dma_start3A_1246 = tpu.memref_squeeze %dma_start3A_1245 : memref<1x32x1024xf32, #tpu.memory_space<vmem>> -> memref<32x1024xf32, #tpu.memory_space<vmem>>
    tpu.enqueue_dma source(%dma_start3A_1246 : memref<32x1024xf32, #tpu.memory_space<vmem>>) target(%dma_start3A_1242 : memref<32x1024xf32, #tpu.memory_space<hbm>>) target_semaphore(%arg6 : memref<!tpu.dma_semaphore, #tpu.memory_space<semaphore_mem>>)
    %add3A_1247 = arith.constant 224 : i32
    %add3A_1248 = arith.addi %mul3A_2, %add3A_1247 : i32
    %dma_start3A_1249 = arith.constant 1 : i32
    %dma_start3A_1250 = arith.constant 3 : i32
    %dma_start3A_1251 = arith.constant 0 : i32
    %dma_start3A_1252 = arith.constant 0 : i32
    %dma_start3A_1253 = tpu.memref_slice %arg4[%dma_start3A_1249, %dma_start3A_1251, %dma_start3A_1252] : memref<2x32x1024xf32, #tpu.memory_space<vmem>> -> memref<1x32x1024xf32, #tpu.memory_space<vmem>>
    %dma_start3A_1254 = tpu.memref_squeeze %dma_start3A_1253 : memref<1x32x1024xf32, #tpu.memory_space<vmem>> -> memref<32x1024xf32, #tpu.memory_space<vmem>>
    %dma_start3A_1255 = arith.constant 0 : i32
    %dma_start3A_1256 = tpu.memref_slice %arg3[%dma_start3A_1250, %add3A_1248, %dma_start3A_1255] : memref<4x8192x1024xf32, #tpu.memory_space<hbm>> -> memref<1x32x1024xf32, #tpu.memory_space<hbm>>
    %dma_start3A_1257 = tpu.memref_squeeze %dma_start3A_1256 : memref<1x32x1024xf32, #tpu.memory_space<hbm>> -> memref<32x1024xf32, #tpu.memory_space<hbm>>
    %dma_start3A_1258 = arith.constant 0 : i32
    %dma_start3A_1259 = tpu.memref_slice %arg3[%dma_start3A_1250, %add3A_1248, %dma_start3A_1258] : memref<4x8192x1024xf32, #tpu.memory_space<hbm>> -> memref<1x32x1024xf32, #tpu.memory_space<hbm>>
    %dma_start3A_1260 = tpu.memref_squeeze %dma_start3A_1259 : memref<1x32x1024xf32, #tpu.memory_space<hbm>> -> memref<32x1024xf32, #tpu.memory_space<hbm>>
    %dma_start3A_1261 = arith.constant 0 : i32
    %dma_start3A_1262 = arith.constant 0 : i32
    %dma_start3A_1263 = tpu.memref_slice %arg4[%dma_start3A_1249, %dma_start3A_1261, %dma_start3A_1262] : memref<2x32x1024xf32, #tpu.memory_space<vmem>> -> memref<1x32x1024xf32, #tpu.memory_space<vmem>>
    %dma_start3A_1264 = tpu.memref_squeeze %dma_start3A_1263 : memref<1x32x1024xf32, #tpu.memory_space<vmem>> -> memref<32x1024xf32, #tpu.memory_space<vmem>>
    tpu.enqueue_dma source(%dma_start3A_1264 : memref<32x1024xf32, #tpu.memory_space<vmem>>) target(%dma_start3A_1260 : memref<32x1024xf32, #tpu.memory_space<hbm>>) target_semaphore(%arg6 : memref<!tpu.dma_semaphore, #tpu.memory_space<semaphore_mem>>)
    %dma_wait3A_1265 = arith.constant 1 : i32
    %dma_wait3A_1266 = arith.constant 0 : i32
    %dma_wait3A_1267 = arith.constant 0 : i32
    %dma_wait3A_1268 = arith.constant 0 : i32
    %dma_wait3A_1269 = tpu.memref_slice %arg4[%dma_wait3A_1265, %dma_wait3A_1267, %dma_wait3A_1268] : memref<2x32x1024xf32, #tpu.memory_space<vmem>> -> memref<1x32x1024xf32, #tpu.memory_space<vmem>>
    %dma_wait3A_1270 = tpu.memref_squeeze %dma_wait3A_1269 : memref<1x32x1024xf32, #tpu.memory_space<vmem>> -> memref<32x1024xf32, #tpu.memory_space<vmem>>
    %dma_wait3A_1271 = arith.constant 0 : i32
    %dma_wait3A_1272 = tpu.memref_slice %arg3[%dma_wait3A_1266, %mul3A_2, %dma_wait3A_1271] : memref<4x8192x1024xf32, #tpu.memory_space<hbm>> -> memref<1x32x1024xf32, #tpu.memory_space<hbm>>
    %dma_wait3A_1273 = tpu.memref_squeeze %dma_wait3A_1272 : memref<1x32x1024xf32, #tpu.memory_space<hbm>> -> memref<32x1024xf32, #tpu.memory_space<hbm>>
    %dma_wait3A_1274 = arith.constant 0 : i32
    %dma_wait3A_1275 = tpu.memref_slice %arg3[%dma_wait3A_1266, %mul3A_2, %dma_wait3A_1274] : memref<4x8192x1024xf32, #tpu.memory_space<hbm>> -> memref<1x32x1024xf32, #tpu.memory_space<hbm>>
    %dma_wait3A_1276 = tpu.memref_squeeze %dma_wait3A_1275 : memref<1x32x1024xf32, #tpu.memory_space<hbm>> -> memref<32x1024xf32, #tpu.memory_space<hbm>>
    %dma_wait3A_1277 = arith.constant 0 : i32
    %dma_wait3A_1278 = arith.constant 0 : i32
    %dma_wait3A_1279 = tpu.memref_slice %arg4[%dma_wait3A_1265, %dma_wait3A_1277, %dma_wait3A_1278] : memref<2x32x1024xf32, #tpu.memory_space<vmem>> -> memref<1x32x1024xf32, #tpu.memory_space<vmem>>
    %dma_wait3A_1280 = tpu.memref_squeeze %dma_wait3A_1279 : memref<1x32x1024xf32, #tpu.memory_space<vmem>> -> memref<32x1024xf32, #tpu.memory_space<vmem>>
    tpu.wait_dma2 semaphore(%arg6 : memref<!tpu.dma_semaphore, #tpu.memory_space<semaphore_mem>>) src(%dma_wait3A_1280 : memref<32x1024xf32, #tpu.memory_space<vmem>>) dst(%dma_wait3A_1276 : memref<32x1024xf32, #tpu.memory_space<hbm>>)
    %dma_wait3A_1281 = arith.constant 1 : i32
    %dma_wait3A_1282 = arith.constant 0 : i32
    %dma_wait3A_1283 = arith.constant 0 : i32
    %dma_wait3A_1284 = arith.constant 0 : i32
    %dma_wait3A_1285 = tpu.memref_slice %arg4[%dma_wait3A_1281, %dma_wait3A_1283, %dma_wait3A_1284] : memref<2x32x1024xf32, #tpu.memory_space<vmem>> -> memref<1x32x1024xf32, #tpu.memory_space<vmem>>
    %dma_wait3A_1286 = tpu.memref_squeeze %dma_wait3A_1285 : memref<1x32x1024xf32, #tpu.memory_space<vmem>> -> memref<32x1024xf32, #tpu.memory_space<vmem>>
    %dma_wait3A_1287 = arith.constant 0 : i32
    %dma_wait3A_1288 = tpu.memref_slice %arg3[%dma_wait3A_1282, %mul3A_2, %dma_wait3A_1287] : memref<4x8192x1024xf32, #tpu.memory_space<hbm>> -> memref<1x32x1024xf32, #tpu.memory_space<hbm>>
    %dma_wait3A_1289 = tpu.memref_squeeze %dma_wait3A_1288 : memref<1x32x1024xf32, #tpu.memory_space<hbm>> -> memref<32x1024xf32, #tpu.memory_space<hbm>>
    %dma_wait3A_1290 = arith.constant 0 : i32
    %dma_wait3A_1291 = tpu.memref_slice %arg3[%dma_wait3A_1282, %mul3A_2, %dma_wait3A_1290] : memref<4x8192x1024xf32, #tpu.memory_space<hbm>> -> memref<1x32x1024xf32, #tpu.memory_space<hbm>>
    %dma_wait3A_1292 = tpu.memref_squeeze %dma_wait3A_1291 : memref<1x32x1024xf32, #tpu.memory_space<hbm>> -> memref<32x1024xf32, #tpu.memory_space<hbm>>
    %dma_wait3A_1293 = arith.constant 0 : i32
    %dma_wait3A_1294 = arith.constant 0 : i32
    %dma_wait3A_1295 = tpu.memref_slice %arg4[%dma_wait3A_1281, %dma_wait3A_1293, %dma_wait3A_1294] : memref<2x32x1024xf32, #tpu.memory_space<vmem>> -> memref<1x32x1024xf32, #tpu.memory_space<vmem>>
    %dma_wait3A_1296 = tpu.memref_squeeze %dma_wait3A_1295 : memref<1x32x1024xf32, #tpu.memory_space<vmem>> -> memref<32x1024xf32, #tpu.memory_space<vmem>>
    tpu.wait_dma2 semaphore(%arg6 : memref<!tpu.dma_semaphore, #tpu.memory_space<semaphore_mem>>) src(%dma_wait3A_1296 : memref<32x1024xf32, #tpu.memory_space<vmem>>) dst(%dma_wait3A_1292 : memref<32x1024xf32, #tpu.memory_space<hbm>>)
    %dma_wait3A_1297 = arith.constant 1 : i32
    %dma_wait3A_1298 = arith.constant 0 : i32
    %dma_wait3A_1299 = arith.constant 0 : i32
    %dma_wait3A_1300 = arith.constant 0 : i32
    %dma_wait3A_1301 = tpu.memref_slice %arg4[%dma_wait3A_1297, %dma_wait3A_1299, %dma_wait3A_1300] : memref<2x32x1024xf32, #tpu.memory_space<vmem>> -> memref<1x32x1024xf32, #tpu.memory_space<vmem>>
    %dma_wait3A_1302 = tpu.memref_squeeze %dma_wait3A_1301 : memref<1x32x1024xf32, #tpu.memory_space<vmem>> -> memref<32x1024xf32, #tpu.memory_space<vmem>>
    %dma_wait3A_1303 = arith.constant 0 : i32
    %dma_wait3A_1304 = tpu.memref_slice %arg3[%dma_wait3A_1298, %mul3A_2, %dma_wait3A_1303] : memref<4x8192x1024xf32, #tpu.memory_space<hbm>> -> memref<1x32x1024xf32, #tpu.memory_space<hbm>>
    %dma_wait3A_1305 = tpu.memref_squeeze %dma_wait3A_1304 : memref<1x32x1024xf32, #tpu.memory_space<hbm>> -> memref<32x1024xf32, #tpu.memory_space<hbm>>
    %dma_wait3A_1306 = arith.constant 0 : i32
    %dma_wait3A_1307 = tpu.memref_slice %arg3[%dma_wait3A_1298, %mul3A_2, %dma_wait3A_1306] : memref<4x8192x1024xf32, #tpu.memory_space<hbm>> -> memref<1x32x1024xf32, #tpu.memory_space<hbm>>
    %dma_wait3A_1308 = tpu.memref_squeeze %dma_wait3A_1307 : memref<1x32x1024xf32, #tpu.memory_space<hbm>> -> memref<32x1024xf32, #tpu.memory_space<hbm>>
    %dma_wait3A_1309 = arith.constant 0 : i32
    %dma_wait3A_1310 = arith.constant 0 : i32
    %dma_wait3A_1311 = tpu.memref_slice %arg4[%dma_wait3A_1297, %dma_wait3A_1309, %dma_wait3A_1310] : memref<2x32x1024xf32, #tpu.memory_space<vmem>> -> memref<1x32x1024xf32, #tpu.memory_space<vmem>>
    %dma_wait3A_1312 = tpu.memref_squeeze %dma_wait3A_1311 : memref<1x32x1024xf32, #tpu.memory_space<vmem>> -> memref<32x1024xf32, #tpu.memory_space<vmem>>
    tpu.wait_dma2 semaphore(%arg6 : memref<!tpu.dma_semaphore, #tpu.memory_space<semaphore_mem>>) src(%dma_wait3A_1312 : memref<32x1024xf32, #tpu.memory_space<vmem>>) dst(%dma_wait3A_1308 : memref<32x1024xf32, #tpu.memory_space<hbm>>)
    %dma_wait3A_1313 = arith.constant 1 : i32
    %dma_wait3A_1314 = arith.constant 0 : i32
    %dma_wait3A_1315 = arith.constant 0 : i32
    %dma_wait3A_1316 = arith.constant 0 : i32
    %dma_wait3A_1317 = tpu.memref_slice %arg4[%dma_wait3A_1313, %dma_wait3A_1315, %dma_wait3A_1316] : memref<2x32x1024xf32, #tpu.memory_space<vmem>> -> memref<1x32x1024xf32, #tpu.memory_space<vmem>>
    %dma_wait3A_1318 = tpu.memref_squeeze %dma_wait3A_1317 : memref<1x32x1024xf32, #tpu.memory_space<vmem>> -> memref<32x1024xf32, #tpu.memory_space<vmem>>
    %dma_wait3A_1319 = arith.constant 0 : i32
    %dma_wait3A_1320 = tpu.memref_slice %arg3[%dma_wait3A_1314, %mul3A_2, %dma_wait3A_1319] : memref<4x8192x1024xf32, #tpu.memory_space<hbm>> -> memref<1x32x1024xf32, #tpu.memory_space<hbm>>
    %dma_wait3A_1321 = tpu.memref_squeeze %dma_wait3A_1320 : memref<1x32x1024xf32, #tpu.memory_space<hbm>> -> memref<32x1024xf32, #tpu.memory_space<hbm>>
    %dma_wait3A_1322 = arith.constant 0 : i32
    %dma_wait3A_1323 = tpu.memref_slice %arg3[%dma_wait3A_1314, %mul3A_2, %dma_wait3A_1322] : memref<4x8192x1024xf32, #tpu.memory_space<hbm>> -> memref<1x32x1024xf32, #tpu.memory_space<hbm>>
    %dma_wait3A_1324 = tpu.memref_squeeze %dma_wait3A_1323 : memref<1x32x1024xf32, #tpu.memory_space<hbm>> -> memref<32x1024xf32, #tpu.memory_space<hbm>>
    %dma_wait3A_1325 = arith.constant 0 : i32
    %dma_wait3A_1326 = arith.constant 0 : i32
    %dma_wait3A_1327 = tpu.memref_slice %arg4[%dma_wait3A_1313, %dma_wait3A_1325, %dma_wait3A_1326] : memref<2x32x1024xf32, #tpu.memory_space<vmem>> -> memref<1x32x1024xf32, #tpu.memory_space<vmem>>
    %dma_wait3A_1328 = tpu.memref_squeeze %dma_wait3A_1327 : memref<1x32x1024xf32, #tpu.memory_space<vmem>> -> memref<32x1024xf32, #tpu.memory_space<vmem>>
    tpu.wait_dma2 semaphore(%arg6 : memref<!tpu.dma_semaphore, #tpu.memory_space<semaphore_mem>>) src(%dma_wait3A_1328 : memref<32x1024xf32, #tpu.memory_space<vmem>>) dst(%dma_wait3A_1324 : memref<32x1024xf32, #tpu.memory_space<hbm>>)
    return
  }
}

</mosaic_0001>

<sc_bundles>
// kernel: _sc_broadcast.3.cloned.1.call-start
scs
__scs_entry_jumppad:
0x0: {  	(pc) =	sbr.rel $0x88, $3  }
0x1: {  	(tag) =	ssettag $0x0;
	lr =	simm.s32 $0x1  }
0x2: {  	[smem:$0x3FA0] =	sst lr;
	_ =	strace $0xD0000000  }
0x3: {  	_ = 	snop  }
0x4: {  	_ = 	snop  }
0x5: {  	_ = 	snop  }
0x6: {  	_ = 	snop  }
0x7: {  	_ = 	snop  }
__scs_overlays_trampoline_lowered:
0x8: {  	[smem:$0x3FAF] =	sst s0  }
0x9: {  	[smem:$0x3FB0] =	sst s1  }
0xa: {  	[smem:$0x3FB1] =	sst s2  }
0xb: {  	[smem:$0x3FB2] =	sst s3  }
0xc: {  	[smem:$0x3FB3] =	sst s4  }
0xd: {  	[smem:$0x3FB4] =	sst s5  }
0xe: {  	[smem:$0x3FB5] =	sst s6  }
0xf: {  	[smem:$0x3FB6] =	sst s7  }
0x10: {  	[smem:$0x3FB7] =	sst s8  }
0x11: {  	[smem:$0x3FB8] =	sst s9;
	s0 =	simm.s32 @!p0 $0x0  }
0x12: {  	s1 =	sld [smem:$0x3F9E];
	s0 =	simm.s32 @p0 $0x1  }
0x13: {  	[smem:$0x3FB9] =	sst s0;
	s0 =	simm.s32 @!p1 $0x0  }
0x14: {  	s2 =	sld [smem:$0x3F9D];
	s0 =	simm.s32 @p1 $0x1  }
0x15: {  	[smem:$0x3FBA] =	sst s0;
	s0 =	simm.s32 @!p2 $0x0  }
0x16: {  	s3 =	sld [smem:$0x3FDB];
	s0 =	simm.s32 @p2 $0x1  }
0x17: {  	s4 =	simm.s32 $0x1BF5;
	[smem:$0x3FBC] =	sst s0  }
0x18: {  	s0 =	sld [smem:$0x3F9F];
	_ =	swait.ge [sflag:s4], $0x0  }
0x19: {  	s7 =	sld [smem:$0x3FA0]  }
0x1a: {  	s8 =	sadd.s32 $0xFFFFE003, lr  }
0x1b: {  	s9 =	sadd.s32 $0xFFFFFEF7, lr;
	s5 =	simm.s32 $0xFFFFFFFF;
	p2 =	slt.u32 s8, $0xFFFFF086  }
0x1c: {  	p1 =	slt.u32 s9, $0xF7A;
	s5 =	simm.s32 @!p2 $0x0  }
0x1d: {  	s5 =	simm.s32 @p1 $0x1;
	p0 =	seq.s32 s7, s2  }
0x1e: {  	s7 =	smul.u32 @!p0 $0xF7A, s2;
	p2 =	seq.s32 @!p0 s5, $0x0  }
0x1f: {  	s9 =	smul.u32 $0xF7A, s1;
	s8 =	simm.s32 @!p0 $0x1BF5;
	p2 =	por !p2, p0  }
0x20: {  	[sflag:s8] =	ssyncset.s32 @!p0 $0xFFFFF086;
	s6 =	sadd.s32 @!p0 s3, s7;
	s7 =	simm.s32 @!p0 $0x108  }
0x21: {  	s3 =	sadd.s32 s3, s9;
	s6 =	sadd.s32 @!p0 $0x88, s6;
	s7 =	simm.s32 @p2 $0x1082  }
0x22: {  	[simem:s7], [sflag:s8] =	dma.local @!p0 [hbm:s6], $0xF7A  }
0x23: {  	s9 =	sor.u32 $0xD0000000, s2;
	s6 =	simm.s32 $0x108;
	_ =	swait.ge @!p0 [sflag:s8], $0x0  }
0x24: {  	s3 =	sadd.s32 $0x88, s3;
	s6 =	simm.s32 @!p1 $0x1082;
	[sflag:s4] =	ssyncset.s32 $0xFFFFF086  }
0x25: {  	[simem:s6], [sflag:s4] =	dma.local [hbm:s3], $0xF7A  }
0x26: {  	[smem:$0x3FA0] =	sst s1;
	(tag) =	ssettag s2;
	_ =	strace s9  }
0x27: {  	s1 =	sld [smem:$0x3FB0]  }
0x28: {  	s2 =	sld [smem:$0x3FB1]  }
0x29: {  	s4 =	sld [smem:$0x3FB3]  }
0x2a: {  	p0 =	seq.s32 s5, $0x0;
	s5 =	sld [smem:$0x3FB4]  }
0x2b: {  	s6 =	sld [smem:$0x3FB5]  }
0x2c: {  	s7 =	sld [smem:$0x3FB6]  }
0x2d: {  	s3 =	simm.s32 $0x108;
	s8 =	sld [smem:$0x3FB7]  }
0x2e: {  	s3 =	simm.s32 @!p0 $0x1082;
	s9 =	sld [smem:$0x3FB8]  }
0x2f: {  	lr =	sadd.s32 s0, s3;
	s0 =	sld [smem:$0x3FAF]  }
0x30: {  	s3 =	sld [smem:$0x3FB2]  }
0x31: {  	[smem:$0x3FBB] =	sst s10  }
0x32: {  	s10 =	sld [smem:$0x3FB9];
	_ =	sdelay $0x3  }
0x33: {  	p0 =	seq.s32 s10, $0x1;
	s10 =	sld [smem:$0x3FBB];
	_ =	sdelay $0x3  }
0x34: {  	[smem:$0x3FBB] =	sst s10  }
0x35: {  	s10 =	sld [smem:$0x3FBA];
	_ =	sdelay $0x3  }
0x36: {  	p1 =	seq.s32 s10, $0x1;
	s10 =	sld [smem:$0x3FBB];
	_ =	sdelay $0x3  }
0x37: {  	[smem:$0x3FBB] =	sst s10  }
0x38: {  	s10 =	sld [smem:$0x3FBC]  }
0x39: {  	_ = 	snop;
	(pc) =	sbr.ind lr, $3  }
0x3a: {  	_ = 	snop  }
0x3b: {  	_ = 	snop  }
0x3c: {  	p2 =	seq.s32 s10, $0x1;
	s10 =	sld [smem:$0x3FBB]  }
0x3d: {  	_ =	shalt  }
0x3e: {  	_ =	shalt  }
0x3f: {  	_ =	shalt  }
0x40: {  	_ =	shalt  }
0x41: {  	_ =	shalt  }
0x42: {  	_ =	shalt  }
0x43: {  	_ =	shalt  }
0x44: {  	_ =	shalt  }
0x45: {  	_ =	shalt  }
0x46: {  	_ =	shalt  }
0x47: {  	_ =	shalt  }
0x48: {  	_ =	shalt  }
0x49: {  	_ =	shalt  }
0x4a: {  	_ =	shalt  }
0x4b: {  	_ =	shalt  }
0x4c: {  	_ =	shalt  }
0x4d: {  	_ =	shalt  }
0x4e: {  	_ =	shalt  }
0x4f: {  	_ =	shalt  }
0x50: {  	_ =	shalt  }
0x51: {  	_ =	shalt  }
0x52: {  	_ =	shalt  }
0x53: {  	_ =	shalt  }
0x54: {  	_ =	shalt  }
0x55: {  	_ =	shalt  }
0x56: {  	_ =	shalt  }
0x57: {  	_ =	shalt  }
0x58: {  	_ =	shalt  }
0x59: {  	_ =	shalt  }
0x5a: {  	_ =	shalt  }
0x5b: {  	_ =	shalt  }
0x5c: {  	_ =	shalt  }
0x5d: {  	_ =	shalt  }
0x5e: {  	_ =	shalt  }
0x5f: {  	_ =	shalt  }
0x60: {  	_ =	shalt  }
0x61: {  	_ =	shalt  }
0x62: {  	_ =	shalt  }
0x63: {  	_ =	shalt  }
0x64: {  	_ =	shalt  }
0x65: {  	_ =	shalt  }
0x66: {  	_ =	shalt  }
0x67: {  	_ =	shalt  }
0x68: {  	_ =	shalt  }
0x69: {  	_ =	shalt  }
0x6a: {  	_ =	shalt  }
0x6b: {  	_ =	shalt  }
0x6c: {  	_ =	shalt  }
0x6d: {  	_ =	shalt  }
0x6e: {  	_ =	shalt  }
0x6f: {  	_ =	shalt  }
0x70: {  	_ =	shalt  }
0x71: {  	_ =	shalt  }
0x72: {  	_ =	shalt  }
0x73: {  	_ =	shalt  }
0x74: {  	_ =	shalt  }
0x75: {  	_ =	shalt  }
0x76: {  	_ =	shalt  }
0x77: {  	_ =	shalt  }
0x78: {  	_ =	shalt  }
0x79: {  	_ =	shalt  }
0x7a: {  	_ =	shalt  }
0x7b: {  	_ =	shalt  }
0x7c: {  	_ =	shalt  }
0x7d: {  	_ =	shalt  }
0x7e: {  	_ =	shalt  }
0x7f: {  	_ =	shalt  }
0x80: {  	_ =	shalt  }
0x81: {  	_ =	shalt  }
0x82: {  	_ =	shalt  }
0x83: {  	_ =	shalt  }
0x84: {  	_ =	shalt  }
0x85: {  	_ =	shalt  }
0x86: {  	_ =	shalt  }
0x87: {  	_ =	shalt  }
.Lfunc_end0:
.L_simem_size_0:
called_computation_lowered:
.L_overlay_start_0:
0x88: {  	s2 =	sld [smem:$0x3FD9]  }
0x89: {  	s3 =	sld [smem:$0x3FFE];
	_ =	sdelay $0x1  }
0x8a: {  	s1 =	srdreg.scid  }
0x8b: {  	s0 =	sand.u32 $0x1, s1  }
0x8c: {  	s18 =	sshll.u32 s0, $0xA;
	s2 =	sadd.s32 s3, s2  }
0x8d: {  	s2 =	sadd.s32 s2, s18  }
0x8e: {  	[smem:$0x3FC7] =	sst s2  }
0x8f: {  	_ = 	snop  }
0x90: {  	s2 =	sld [smem:$0x3FC9]  }
0x91: {  	s19 =	sld [smem:$0x3FD0];
	(tm) =	ssettm $0x1  }
0x92: {  	s4 =	sld [smem:$0x3FFB];
	_ =	sdelay $0x3  }
0x93: {  	_ =	strace s4  }
0x94: {  	s4 =	sld [smem:$0x3FFC];
	_ =	sdelay $0x3  }
0x95: {  	_ =	strace s4  }
0x96: {  	s4 =	sld [smem:$0x3FFD];
	_ =	sdelay $0x3  }
0x97: {  	_ =	strace s4  }
0x98: {  	_ =	strace $0x8FFFFFFF  }
0x99: {  	s20 =	sld [smem:$0x3FDB];
	_ =	sdelay $0x1  }
0x9a: {  	s5 =	simm.s32 $_scs_section_size  }
0x9b: {  	s6 =	simm.s32 $_size__tile_overlayer_lowered;
	s7 =	simm.s32 $_tile_overlayer_lowered  }
0x9c: {  	s23 =	simm.s32 $0x1BFF;
	s22 =	sshll.u32 s7, $0x1;
	s4 =	sadd.s32 s5, s20  }
0x9d: {  	s8 =	simm.s32 $0x0;
	s21 =	sshll.u32 s6, $0x1;
	s6 =	sadd.s32 s22, s4  }
0x9e: {  	[timem:s8], [sflag:s23] =	dma.local [hbm:s6], s21  }
0x9f: {  	_ =	swait.ge [sflag:s23], s21  }
0xa0: {  	s5 =	ssub.s32 $0x0, s21;
	[sflag:s23] =	ssyncset.done $0x0  }
0xa1: {  	[sflag:s23] =	ssyncadd.s32 s5;
	_ =	sdelay $0x1  }
0xa2: {  	s24 =	simm.s32 $0x1B8B  }
0xa3: {  	_ =	swait.ge [sflag:s24], $0x1  }
0xa4: {  	[sflag:s24] =	ssyncset.done $0x0  }
0xa5: {  	s25 =	simm.s32 $0x1B8E;
	[sflag:s24] =	ssyncadd.s32 $0xFFFFFFFF  }
0xa6: {  	s26 =	simm.s32 $execute0_lowered;
	[smem:$0x3FD2] =	sst s25  }
0xa7: {  	s5 =	sshll.u32 s26, $0x1;
	_ =	strace $0x80000046;
	[dreg:$0x1] =	wrdreg $0xFFFFFFFF  }
0xa8: {  	s28 =	simm.s32 $_size_execute0_lowered;
	s4 =	sadd.s32 s4, s5;
	[dreg:$0x0] =	wrdreg $0x0  }
0xa9: {  	s5 =	sshll.u32 s28, $0x1;
	[dreg:$0x2] =	wrdreg s4  }
0xaa: {  	[dreg:$0x3] =	wrdreg s5  }
0xab: {  	[dreg:$0x4] =	wrdreg $0xC0  }
0xac: {  	_ =	task [dreg:s8], $0x5FFFF  }
0xad: {  	[dreg:$0x1] =	wrdreg $0xFFFFFFFF  }
0xae: {  	[dreg:$0x0] =	wrdreg $0x60  }
0xaf: {  	[dreg:$0x2] =	wrdreg s2  }
0xb0: {  	[dreg:$0x3] =	wrdreg s19  }
0xb1: {  	[dreg:$0x4] =	wrdreg $0x9  }
0xb2: {  	_ =	task.clear_ibuf [dreg:s8], $0x5FFFF;
	_ =	strace $0x90000046  }
0xb3: {  	s29 =	simm.s32 $0x9;
	_ =	strace $0x80000048  }
0xb4: {  	_ =	swait.ge [sflag:s29], $0x1  }
0xb5: {  	[sflag:s29] =	ssyncadd.s32 $0xFFFFFFFF  }
0xb6: {  	_ =	strace $0x90000048  }
0xb7: {  	_ =	sfence  }
0xb8: {  	s30 =	sld [smem:$0x0];
	_ =	sdelay $0x2  }
0xb9: {  	s31 =	sshll.u32 s1, $0xD;
	s1 =	sshrl.u32 s1, $0x2  }
0xba: {  	s3 =	sand.u32 $0x4000, s31;
	s1 =	sadd.s32 s1, s30  }
0xbb: {  	s0 =	sor.u32 s3, s0;
	s1 =	sshll.u32 s1, $0x11  }
0xbc: {  	s0 =	sor.u32 s1, s0  }
0xbd: {  	s0 =	sadd.s32 $0x8F2B, s0  }
0xbe: {  	[sflag:s0] =	ssyncadd.remote.s32 $0x1  }
0xbf: {  	_ =	sfence.sel $0xFFFF  }
0xc0: {  	[dreg:$0x0] =	wrdreg $0xFFFFFFFF;
	(pc) =	sbr.abs _section_cstart, $3  }
0xc1: {  	[dreg:$0x1] =	wrdreg $0xFFFFFFFF  }
0xc2: {  	_ =	task.clear_ibuf [dreg:s8], $0x2FFFF;
	_ =	strace $0x9FFFFFFF  }
0xc3: {  	(tm) =	ssettm $0x7FFFFFFF  }
tec
execute0_lowered:
.L_overlay_start_1:
0x0: {  	(tag) =	ssettag $0x1  }
0x1: {  	s3 =	rddreg [dreg:$0x0]  }
0x2: {  	s0 =	rddreg [dreg:$0x1]  }
0x3: {  	s1 =	srdreg.scid;
	s4 =	stileid.u32  }
0x4: {  	s2 =	simm.s32 $0x0;
	p0 =	por $0x0, $0x0;
	s1 =	sand.u32 $0x1, s1  }
0x5: {  	s4 =	sshll.u32 s4, $0x10;
	[smem:$0x7FF] =	sst s2;
	s5 =	sshll.u32 s1, $0xF  }
0x6: {  	s31 =	simm.s32 $0x1;
	_ =	strace $0x80000047;
	s8 =	sor.u32 s5, s4  }
0x7: {  	s1 =	ssub.s32 $0x2, s1;
	s5 =	sadd.s32 s3, s8;
	s6 =	sor.u32 $0x1000, s8  }
0x8: {  	s4 =	sadd.s32 s0, s8;
	[dreg:$0x3] =	wrdreg s5;
	s14 =	sadd.s32 s3, s6  }
0x9: {  	s26 =	sshrl.u32 s1, $0x1;
	s15 =	sadd.s32 $0x100000, s4;
	[dreg:$0x4] =	wrdreg s14  }
0xa: {  	s7 =	sor.u32 $0x2000, s8;
	s16 =	sadd.s32 $0x200000, s4;
	[dreg:$0x5] =	wrdreg s15  }
0xb: {  	s23 =	sor.u32 $0x3000, s8;
	s17 =	sadd.s32 $0x300000, s4;
	[dreg:$0x6] =	wrdreg s16  }
0xc: {  	s1 =	ssub.s32 s1, s26;
	s18 =	sadd.s32 s3, s7;
	[dreg:$0x7] =	wrdreg s17  }
0xd: {  	s12 =	sor.u32 $0x4000, s8;
	s19 =	sadd.s32 s0, s6;
	[dreg:$0x8] =	wrdreg s18  }
0xe: {  	s13 =	sor.u32 $0x5000, s8;
	s20 =	sadd.s32 $0x101000, s4;
	[dreg:$0x9] =	wrdreg s19  }
0xf: {  	s21 =	sadd.s32 $0x201000, s4;
	s22 =	sadd.s32 $0x301000, s4;
	[dreg:$0xa] =	wrdreg s20  }
0x10: {  	s24 =	sadd.s32 s3, s23;
	s25 =	sadd.s32 s0, s7;
	[dreg:$0xb] =	wrdreg s21  }
0x11: {  	s9 =	sadd.s32 $0x102000, s4;
	s10 =	sadd.s32 $0x202000, s4;
	[dreg:$0xc] =	wrdreg s22  }
0x12: {  	s11 =	sadd.s32 $0x302000, s4;
	s26 =	sadd.s32 s0, s23;
	[dreg:$0xd] =	wrdreg s24  }
0x13: {  	s28 =	sadd.s32 $0x103000, s4;
	s29 =	sadd.s32 $0x203000, s4;
	[dreg:$0xe] =	wrdreg s25  }
0x14: {  	s30 =	sadd.s32 $0x303000, s4;
	s23 =	sadd.s32 $0x204000, s4;
	[dreg:$0xf] =	wrdreg s9  }
0x15: {  	s5 =	sadd.s32 s0, s13;
	s1 =	smax.u32 s1, $0x1;
	[dreg:$0x10] =	wrdreg s10  }
0x16: {  	s6 =	sadd.s32 $0x207000, s4;
	s7 =	sadd.s32 $0x307000, s4;
	[dreg:$0x11] =	wrdreg s11  }
0x17: {  	s25 =	sadd.s32 s3, s12;
	s20 =	sadd.s32 s3, s13;
	s21 =	sadd.s32 s0, s12  }
0x18: {  	s22 =	sadd.s32 $0x104000, s4;
	s14 =	sor.u32 $0x6000, s8;
	s24 =	sadd.s32 $0x304000, s4  }
0x19: {  	[dreg:$0x14] =	wrdreg s5;
	s16 =	sadd.s32 $0x105000, s4;
	s18 =	sadd.s32 $0x205000, s4  }
0x1a: {  	s17 =	sor.u32 $0x7000, s8;
	s19 =	sadd.s32 $0x305000, s4;
	p1 =	sne.s32 s1, $0x1  }
.Ltmp0:
0x1b: {  	s12 =	sadd.s32 $0x106000, s4;
	s13 =	sadd.s32 $0x206000, s4;
	(pc) =	sbr.rel @!p1 .LBB2_3-.Ltmp0, $4  }
0x1c: {  	s9 =	sadd.s32 $0xFFFFFFFF, s1;
	s8 =	simm.s32 $0x8000;
	s1 =	rddreg [dreg:$0x3]  }
0x1d: {  	s15 =	sadd.s32 s3, s14;
	[dreg:$0x15] =	wrdreg s16;
	s11 =	sadd.s32 s3, s17  }
0x1e: {  	s16 =	sadd.s32 s0, s14;
	s5 =	sadd.s32 s0, s17;
	s14 =	sadd.s32 $0x306000, s4  }
0x1f: {  	s17 =	sadd.s32 $0x107000, s4;
	s3 =	simm.s32 $0x2;
	[dreg:$0x13] =	wrdreg s15  }
0x20: {  	[tilespmem:s2], [sflag:$0x1] =	stream.linear.gather [hbm4b:s1+s2], $0x8000, $0x38;
	[tilespmem:$0x10000] =	vst v63  }
0x21: {  	_ =	swait.ge [sflag:s31], $0x8000  }
0x22: {  	[sflag:s31] =	ssyncset.done $0x0  }
0x23: {  	s0 =	rddreg [dreg:$0x4];
	[sflag:s31] =	ssyncadd.s32 $0xFFFF8000  }
0x24: {  	[tilespmem:s8], [sflag:$0x1] =	stream.linear.gather [hbm4b:s0+s2], $0x8000, $0x38;
	[tilespmem:$0x10000] =	vst v63  }
0x25: {  	_ = 	snop  }
0x26: {  	[hbm4b:s4+s2] =	stream.linear.scatter [tilespmem:s2], [sflag:$0x2], $0x8000, $0x38;
	[tilespmem:$0x10000] =	vst v63  }
0x27: {  	s10 =	rddreg [dreg:$0x5]  }
0x28: {  	[hbm4b:s10+s2] =	stream.linear.scatter [tilespmem:s2], [sflag:$0x2], $0x8000, $0x38;
	[tilespmem:$0x10000] =	vst v63  }
0x29: {  	s0 =	rddreg [dreg:$0x6]  }
0x2a: {  	[hbm4b:s0+s2] =	stream.linear.scatter [tilespmem:s2], [sflag:$0x2], $0x8000, $0x38;
	[tilespmem:$0x10000] =	vst v63  }
0x2b: {  	s15 =	rddreg [dreg:$0x7]  }
0x2c: {  	[hbm4b:s15+s2] =	stream.linear.scatter [tilespmem:s2], [sflag:$0x2], $0x8000, $0x38;
	[tilespmem:$0x10000] =	vst v63  }
0x2d: {  	_ =	swait.ge [sflag:s3], $0x8000  }
0x2e: {  	[sflag:s3] =	ssyncset.done $0x0  }
0x2f: {  	[sflag:s3] =	ssyncadd.s32 $0xFFFF8000  }
0x30: {  	_ =	swait.ge [sflag:s3], $0x8000  }
0x31: {  	[sflag:s3] =	ssyncset.done $0x0  }
0x32: {  	[sflag:s3] =	ssyncadd.s32 $0xFFFF8000  }
0x33: {  	_ =	swait.ge [sflag:s3], $0x8000  }
0x34: {  	[sflag:s3] =	ssyncset.done $0x0  }
0x35: {  	[sflag:s3] =	ssyncadd.s32 $0xFFFF8000  }
0x36: {  	_ =	swait.ge [sflag:s3], $0x8000  }
0x37: {  	[sflag:s3] =	ssyncset.done $0x0  }
0x38: {  	[sflag:s3] =	ssyncadd.s32 $0xFFFF8000  }
0x39: {  	_ =	swait.ge [sflag:s31], $0x8000  }
0x3a: {  	[sflag:s31] =	ssyncset.done $0x0  }
0x3b: {  	s1 =	rddreg [dreg:$0x8];
	[sflag:s31] =	ssyncadd.s32 $0xFFFF8000  }
0x3c: {  	[tilespmem:s2], [sflag:$0x1] =	stream.linear.gather [hbm4b:s1+s2], $0x8000, $0x38;
	[tilespmem:$0x10000] =	vst v63  }
0x3d: {  	s10 =	rddreg [dreg:$0x9]  }
0x3e: {  	[hbm4b:s10+s2] =	stream.linear.scatter [tilespmem:s8], [sflag:$0x2], $0x8000, $0x38;
	[tilespmem:$0x10000] =	vst v63  }
0x3f: {  	s15 =	rddreg [dreg:$0xa]  }
0x40: {  	[hbm4b:s15+s2] =	stream.linear.scatter [tilespmem:s8], [sflag:$0x2], $0x8000, $0x38;
	[tilespmem:$0x10000] =	vst v63  }
0x41: {  	s10 =	rddreg [dreg:$0xb]  }
0x42: {  	[hbm4b:s10+s2] =	stream.linear.scatter [tilespmem:s8], [sflag:$0x2], $0x8000, $0x38;
	[tilespmem:$0x10000] =	vst v63  }
0x43: {  	s15 =	rddreg [dreg:$0xc]  }
0x44: {  	[hbm4b:s15+s2] =	stream.linear.scatter [tilespmem:s8], [sflag:$0x2], $0x8000, $0x38;
	[tilespmem:$0x10000] =	vst v63  }
0x45: {  	_ =	swait.ge [sflag:s3], $0x8000  }
0x46: {  	[sflag:s3] =	ssyncset.done $0x0  }
0x47: {  	[sflag:s3] =	ssyncadd.s32 $0xFFFF8000  }
0x48: {  	_ =	swait.ge [sflag:s3], $0x8000  }
0x49: {  	[sflag:s3] =	ssyncset.done $0x0  }
0x4a: {  	[sflag:s3] =	ssyncadd.s32 $0xFFFF8000  }
0x4b: {  	_ =	swait.ge [sflag:s3], $0x8000  }
0x4c: {  	[sflag:s3] =	ssyncset.done $0x0  }
0x4d: {  	[sflag:s3] =	ssyncadd.s32 $0xFFFF8000  }
0x4e: {  	_ =	swait.ge [sflag:s3], $0x8000  }
0x4f: {  	[sflag:s3] =	ssyncset.done $0x0  }
0x50: {  	[sflag:s3] =	ssyncadd.s32 $0xFFFF8000  }
0x51: {  	_ =	swait.ge [sflag:s31], $0x8000  }
0x52: {  	[sflag:s31] =	ssyncset.done $0x0  }
0x53: {  	s1 =	rddreg [dreg:$0xd];
	[sflag:s31] =	ssyncadd.s32 $0xFFFF8000  }
0x54: {  	[tilespmem:s8], [sflag:$0x1] =	stream.linear.gather [hbm4b:s1+s2], $0x8000, $0x38;
	[tilespmem:$0x10000] =	vst v63  }
0x55: {  	s10 =	rddreg [dreg:$0xe]  }
0x56: {  	[hbm4b:s10+s2] =	stream.linear.scatter [tilespmem:s2], [sflag:$0x2], $0x8000, $0x38;
	[tilespmem:$0x10000] =	vst v63  }
0x57: {  	s15 =	rddreg [dreg:$0xf]  }
0x58: {  	[hbm4b:s15+s2] =	stream.linear.scatter [tilespmem:s2], [sflag:$0x2], $0x8000, $0x38;
	[tilespmem:$0x10000] =	vst v63  }
0x59: {  	s10 =	rddreg [dreg:$0x10]  }
0x5a: {  	[hbm4b:s10+s2] =	stream.linear.scatter [tilespmem:s2], [sflag:$0x2], $0x8000, $0x38;
	[tilespmem:$0x10000] =	vst v63  }
0x5b: {  	s15 =	rddreg [dreg:$0x11]  }
0x5c: {  	[hbm4b:s15+s2] =	stream.linear.scatter [tilespmem:s2], [sflag:$0x2], $0x8000, $0x38;
	[tilespmem:$0x10000] =	vst v63  }
0x5d: {  	_ =	swait.ge [sflag:s3], $0x8000  }
0x5e: {  	[sflag:s3] =	ssyncset.done $0x0  }
0x5f: {  	[sflag:s3] =	ssyncadd.s32 $0xFFFF8000  }
0x60: {  	_ =	swait.ge [sflag:s3], $0x8000  }
0x61: {  	[sflag:s3] =	ssyncset.done $0x0  }
0x62: {  	[sflag:s3] =	ssyncadd.s32 $0xFFFF8000  }
0x63: {  	_ =	swait.ge [sflag:s3], $0x8000  }
0x64: {  	[sflag:s3] =	ssyncset.done $0x0  }
0x65: {  	[sflag:s3] =	ssyncadd.s32 $0xFFFF8000  }
0x66: {  	_ =	swait.ge [sflag:s3], $0x8000  }
0x67: {  	[sflag:s3] =	ssyncset.done $0x0  }
0x68: {  	[sflag:s3] =	ssyncadd.s32 $0xFFFF8000  }
0x69: {  	_ =	swait.ge [sflag:s31], $0x8000  }
0x6a: {  	[sflag:s31] =	ssyncset.done $0x0  }
0x6b: {  	[sflag:s31] =	ssyncadd.s32 $0xFFFF8000  }
0x6c: {  	[tilespmem:s2], [sflag:$0x1] =	stream.linear.gather [hbm4b:s25+s2], $0x8000, $0x38;
	[tilespmem:$0x10000] =	vst v63  }
0x6d: {  	_ = 	snop  }
0x6e: {  	[hbm4b:s26+s2] =	stream.linear.scatter [tilespmem:s8], [sflag:$0x2], $0x8000, $0x38;
	[tilespmem:$0x10000] =	vst v63  }
0x6f: {  	_ = 	snop  }
0x70: {  	[hbm4b:s28+s2] =	stream.linear.scatter [tilespmem:s8], [sflag:$0x2], $0x8000, $0x38;
	[tilespmem:$0x10000] =	vst v63  }
0x71: {  	_ = 	snop  }
0x72: {  	[hbm4b:s29+s2] =	stream.linear.scatter [tilespmem:s8], [sflag:$0x2], $0x8000, $0x38;
	[tilespmem:$0x10000] =	vst v63  }
0x73: {  	_ = 	snop  }
0x74: {  	[hbm4b:s30+s2] =	stream.linear.scatter [tilespmem:s8], [sflag:$0x2], $0x8000, $0x38;
	[tilespmem:$0x10000] =	vst v63  }
0x75: {  	_ =	swait.ge [sflag:s3], $0x8000  }
0x76: {  	[sflag:s3] =	ssyncset.done $0x0  }
0x77: {  	[sflag:s3] =	ssyncadd.s32 $0xFFFF8000  }
0x78: {  	_ =	swait.ge [sflag:s3], $0x8000  }
0x79: {  	[sflag:s3] =	ssyncset.done $0x0  }
0x7a: {  	[sflag:s3] =	ssyncadd.s32 $0xFFFF8000  }
0x7b: {  	_ =	swait.ge [sflag:s3], $0x8000  }
0x7c: {  	[sflag:s3] =	ssyncset.done $0x0  }
0x7d: {  	[sflag:s3] =	ssyncadd.s32 $0xFFFF8000  }
0x7e: {  	_ =	swait.ge [sflag:s3], $0x8000  }
0x7f: {  	[sflag:s3] =	ssyncset.done $0x0  }
0x80: {  	[sflag:s3] =	ssyncadd.s32 $0xFFFF8000  }
0x81: {  	_ =	swait.ge [sflag:s31], $0x8000  }
0x82: {  	[sflag:s31] =	ssyncset.done $0x0  }
0x83: {  	[sflag:s31] =	ssyncadd.s32 $0xFFFF8000  }
0x84: {  	[tilespmem:s8], [sflag:$0x1] =	stream.linear.gather [hbm4b:s20+s2], $0x8000, $0x38;
	[tilespmem:$0x10000] =	vst v63  }
0x85: {  	_ = 	snop  }
0x86: {  	[hbm4b:s21+s2] =	stream.linear.scatter [tilespmem:s2], [sflag:$0x2], $0x8000, $0x38;
	[tilespmem:$0x10000] =	vst v63  }
0x87: {  	_ = 	snop  }
0x88: {  	[hbm4b:s22+s2] =	stream.linear.scatter [tilespmem:s2], [sflag:$0x2], $0x8000, $0x38;
	[tilespmem:$0x10000] =	vst v63  }
0x89: {  	_ = 	snop  }
0x8a: {  	[hbm4b:s23+s2] =	stream.linear.scatter [tilespmem:s2], [sflag:$0x2], $0x8000, $0x38;
	[tilespmem:$0x10000] =	vst v63  }
0x8b: {  	_ = 	snop  }
0x8c: {  	[hbm4b:s24+s2] =	stream.linear.scatter [tilespmem:s2], [sflag:$0x2], $0x8000, $0x38;
	[tilespmem:$0x10000] =	vst v63  }
0x8d: {  	_ =	swait.ge [sflag:s3], $0x8000  }
0x8e: {  	[sflag:s3] =	ssyncset.done $0x0  }
0x8f: {  	[sflag:s3] =	ssyncadd.s32 $0xFFFF8000  }
0x90: {  	_ =	swait.ge [sflag:s3], $0x8000  }
0x91: {  	[sflag:s3] =	ssyncset.done $0x0  }
0x92: {  	[sflag:s3] =	ssyncadd.s32 $0xFFFF8000  }
0x93: {  	_ =	swait.ge [sflag:s3], $0x8000  }
0x94: {  	[sflag:s3] =	ssyncset.done $0x0  }
0x95: {  	[sflag:s3] =	ssyncadd.s32 $0xFFFF8000  }
0x96: {  	_ =	swait.ge [sflag:s3], $0x8000  }
0x97: {  	[sflag:s3] =	ssyncset.done $0x0  }
0x98: {  	[sflag:s3] =	ssyncadd.s32 $0xFFFF8000  }
0x99: {  	_ =	swait.ge [sflag:s31], $0x8000  }
0x9a: {  	[sflag:s31] =	ssyncset.done $0x0  }
0x9b: {  	s1 =	rddreg [dreg:$0x13];
	[sflag:s31] =	ssyncadd.s32 $0xFFFF8000  }
0x9c: {  	[tilespmem:s2], [sflag:$0x1] =	stream.linear.gather [hbm4b:s1+s2], $0x8000, $0x38;
	[tilespmem:$0x10000] =	vst v63  }
0x9d: {  	s10 =	rddreg [dreg:$0x14]  }
0x9e: {  	[hbm4b:s10+s2] =	stream.linear.scatter [tilespmem:s8], [sflag:$0x2], $0x8000, $0x38;
	[tilespmem:$0x10000] =	vst v63  }
0x9f: {  	s15 =	rddreg [dreg:$0x15]  }
0xa0: {  	[hbm4b:s15+s2] =	stream.linear.scatter [tilespmem:s8], [sflag:$0x2], $0x8000, $0x38;
	[tilespmem:$0x10000] =	vst v63  }
0xa1: {  	_ = 	snop  }
0xa2: {  	[hbm4b:s18+s2] =	stream.linear.scatter [tilespmem:s8], [sflag:$0x2], $0x8000, $0x38;
	[tilespmem:$0x10000] =	vst v63  }
0xa3: {  	_ = 	snop  }
0xa4: {  	[hbm4b:s19+s2] =	stream.linear.scatter [tilespmem:s8], [sflag:$0x2], $0x8000, $0x38;
	[tilespmem:$0x10000] =	vst v63  }
0xa5: {  	_ =	swait.ge [sflag:s3], $0x8000  }
0xa6: {  	[sflag:s3] =	ssyncset.done $0x0  }
0xa7: {  	[sflag:s3] =	ssyncadd.s32 $0xFFFF8000  }
0xa8: {  	_ =	swait.ge [sflag:s3], $0x8000  }
0xa9: {  	[sflag:s3] =	ssyncset.done $0x0  }
0xaa: {  	[sflag:s3] =	ssyncadd.s32 $0xFFFF8000  }
0xab: {  	_ =	swait.ge [sflag:s3], $0x8000  }
0xac: {  	[sflag:s3] =	ssyncset.done $0x0  }
0xad: {  	[sflag:s3] =	ssyncadd.s32 $0xFFFF8000  }
0xae: {  	_ =	swait.ge [sflag:s3], $0x8000  }
0xaf: {  	[sflag:s3] =	ssyncset.done $0x0  }
0xb0: {  	[sflag:s3] =	ssyncadd.s32 $0xFFFF8000  }
0xb1: {  	_ =	swait.ge [sflag:s31], $0x8000  }
0xb2: {  	[sflag:s31] =	ssyncset.done $0x0  }
0xb3: {  	[sflag:s31] =	ssyncadd.s32 $0xFFFF8000  }
0xb4: {  	[tilespmem:s8], [sflag:$0x1] =	stream.linear.gather [hbm4b:s11+s2], $0x8000, $0x38;
	[tilespmem:$0x10000] =	vst v63  }
0xb5: {  	_ = 	snop  }
0xb6: {  	[hbm4b:s16+s2] =	stream.linear.scatter [tilespmem:s2], [sflag:$0x2], $0x8000, $0x38;
	[tilespmem:$0x10000] =	vst v63  }
0xb7: {  	_ = 	snop  }
0xb8: {  	[hbm4b:s12+s2] =	stream.linear.scatter [tilespmem:s2], [sflag:$0x2], $0x8000, $0x38;
	[tilespmem:$0x10000] =	vst v63  }
0xb9: {  	_ = 	snop  }
0xba: {  	[hbm4b:s13+s2] =	stream.linear.scatter [tilespmem:s2], [sflag:$0x2], $0x8000, $0x38;
	[tilespmem:$0x10000] =	vst v63  }
0xbb: {  	_ = 	snop  }
0xbc: {  	[hbm4b:s14+s2] =	stream.linear.scatter [tilespmem:s2], [sflag:$0x2], $0x8000, $0x38;
	[tilespmem:$0x10000] =	vst v63  }
0xbd: {  	_ =	swait.ge [sflag:s3], $0x8000  }
0xbe: {  	[sflag:s3] =	ssyncset.done $0x0  }
0xbf: {  	[sflag:s3] =	ssyncadd.s32 $0xFFFF8000  }
0xc0: {  	_ =	swait.ge [sflag:s3], $0x8000  }
0xc1: {  	[sflag:s3] =	ssyncset.done $0x0  }
0xc2: {  	[sflag:s3] =	ssyncadd.s32 $0xFFFF8000  }
0xc3: {  	_ =	swait.ge [sflag:s3], $0x8000  }
0xc4: {  	[sflag:s3] =	ssyncset.done $0x0  }
0xc5: {  	[sflag:s3] =	ssyncadd.s32 $0xFFFF8000  }
0xc6: {  	_ =	swait.ge [sflag:s3], $0x8000  }
0xc7: {  	[sflag:s3] =	ssyncset.done $0x0  }
0xc8: {  	[sflag:s3] =	ssyncadd.s32 $0xFFFF8000  }
0xc9: {  	_ =	swait.ge [sflag:s31], $0x8000  }
0xca: {  	[sflag:s31] =	ssyncset.done $0x0  }
0xcb: {  	[sflag:s31] =	ssyncadd.s32 $0xFFFF8000  }
0xcc: {  	[hbm4b:s5+s2] =	stream.linear.scatter [tilespmem:s8], [sflag:$0x2], $0x8000, $0x38;
	[tilespmem:$0x10000] =	vst v63  }
0xcd: {  	_ = 	snop  }
0xce: {  	[hbm4b:s17+s2] =	stream.linear.scatter [tilespmem:s8], [sflag:$0x2], $0x8000, $0x38;
	[tilespmem:$0x10000] =	vst v63  }
0xcf: {  	_ = 	snop  }
0xd0: {  	[hbm4b:s6+s2] =	stream.linear.scatter [tilespmem:s8], [sflag:$0x2], $0x8000, $0x38;
	[tilespmem:$0x10000] =	vst v63  }
0xd1: {  	_ = 	snop  }
0xd2: {  	[hbm4b:s7+s2] =	stream.linear.scatter [tilespmem:s8], [sflag:$0x2], $0x8000, $0x38;
	[tilespmem:$0x10000] =	vst v63  }
0xd3: {  	_ =	swait.ge [sflag:s3], $0x8000  }
0xd4: {  	[sflag:s3] =	ssyncset.done $0x0  }
0xd5: {  	[sflag:s3] =	ssyncadd.s32 $0xFFFF8000  }
0xd6: {  	_ =	swait.ge [sflag:s3], $0x8000  }
0xd7: {  	[sflag:s3] =	ssyncset.done $0x0  }
0xd8: {  	p1 =	sne.s32 s9, $0x1;
	[sflag:s3] =	ssyncadd.s32 $0xFFFF8000  }
.Ltmp1:
0xd9: {  	_ =	swait.ge [sflag:s3], $0x8000;
	(pc) =	sbr.rel @!p1 .LBB2_3-.Ltmp1, $4  }
0xda: {  	[sflag:s3] =	ssyncset.done $0x0  }
0xdb: {  	[sflag:s3] =	ssyncadd.s32 $0xFFFF8000  }
0xdc: {  	p0 =	por $0x1, $0x1;
	_ =	swait.ge [sflag:s3], $0x8000;
	[dreg:$0x12] =	wrdreg s4  }
0xdd: {  	s0 =	sadd.s32 $0xFFFFFFFF, s9;
	s1 =	rddreg [dreg:$0x3];
	[sflag:s3] =	ssyncset.done $0x0  }
.LBB2_2:
0xde: {  	[sflag:s3] =	ssyncadd.s32 $0xFFFF8000  }
0xdf: {  	[tilespmem:s2], [sflag:$0x1] =	stream.linear.gather [hbm4b:s1+s2], $0x8000, $0x38;
	[tilespmem:$0x10000] =	vst v63  }
0xe0: {  	_ =	swait.ge [sflag:s31], $0x8000  }
0xe1: {  	[sflag:s31] =	ssyncset.done $0x0  }
0xe2: {  	s15 =	rddreg [dreg:$0x4];
	[sflag:s31] =	ssyncadd.s32 $0xFFFF8000  }
0xe3: {  	[tilespmem:s8], [sflag:$0x1] =	stream.linear.gather [hbm4b:s15+s2], $0x8000, $0x38;
	[tilespmem:$0x10000] =	vst v63  }
0xe4: {  	s1 =	rddreg [dreg:$0x5];
	s8 =	smov.u32 s30;
	s30 =	smov.u32 s29  }
0xe5: {  	s29 =	smov.u32 s28;
	s28 =	smov.u32 s26;
	s26 =	smov.u32 s25  }
0xe6: {  	[hbm4b:s4+s2] =	stream.linear.scatter [tilespmem:s2], [sflag:$0x2], $0x8000, $0x38;
	[tilespmem:$0x10000] =	vst v63  }
0xe7: {  	s25 =	smov.u32 s24;
	s24 =	smov.u32 s23;
	s23 =	smov.u32 s22  }
0xe8: {  	[hbm4b:s1+s2] =	stream.linear.scatter [tilespmem:s2], [sflag:$0x2], $0x8000, $0x38;
	[tilespmem:$0x10000] =	vst v63  }
0xe9: {  	s22 =	smov.u32 s21;
	s21 =	smov.u32 s20;
	s20 =	rddreg [dreg:$0x6]  }
0xea: {  	[hbm4b:s20+s2] =	stream.linear.scatter [tilespmem:s2], [sflag:$0x2], $0x8000, $0x38;
	[tilespmem:$0x10000] =	vst v63  }
0xeb: {  	s10 =	smov.u32 s7;
	s7 =	smov.u32 s6;
	s6 =	rddreg [dreg:$0x7]  }
0xec: {  	[hbm4b:s6+s2] =	stream.linear.scatter [tilespmem:s2], [sflag:$0x2], $0x8000, $0x38;
	[tilespmem:$0x10000] =	vst v63  }
0xed: {  	_ =	swait.ge [sflag:s3], $0x8000  }
0xee: {  	[sflag:s3] =	ssyncset.done $0x0  }
0xef: {  	[sflag:s3] =	ssyncadd.s32 $0xFFFF8000  }
0xf0: {  	_ =	swait.ge [sflag:s3], $0x8000  }
0xf1: {  	[sflag:s3] =	ssyncset.done $0x0  }
0xf2: {  	[sflag:s3] =	ssyncadd.s32 $0xFFFF8000  }
0xf3: {  	_ =	swait.ge [sflag:s3], $0x8000  }
0xf4: {  	[sflag:s3] =	ssyncset.done $0x0  }
0xf5: {  	[sflag:s3] =	ssyncadd.s32 $0xFFFF8000  }
0xf6: {  	_ =	swait.ge [sflag:s3], $0x8000  }
0xf7: {  	[sflag:s3] =	ssyncset.done $0x0  }
0xf8: {  	[sflag:s3] =	ssyncadd.s32 $0xFFFF8000  }
0xf9: {  	_ =	swait.ge [sflag:s31], $0x8000  }
0xfa: {  	s15 =	smov.u32 s14;
	s14 =	smov.u32 s13;
	[sflag:s31] =	ssyncset.done $0x0  }
0xfb: {  	s13 =	smov.u32 s12;
	s12 =	rddreg [dreg:$0x8];
	[sflag:s31] =	ssyncadd.s32 $0xFFFF8000  }
0xfc: {  	[tilespmem:s2], [sflag:$0x1] =	stream.linear.gather [hbm4b:s12+s2], $0x8000, $0x38;
	[tilespmem:$0x10000] =	vst v63  }
0xfd: {  	s9 =	simm.s32 $0x8000;
	s20 =	rddreg [dreg:$0x9]  }
0xfe: {  	[hbm4b:s20+s2] =	stream.linear.scatter [tilespmem:s9], [sflag:$0x2], $0x8000, $0x38;
	[tilespmem:$0x10000] =	vst v63  }
0xff: {  	s6 =	rddreg [dreg:$0xa]  }
0x100: {  	[hbm4b:s6+s2] =	stream.linear.scatter [tilespmem:s9], [sflag:$0x2], $0x8000, $0x38;
	[tilespmem:$0x10000] =	vst v63  }
0x101: {  	s12 =	rddreg [dreg:$0xb]  }
0x102: {  	[hbm4b:s12+s2] =	stream.linear.scatter [tilespmem:s9], [sflag:$0x2], $0x8000, $0x38;
	[tilespmem:$0x10000] =	vst v63  }
0x103: {  	s20 =	rddreg [dreg:$0xc]  }
0x104: {  	[hbm4b:s20+s2] =	stream.linear.scatter [tilespmem:s9], [sflag:$0x2], $0x8000, $0x38;
	[tilespmem:$0x10000] =	vst v63  }
0x105: {  	_ =	swait.ge [sflag:s3], $0x8000  }
0x106: {  	[sflag:s3] =	ssyncset.done $0x0  }
0x107: {  	[sflag:s3] =	ssyncadd.s32 $0xFFFF8000  }
0x108: {  	_ =	swait.ge [sflag:s3], $0x8000  }
0x109: {  	[sflag:s3] =	ssyncset.done $0x0  }
0x10a: {  	[sflag:s3] =	ssyncadd.s32 $0xFFFF8000  }
0x10b: {  	_ =	swait.ge [sflag:s3], $0x8000  }
0x10c: {  	[sflag:s3] =	ssyncset.done $0x0  }
0x10d: {  	[sflag:s3] =	ssyncadd.s32 $0xFFFF8000  }
0x10e: {  	_ =	swait.ge [sflag:s3], $0x8000  }
0x10f: {  	[sflag:s3] =	ssyncset.done $0x0  }
0x110: {  	[sflag:s3] =	ssyncadd.s32 $0xFFFF8000  }
0x111: {  	_ =	swait.ge [sflag:s31], $0x8000  }
0x112: {  	s4 =	rddreg [dreg:$0xd]  }
0x113: {  	s6 =	rddreg [dreg:$0xe]  }
0x114: {  	[sflag:s31] =	ssyncset.done $0x0;
	s12 =	rddreg [dreg:$0xf]  }
0x115: {  	s20 =	rddreg [dreg:$0x10];
	[sflag:s31] =	ssyncadd.s32 $0xFFFF8000  }
0x116: {  	[tilespmem:s9], [sflag:$0x1] =	stream.linear.gather [hbm4b:s4+s2], $0x8000, $0x38;
	[tilespmem:$0x10000] =	vst v63  }
0x117: {  	s1 =	rddreg [dreg:$0x11]  }
0x118: {  	[hbm4b:s6+s2] =	stream.linear.scatter [tilespmem:s2], [sflag:$0x2], $0x8000, $0x38;
	[tilespmem:$0x10000] =	vst v63  }
0x119: {  	s9 =	smov.u32 s5;
	s5 =	smov.u32 s11;
	s11 =	rddreg [dreg:$0x13]  }
0x11a: {  	[hbm4b:s12+s2] =	stream.linear.scatter [tilespmem:s2], [sflag:$0x2], $0x8000, $0x38;
	[tilespmem:$0x10000] =	vst v63  }
0x11b: {  	s4 =	rddreg [dreg:$0x12]  }
0x11c: {  	[hbm4b:s20+s2] =	stream.linear.scatter [tilespmem:s2], [sflag:$0x2], $0x8000, $0x38;
	[tilespmem:$0x10000] =	vst v63  }
0x11d: {  	s6 =	smov.u32 s17;
	s17 =	rddreg [dreg:$0x15]  }
0x11e: {  	[hbm4b:s1+s2] =	stream.linear.scatter [tilespmem:s2], [sflag:$0x2], $0x8000, $0x38;
	[tilespmem:$0x10000] =	vst v63  }
0x11f: {  	s12 =	smov.u32 s16;
	s16 =	rddreg [dreg:$0x14];
	_ =	swait.ge [sflag:s3], $0x8000  }
0x120: {  	[sflag:s3] =	ssyncset.done $0x0  }
0x121: {  	[sflag:s3] =	ssyncadd.s32 $0xFFFF8000  }
0x122: {  	_ =	swait.ge [sflag:s3], $0x8000  }
0x123: {  	[sflag:s3] =	ssyncset.done $0x0  }
0x124: {  	[sflag:s3] =	ssyncadd.s32 $0xFFFF8000  }
0x125: {  	_ =	swait.ge [sflag:s3], $0x8000  }
0x126: {  	[sflag:s3] =	ssyncset.done $0x0  }
0x127: {  	[sflag:s3] =	ssyncadd.s32 $0xFFFF8000  }
0x128: {  	_ =	swait.ge [sflag:s3], $0x8000  }
0x129: {  	[sflag:s3] =	ssyncset.done $0x0  }
0x12a: {  	s20 =	smov.u32 s21;
	s21 =	smov.u32 s22;
	[sflag:s3] =	ssyncadd.s32 $0xFFFF8000  }
0x12b: {  	s22 =	smov.u32 s23;
	s23 =	smov.u32 s24;
	_ =	swait.ge [sflag:s31], $0x8000  }
0x12c: {  	s24 =	smov.u32 s25;
	s25 =	smov.u32 s26;
	[sflag:s31] =	ssyncset.done $0x0  }
0x12d: {  	s26 =	smov.u32 s28;
	s28 =	smov.u32 s29;
	[sflag:s31] =	ssyncadd.s32 $0xFFFF8000  }
0x12e: {  	[tilespmem:s2], [sflag:$0x1] =	stream.linear.gather [hbm4b:s25+s2], $0x8000, $0x38;
	[tilespmem:$0x10000] =	vst v63  }
0x12f: {  	s29 =	smov.u32 s30;
	s30 =	smov.u32 s8;
	s8 =	simm.s32 $0x8000  }
0x130: {  	[hbm4b:s26+s2] =	stream.linear.scatter [tilespmem:s8], [sflag:$0x2], $0x8000, $0x38;
	[tilespmem:$0x10000] =	vst v63  }
0x131: {  	_ = 	snop  }
0x132: {  	[hbm4b:s28+s2] =	stream.linear.scatter [tilespmem:s8], [sflag:$0x2], $0x8000, $0x38;
	[tilespmem:$0x10000] =	vst v63  }
0x133: {  	_ = 	snop  }
0x134: {  	[hbm4b:s29+s2] =	stream.linear.scatter [tilespmem:s8], [sflag:$0x2], $0x8000, $0x38;
	[tilespmem:$0x10000] =	vst v63  }
0x135: {  	_ = 	snop  }
0x136: {  	[hbm4b:s30+s2] =	stream.linear.scatter [tilespmem:s8], [sflag:$0x2], $0x8000, $0x38;
	[tilespmem:$0x10000] =	vst v63  }
0x137: {  	_ =	swait.ge [sflag:s3], $0x8000  }
0x138: {  	[sflag:s3] =	ssyncset.done $0x0  }
0x139: {  	[sflag:s3] =	ssyncadd.s32 $0xFFFF8000  }
0x13a: {  	_ =	swait.ge [sflag:s3], $0x8000  }
0x13b: {  	[sflag:s3] =	ssyncset.done $0x0  }
0x13c: {  	[sflag:s3] =	ssyncadd.s32 $0xFFFF8000  }
0x13d: {  	_ =	swait.ge [sflag:s3], $0x8000  }
0x13e: {  	[sflag:s3] =	ssyncset.done $0x0  }
0x13f: {  	[sflag:s3] =	ssyncadd.s32 $0xFFFF8000  }
0x140: {  	_ =	swait.ge [sflag:s3], $0x8000  }
0x141: {  	[sflag:s3] =	ssyncset.done $0x0  }
0x142: {  	[sflag:s3] =	ssyncadd.s32 $0xFFFF8000  }
0x143: {  	_ =	swait.ge [sflag:s31], $0x8000  }
0x144: {  	[sflag:s31] =	ssyncset.done $0x0  }
0x145: {  	[sflag:s31] =	ssyncadd.s32 $0xFFFF8000  }
0x146: {  	[tilespmem:s8], [sflag:$0x1] =	stream.linear.gather [hbm4b:s20+s2], $0x8000, $0x38;
	[tilespmem:$0x10000] =	vst v63  }
0x147: {  	_ = 	snop  }
0x148: {  	[hbm4b:s21+s2] =	stream.linear.scatter [tilespmem:s2], [sflag:$0x2], $0x8000, $0x38;
	[tilespmem:$0x10000] =	vst v63  }
0x149: {  	_ = 	snop  }
0x14a: {  	[hbm4b:s22+s2] =	stream.linear.scatter [tilespmem:s2], [sflag:$0x2], $0x8000, $0x38;
	[tilespmem:$0x10000] =	vst v63  }
0x14b: {  	_ = 	snop  }
0x14c: {  	[hbm4b:s23+s2] =	stream.linear.scatter [tilespmem:s2], [sflag:$0x2], $0x8000, $0x38;
	[tilespmem:$0x10000] =	vst v63  }
0x14d: {  	_ = 	snop  }
0x14e: {  	[hbm4b:s24+s2] =	stream.linear.scatter [tilespmem:s2], [sflag:$0x2], $0x8000, $0x38;
	[tilespmem:$0x10000] =	vst v63  }
0x14f: {  	_ =	swait.ge [sflag:s3], $0x8000  }
0x150: {  	[sflag:s3] =	ssyncset.done $0x0  }
0x151: {  	[sflag:s3] =	ssyncadd.s32 $0xFFFF8000  }
0x152: {  	_ =	swait.ge [sflag:s3], $0x8000  }
0x153: {  	[sflag:s3] =	ssyncset.done $0x0  }
0x154: {  	[sflag:s3] =	ssyncadd.s32 $0xFFFF8000  }
0x155: {  	_ =	swait.ge [sflag:s3], $0x8000  }
0x156: {  	[sflag:s3] =	ssyncset.done $0x0  }
0x157: {  	[sflag:s3] =	ssyncadd.s32 $0xFFFF8000  }
0x158: {  	_ =	swait.ge [sflag:s3], $0x8000  }
0x159: {  	[sflag:s3] =	ssyncset.done $0x0  }
0x15a: {  	[sflag:s3] =	ssyncadd.s32 $0xFFFF8000  }
0x15b: {  	_ =	swait.ge [sflag:s31], $0x8000  }
0x15c: {  	[sflag:s31] =	ssyncset.done $0x0  }
0x15d: {  	[sflag:s31] =	ssyncadd.s32 $0xFFFF8000  }
0x15e: {  	[tilespmem:s2], [sflag:$0x1] =	stream.linear.gather [hbm4b:s11+s2], $0x8000, $0x38;
	[tilespmem:$0x10000] =	vst v63  }
0x15f: {  	_ = 	snop  }
0x160: {  	[hbm4b:s16+s2] =	stream.linear.scatter [tilespmem:s8], [sflag:$0x2], $0x8000, $0x38;
	[tilespmem:$0x10000] =	vst v63  }
0x161: {  	_ = 	snop  }
0x162: {  	[hbm4b:s17+s2] =	stream.linear.scatter [tilespmem:s8], [sflag:$0x2], $0x8000, $0x38;
	[tilespmem:$0x10000] =	vst v63  }
0x163: {  	_ = 	snop  }
0x164: {  	[hbm4b:s18+s2] =	stream.linear.scatter [tilespmem:s8], [sflag:$0x2], $0x8000, $0x38;
	[tilespmem:$0x10000] =	vst v63  }
0x165: {  	_ = 	snop  }
0x166: {  	[hbm4b:s19+s2] =	stream.linear.scatter [tilespmem:s8], [sflag:$0x2], $0x8000, $0x38;
	[tilespmem:$0x10000] =	vst v63  }
0x167: {  	_ =	swait.ge [sflag:s3], $0x8000  }
0x168: {  	[sflag:s3] =	ssyncset.done $0x0  }
0x169: {  	[sflag:s3] =	ssyncadd.s32 $0xFFFF8000  }
0x16a: {  	_ =	swait.ge [sflag:s3], $0x8000  }
0x16b: {  	[sflag:s3] =	ssyncset.done $0x0  }
0x16c: {  	[sflag:s3] =	ssyncadd.s32 $0xFFFF8000  }
0x16d: {  	_ =	swait.ge [sflag:s3], $0x8000  }
0x16e: {  	[sflag:s3] =	ssyncset.done $0x0  }
0x16f: {  	[sflag:s3] =	ssyncadd.s32 $0xFFFF8000  }
0x170: {  	_ =	swait.ge [sflag:s3], $0x8000  }
0x171: {  	[sflag:s3] =	ssyncset.done $0x0  }
0x172: {  	[sflag:s3] =	ssyncadd.s32 $0xFFFF8000  }
0x173: {  	_ =	swait.ge [sflag:s31], $0x8000  }
0x174: {  	[sflag:s31] =	ssyncset.done $0x0  }
0x175: {  	[sflag:s31] =	ssyncadd.s32 $0xFFFF8000  }
0x176: {  	[tilespmem:s8], [sflag:$0x1] =	stream.linear.gather [hbm4b:s5+s2], $0x8000, $0x38;
	[tilespmem:$0x10000] =	vst v63  }
0x177: {  	_ = 	snop  }
0x178: {  	[hbm4b:s12+s2] =	stream.linear.scatter [tilespmem:s2], [sflag:$0x2], $0x8000, $0x38;
	[tilespmem:$0x10000] =	vst v63  }
0x179: {  	_ = 	snop  }
0x17a: {  	[hbm4b:s13+s2] =	stream.linear.scatter [tilespmem:s2], [sflag:$0x2], $0x8000, $0x38;
	[tilespmem:$0x10000] =	vst v63  }
0x17b: {  	_ = 	snop  }
0x17c: {  	[hbm4b:s14+s2] =	stream.linear.scatter [tilespmem:s2], [sflag:$0x2], $0x8000, $0x38;
	[tilespmem:$0x10000] =	vst v63  }
0x17d: {  	_ = 	snop  }
0x17e: {  	[hbm4b:s15+s2] =	stream.linear.scatter [tilespmem:s2], [sflag:$0x2], $0x8000, $0x38;
	[tilespmem:$0x10000] =	vst v63  }
0x17f: {  	_ =	swait.ge [sflag:s3], $0x8000  }
0x180: {  	[sflag:s3] =	ssyncset.done $0x0  }
0x181: {  	[sflag:s3] =	ssyncadd.s32 $0xFFFF8000  }
0x182: {  	_ =	swait.ge [sflag:s3], $0x8000  }
0x183: {  	[sflag:s3] =	ssyncset.done $0x0  }
0x184: {  	[sflag:s3] =	ssyncadd.s32 $0xFFFF8000  }
0x185: {  	_ =	swait.ge [sflag:s3], $0x8000  }
0x186: {  	[sflag:s3] =	ssyncset.done $0x0  }
0x187: {  	[sflag:s3] =	ssyncadd.s32 $0xFFFF8000  }
0x188: {  	_ =	swait.ge [sflag:s3], $0x8000  }
0x189: {  	[sflag:s3] =	ssyncset.done $0x0  }
0x18a: {  	[sflag:s3] =	ssyncadd.s32 $0xFFFF8000  }
0x18b: {  	_ =	swait.ge [sflag:s31], $0x8000  }
0x18c: {  	[sflag:s31] =	ssyncset.done $0x0  }
0x18d: {  	[sflag:s31] =	ssyncadd.s32 $0xFFFF8000  }
0x18e: {  	[hbm4b:s9+s2] =	stream.linear.scatter [tilespmem:s8], [sflag:$0x2], $0x8000, $0x38;
	[tilespmem:$0x10000] =	vst v63  }
0x18f: {  	_ = 	snop  }
0x190: {  	[hbm4b:s6+s2] =	stream.linear.scatter [tilespmem:s8], [sflag:$0x2], $0x8000, $0x38;
	[tilespmem:$0x10000] =	vst v63  }
0x191: {  	_ = 	snop  }
0x192: {  	[hbm4b:s7+s2] =	stream.linear.scatter [tilespmem:s8], [sflag:$0x2], $0x8000, $0x38;
	[tilespmem:$0x10000] =	vst v63  }
0x193: {  	_ = 	snop  }
0x194: {  	[hbm4b:s10+s2] =	stream.linear.scatter [tilespmem:s8], [sflag:$0x2], $0x8000, $0x38;
	[tilespmem:$0x10000] =	vst v63  }
0x195: {  	_ =	swait.ge [sflag:s3], $0x8000  }
0x196: {  	[sflag:s3] =	ssyncset.done $0x0  }
0x197: {  	[sflag:s3] =	ssyncadd.s32 $0xFFFF8000  }
0x198: {  	_ =	swait.ge [sflag:s3], $0x8000  }
0x199: {  	p1 =	sne.s32 s0, $0x1;
	[sflag:s3] =	ssyncset.done $0x0  }
0x19a: {  	s0 =	sadd.s32 $0xFFFFFFFF, s0;
	s11 =	smov.u32 s5;
	[sflag:s3] =	ssyncadd.s32 $0xFFFF8000  }
.Ltmp2:
0x19b: {  	s16 =	smov.u32 s12;
	_ =	swait.ge [sflag:s3], $0x8000;
	(pc) =	sbr.rel @p1 .LBB2_2-.Ltmp2, $4  }
0x19c: {  	s17 =	smov.u32 s6;
	s5 =	smov.u32 s9;
	[sflag:s3] =	ssyncset.done $0x0  }
0x19d: {  	s12 =	smov.u32 s13;
	s13 =	smov.u32 s14;
	[sflag:s3] =	ssyncadd.s32 $0xFFFF8000  }
0x19e: {  	s14 =	smov.u32 s15;
	s6 =	smov.u32 s7;
	_ =	swait.ge [sflag:s3], $0x8000  }
0x19f: {  	s7 =	smov.u32 s10;
	s1 =	rddreg [dreg:$0x3];
	[sflag:s3] =	ssyncset.done $0x0  }
.LBB2_3:
0x1a0: {  	[sflag:s3] =	ssyncadd.s32 @p0 $0xFFFF8000  }
0x1a1: {  	[tilespmem:s2], [sflag:$0x1] =	stream.linear.gather [hbm4b:s1+s2], $0x8000, $0x38;
	[tilespmem:$0x10000] =	vst v63  }
0x1a2: {  	_ =	swait.ge [sflag:s31], $0x8000  }
0x1a3: {  	[sflag:s31] =	ssyncset.done $0x0  }
0x1a4: {  	s0 =	rddreg [dreg:$0x4];
	[sflag:s31] =	ssyncadd.s32 $0xFFFF8000  }
0x1a5: {  	[tilespmem:s8], [sflag:$0x1] =	stream.linear.gather [hbm4b:s0+s2], $0x8000, $0x38;
	[tilespmem:$0x10000] =	vst v63  }
0x1a6: {  	_ = 	snop  }
0x1a7: {  	[hbm4b:s4+s2] =	stream.linear.scatter [tilespmem:s2], [sflag:$0x2], $0x8000, $0x38;
	[tilespmem:$0x10000] =	vst v63  }
0x1a8: {  	s9 =	rddreg [dreg:$0x5]  }
0x1a9: {  	[hbm4b:s9+s2] =	stream.linear.scatter [tilespmem:s2], [sflag:$0x2], $0x8000, $0x38;
	[tilespmem:$0x10000] =	vst v63  }
0x1aa: {  	s10 =	rddreg [dreg:$0x6]  }
0x1ab: {  	[hbm4b:s10+s2] =	stream.linear.scatter [tilespmem:s2], [sflag:$0x2], $0x8000, $0x38;
	[tilespmem:$0x10000] =	vst v63  }
0x1ac: {  	s15 =	rddreg [dreg:$0x7]  }
0x1ad: {  	[hbm4b:s15+s2] =	stream.linear.scatter [tilespmem:s2], [sflag:$0x2], $0x8000, $0x38;
	[tilespmem:$0x10000] =	vst v63  }
0x1ae: {  	_ =	swait.ge [sflag:s3], $0x8000  }
0x1af: {  	[sflag:s3] =	ssyncset.done $0x0  }
0x1b0: {  	[sflag:s3] =	ssyncadd.s32 $0xFFFF8000  }
0x1b1: {  	_ =	swait.ge [sflag:s3], $0x8000  }
0x1b2: {  	[sflag:s3] =	ssyncset.done $0x0  }
0x1b3: {  	[sflag:s3] =	ssyncadd.s32 $0xFFFF8000  }
0x1b4: {  	_ =	swait.ge [sflag:s3], $0x8000  }
0x1b5: {  	[sflag:s3] =	ssyncset.done $0x0  }
0x1b6: {  	[sflag:s3] =	ssyncadd.s32 $0xFFFF8000  }
0x1b7: {  	_ =	swait.ge [sflag:s3], $0x8000  }
0x1b8: {  	[sflag:s3] =	ssyncset.done $0x0  }
0x1b9: {  	[sflag:s3] =	ssyncadd.s32 $0xFFFF8000  }
0x1ba: {  	_ =	swait.ge [sflag:s31], $0x8000  }
0x1bb: {  	[sflag:s31] =	ssyncset.done $0x0  }
0x1bc: {  	s1 =	rddreg [dreg:$0x8];
	[sflag:s31] =	ssyncadd.s32 $0xFFFF8000  }
0x1bd: {  	[tilespmem:s2], [sflag:$0x1] =	stream.linear.gather [hbm4b:s1+s2], $0x8000, $0x38;
	[tilespmem:$0x10000] =	vst v63  }
0x1be: {  	s4 =	rddreg [dreg:$0x9]  }
0x1bf: {  	[hbm4b:s4+s2] =	stream.linear.scatter [tilespmem:s8], [sflag:$0x2], $0x8000, $0x38;
	[tilespmem:$0x10000] =	vst v63  }
0x1c0: {  	s9 =	rddreg [dreg:$0xa]  }
0x1c1: {  	[hbm4b:s9+s2] =	stream.linear.scatter [tilespmem:s8], [sflag:$0x2], $0x8000, $0x38;
	[tilespmem:$0x10000] =	vst v63  }
0x1c2: {  	s10 =	rddreg [dreg:$0xb]  }
0x1c3: {  	[hbm4b:s10+s2] =	stream.linear.scatter [tilespmem:s8], [sflag:$0x2], $0x8000, $0x38;
	[tilespmem:$0x10000] =	vst v63  }
0x1c4: {  	s15 =	rddreg [dreg:$0xc]  }
0x1c5: {  	[hbm4b:s15+s2] =	stream.linear.scatter [tilespmem:s8], [sflag:$0x2], $0x8000, $0x38;
	[tilespmem:$0x10000] =	vst v63  }
0x1c6: {  	_ =	swait.ge [sflag:s3], $0x8000  }
0x1c7: {  	[sflag:s3] =	ssyncset.done $0x0  }
0x1c8: {  	[sflag:s3] =	ssyncadd.s32 $0xFFFF8000  }
0x1c9: {  	_ =	swait.ge [sflag:s3], $0x8000  }
0x1ca: {  	[sflag:s3] =	ssyncset.done $0x0  }
0x1cb: {  	[sflag:s3] =	ssyncadd.s32 $0xFFFF8000  }
0x1cc: {  	_ =	swait.ge [sflag:s3], $0x8000  }
0x1cd: {  	[sflag:s3] =	ssyncset.done $0x0  }
0x1ce: {  	[sflag:s3] =	ssyncadd.s32 $0xFFFF8000  }
0x1cf: {  	_ =	swait.ge [sflag:s3], $0x8000  }
0x1d0: {  	[sflag:s3] =	ssyncset.done $0x0  }
0x1d1: {  	[sflag:s3] =	ssyncadd.s32 $0xFFFF8000  }
0x1d2: {  	_ =	swait.ge [sflag:s31], $0x8000  }
0x1d3: {  	[sflag:s31] =	ssyncset.done $0x0  }
0x1d4: {  	s1 =	rddreg [dreg:$0xd];
	[sflag:s31] =	ssyncadd.s32 $0xFFFF8000  }
0x1d5: {  	[tilespmem:s8], [sflag:$0x1] =	stream.linear.gather [hbm4b:s1+s2], $0x8000, $0x38;
	[tilespmem:$0x10000] =	vst v63  }
0x1d6: {  	s4 =	rddreg [dreg:$0xe]  }
0x1d7: {  	[hbm4b:s4+s2] =	stream.linear.scatter [tilespmem:s2], [sflag:$0x2], $0x8000, $0x38;
	[tilespmem:$0x10000] =	vst v63  }
0x1d8: {  	s9 =	rddreg [dreg:$0xf]  }
0x1d9: {  	[hbm4b:s9+s2] =	stream.linear.scatter [tilespmem:s2], [sflag:$0x2], $0x8000, $0x38;
	[tilespmem:$0x10000] =	vst v63  }
0x1da: {  	s10 =	rddreg [dreg:$0x10]  }
0x1db: {  	[hbm4b:s10+s2] =	stream.linear.scatter [tilespmem:s2], [sflag:$0x2], $0x8000, $0x38;
	[tilespmem:$0x10000] =	vst v63  }
0x1dc: {  	s15 =	rddreg [dreg:$0x11]  }
0x1dd: {  	[hbm4b:s15+s2] =	stream.linear.scatter [tilespmem:s2], [sflag:$0x2], $0x8000, $0x38;
	[tilespmem:$0x10000] =	vst v63  }
0x1de: {  	_ =	swait.ge [sflag:s3], $0x8000  }
0x1df: {  	[sflag:s3] =	ssyncset.done $0x0  }
0x1e0: {  	[sflag:s3] =	ssyncadd.s32 $0xFFFF8000  }
0x1e1: {  	_ =	swait.ge [sflag:s3], $0x8000  }
0x1e2: {  	[sflag:s3] =	ssyncset.done $0x0  }
0x1e3: {  	[sflag:s3] =	ssyncadd.s32 $0xFFFF8000  }
0x1e4: {  	_ =	swait.ge [sflag:s3], $0x8000  }
0x1e5: {  	[sflag:s3] =	ssyncset.done $0x0  }
0x1e6: {  	[sflag:s3] =	ssyncadd.s32 $0xFFFF8000  }
0x1e7: {  	_ =	swait.ge [sflag:s3], $0x8000  }
0x1e8: {  	[sflag:s3] =	ssyncset.done $0x0  }
0x1e9: {  	[sflag:s3] =	ssyncadd.s32 $0xFFFF8000  }
0x1ea: {  	_ =	swait.ge [sflag:s31], $0x8000  }
0x1eb: {  	[sflag:s31] =	ssyncset.done $0x0  }
0x1ec: {  	[sflag:s31] =	ssyncadd.s32 $0xFFFF8000  }
0x1ed: {  	[tilespmem:s2], [sflag:$0x1] =	stream.linear.gather [hbm4b:s25+s2], $0x8000, $0x38;
	[tilespmem:$0x10000] =	vst v63  }
0x1ee: {  	_ = 	snop  }
0x1ef: {  	[hbm4b:s26+s2] =	stream.linear.scatter [tilespmem:s8], [sflag:$0x2], $0x8000, $0x38;
	[tilespmem:$0x10000] =	vst v63  }
0x1f0: {  	_ = 	snop  }
0x1f1: {  	[hbm4b:s28+s2] =	stream.linear.scatter [tilespmem:s8], [sflag:$0x2], $0x8000, $0x38;
	[tilespmem:$0x10000] =	vst v63  }
0x1f2: {  	_ = 	snop  }
0x1f3: {  	[hbm4b:s29+s2] =	stream.linear.scatter [tilespmem:s8], [sflag:$0x2], $0x8000, $0x38;
	[tilespmem:$0x10000] =	vst v63  }
0x1f4: {  	_ = 	snop  }
0x1f5: {  	[hbm4b:s30+s2] =	stream.linear.scatter [tilespmem:s8], [sflag:$0x2], $0x8000, $0x38;
	[tilespmem:$0x10000] =	vst v63  }
0x1f6: {  	_ =	swait.ge [sflag:s3], $0x8000  }
0x1f7: {  	[sflag:s3] =	ssyncset.done $0x0  }
0x1f8: {  	[sflag:s3] =	ssyncadd.s32 $0xFFFF8000  }
0x1f9: {  	_ =	swait.ge [sflag:s3], $0x8000  }
0x1fa: {  	[sflag:s3] =	ssyncset.done $0x0  }
0x1fb: {  	[sflag:s3] =	ssyncadd.s32 $0xFFFF8000  }
0x1fc: {  	_ =	swait.ge [sflag:s3], $0x8000  }
0x1fd: {  	[sflag:s3] =	ssyncset.done $0x0  }
0x1fe: {  	[sflag:s3] =	ssyncadd.s32 $0xFFFF8000  }
0x1ff: {  	_ =	swait.ge [sflag:s3], $0x8000  }
0x200: {  	[sflag:s3] =	ssyncset.done $0x0  }
0x201: {  	[sflag:s3] =	ssyncadd.s32 $0xFFFF8000  }
0x202: {  	_ =	swait.ge [sflag:s31], $0x8000  }
0x203: {  	[sflag:s31] =	ssyncset.done $0x0  }
0x204: {  	[sflag:s31] =	ssyncadd.s32 $0xFFFF8000  }
0x205: {  	[tilespmem:s8], [sflag:$0x1] =	stream.linear.gather [hbm4b:s20+s2], $0x8000, $0x38;
	[tilespmem:$0x10000] =	vst v63  }
0x206: {  	_ = 	snop  }
0x207: {  	[hbm4b:s21+s2] =	stream.linear.scatter [tilespmem:s2], [sflag:$0x2], $0x8000, $0x38;
	[tilespmem:$0x10000] =	vst v63  }
0x208: {  	_ = 	snop  }
0x209: {  	[hbm4b:s22+s2] =	stream.linear.scatter [tilespmem:s2], [sflag:$0x2], $0x8000, $0x38;
	[tilespmem:$0x10000] =	vst v63  }
0x20a: {  	_ = 	snop  }
0x20b: {  	[hbm4b:s23+s2] =	stream.linear.scatter [tilespmem:s2], [sflag:$0x2], $0x8000, $0x38;
	[tilespmem:$0x10000] =	vst v63  }
0x20c: {  	_ = 	snop  }
0x20d: {  	[hbm4b:s24+s2] =	stream.linear.scatter [tilespmem:s2], [sflag:$0x2], $0x8000, $0x38;
	[tilespmem:$0x10000] =	vst v63  }
0x20e: {  	_ =	swait.ge [sflag:s3], $0x8000  }
0x20f: {  	[sflag:s3] =	ssyncset.done $0x0  }
0x210: {  	[sflag:s3] =	ssyncadd.s32 $0xFFFF8000  }
0x211: {  	_ =	swait.ge [sflag:s3], $0x8000  }
0x212: {  	[sflag:s3] =	ssyncset.done $0x0  }
0x213: {  	[sflag:s3] =	ssyncadd.s32 $0xFFFF8000  }
0x214: {  	_ =	swait.ge [sflag:s3], $0x8000  }
0x215: {  	[sflag:s3] =	ssyncset.done $0x0  }
0x216: {  	[sflag:s3] =	ssyncadd.s32 $0xFFFF8000  }
0x217: {  	_ =	swait.ge [sflag:s3], $0x8000  }
0x218: {  	[sflag:s3] =	ssyncset.done $0x0  }
0x219: {  	[sflag:s3] =	ssyncadd.s32 $0xFFFF8000  }
0x21a: {  	_ =	swait.ge [sflag:s31], $0x8000  }
0x21b: {  	[sflag:s31] =	ssyncset.done $0x0  }
0x21c: {  	s28 =	rddreg [dreg:$0x13];
	[sflag:s31] =	ssyncadd.s32 $0xFFFF8000  }
0x21d: {  	[tilespmem:s2], [sflag:$0x1] =	stream.linear.gather [hbm4b:s28+s2], $0x8000, $0x38;
	[tilespmem:$0x10000] =	vst v63  }
0x21e: {  	s29 =	rddreg [dreg:$0x14]  }
0x21f: {  	[hbm4b:s29+s2] =	stream.linear.scatter [tilespmem:s8], [sflag:$0x2], $0x8000, $0x38;
	[tilespmem:$0x10000] =	vst v63  }
0x220: {  	s30 =	rddreg [dreg:$0x15]  }
0x221: {  	[hbm4b:s30+s2] =	stream.linear.scatter [tilespmem:s8], [sflag:$0x2], $0x8000, $0x38;
	[tilespmem:$0x10000] =	vst v63  }
0x222: {  	_ = 	snop  }
0x223: {  	[hbm4b:s18+s2] =	stream.linear.scatter [tilespmem:s8], [sflag:$0x2], $0x8000, $0x38;
	[tilespmem:$0x10000] =	vst v63  }
0x224: {  	_ = 	snop  }
0x225: {  	[hbm4b:s19+s2] =	stream.linear.scatter [tilespmem:s8], [sflag:$0x2], $0x8000, $0x38;
	[tilespmem:$0x10000] =	vst v63  }
0x226: {  	_ =	swait.ge [sflag:s3], $0x8000  }
0x227: {  	[sflag:s3] =	ssyncset.done $0x0  }
0x228: {  	[sflag:s3] =	ssyncadd.s32 $0xFFFF8000  }
0x229: {  	_ =	swait.ge [sflag:s3], $0x8000  }
0x22a: {  	[sflag:s3] =	ssyncset.done $0x0  }
0x22b: {  	[sflag:s3] =	ssyncadd.s32 $0xFFFF8000  }
0x22c: {  	_ =	swait.ge [sflag:s3], $0x8000  }
0x22d: {  	[sflag:s3] =	ssyncset.done $0x0  }
0x22e: {  	[sflag:s3] =	ssyncadd.s32 $0xFFFF8000  }
0x22f: {  	_ =	swait.ge [sflag:s3], $0x8000  }
0x230: {  	[sflag:s3] =	ssyncset.done $0x0  }
0x231: {  	[sflag:s3] =	ssyncadd.s32 $0xFFFF8000  }
0x232: {  	_ =	swait.ge [sflag:s31], $0x8000  }
0x233: {  	[sflag:s31] =	ssyncset.done $0x0  }
0x234: {  	[sflag:s31] =	ssyncadd.s32 $0xFFFF8000  }
0x235: {  	[tilespmem:s8], [sflag:$0x1] =	stream.linear.gather [hbm4b:s11+s2], $0x8000, $0x38;
	[tilespmem:$0x10000] =	vst v63  }
0x236: {  	_ = 	snop  }
0x237: {  	[hbm4b:s16+s2] =	stream.linear.scatter [tilespmem:s2], [sflag:$0x2], $0x8000, $0x38;
	[tilespmem:$0x10000] =	vst v63  }
0x238: {  	_ = 	snop  }
0x239: {  	[hbm4b:s12+s2] =	stream.linear.scatter [tilespmem:s2], [sflag:$0x2], $0x8000, $0x38;
	[tilespmem:$0x10000] =	vst v63  }
0x23a: {  	_ = 	snop  }
0x23b: {  	[hbm4b:s13+s2] =	stream.linear.scatter [tilespmem:s2], [sflag:$0x2], $0x8000, $0x38;
	[tilespmem:$0x10000] =	vst v63  }
0x23c: {  	_ = 	snop  }
0x23d: {  	[hbm4b:s14+s2] =	stream.linear.scatter [tilespmem:s2], [sflag:$0x2], $0x8000, $0x38;
	[tilespmem:$0x10000] =	vst v63  }
0x23e: {  	_ =	swait.ge [sflag:s3], $0x8000  }
0x23f: {  	[sflag:s3] =	ssyncset.done $0x0  }
0x240: {  	[sflag:s3] =	ssyncadd.s32 $0xFFFF8000  }
0x241: {  	_ =	swait.ge [sflag:s3], $0x8000  }
0x242: {  	[sflag:s3] =	ssyncset.done $0x0  }
0x243: {  	[sflag:s3] =	ssyncadd.s32 $0xFFFF8000  }
0x244: {  	_ =	swait.ge [sflag:s3], $0x8000  }
0x245: {  	[sflag:s3] =	ssyncset.done $0x0  }
0x246: {  	[sflag:s3] =	ssyncadd.s32 $0xFFFF8000  }
0x247: {  	_ =	swait.ge [sflag:s3], $0x8000  }
0x248: {  	[sflag:s3] =	ssyncset.done $0x0  }
0x249: {  	[sflag:s3] =	ssyncadd.s32 $0xFFFF8000  }
0x24a: {  	_ =	swait.ge [sflag:s31], $0x8000  }
0x24b: {  	[sflag:s31] =	ssyncset.done $0x0  }
0x24c: {  	[sflag:s31] =	ssyncadd.s32 $0xFFFF8000  }
0x24d: {  	[hbm4b:s5+s2] =	stream.linear.scatter [tilespmem:s8], [sflag:$0x2], $0x8000, $0x38;
	[tilespmem:$0x10000] =	vst v63  }
0x24e: {  	_ = 	snop  }
0x24f: {  	[hbm4b:s17+s2] =	stream.linear.scatter [tilespmem:s8], [sflag:$0x2], $0x8000, $0x38;
	[tilespmem:$0x10000] =	vst v63  }
0x250: {  	_ = 	snop  }
0x251: {  	[hbm4b:s6+s2] =	stream.linear.scatter [tilespmem:s8], [sflag:$0x2], $0x8000, $0x38;
	[tilespmem:$0x10000] =	vst v63  }
0x252: {  	_ = 	snop  }
0x253: {  	[hbm4b:s7+s2] =	stream.linear.scatter [tilespmem:s8], [sflag:$0x2], $0x8000, $0x38;
	[tilespmem:$0x10000] =	vst v63  }
0x254: {  	_ =	swait.ge [sflag:s3], $0x8000  }
0x255: {  	[sflag:s3] =	ssyncset.done $0x0  }
0x256: {  	[sflag:s3] =	ssyncadd.s32 $0xFFFF8000  }
0x257: {  	_ =	swait.ge [sflag:s3], $0x8000  }
0x258: {  	[sflag:s3] =	ssyncset.done $0x0  }
0x259: {  	[sflag:s3] =	ssyncadd.s32 $0xFFFF8000  }
0x25a: {  	_ =	swait.ge [sflag:s3], $0x8000  }
0x25b: {  	[sflag:s3] =	ssyncset.done $0x0  }
0x25c: {  	[sflag:s3] =	ssyncadd.s32 $0xFFFF8000  }
0x25d: {  	_ =	swait.ge [sflag:s3], $0x8000  }
0x25e: {  	[sflag:s3] =	ssyncset.done $0x0  }
0x25f: {  	[sflag:s3] =	ssyncadd.s32 $0xFFFF8000  }
0x260: {  	_ =	sfence.sel $0x180000  }
0x261: {  	[bflag:$0x0] =	sbarrier.arrive $0xFFFF  }
0x262: {  	_ =	strace $0x90000047  }
0x263: {  	s31 =	stileid.u32;
	[bflag:$0x2] =	sbarrier.arrive $0xFFFF  }
0x264: {  	p0 =	sne.s32 s31, $0x0;
	s0 =	rddreg [dreg:$0x2]  }
0x265: {  	s0 =	sadd.s32 @!p0 $0x100000, s0  }
0x266: {  	[sflag:s0] =	ssyncadd.tile.s32 @!p0 $0x1;
	_ =	shalt  }
.Lfunc_end2:
_tile_overlayer_lowered:
.L_overlay_start_2:
0x267: {  	(tag) =	ssettag $0x2  }
0x268: {  	s0 =	rddreg [dreg:$0x0];
	s2 =	stileid.u32  }
0x269: {  	s1 =	rddreg [dreg:$0x1];
	p0 =	sne.s32 s2, $0x0  }
0x26a: {  	s3 =	rddreg [dreg:$0x2];
	[bflag:$0x3] =	sbarrier.arrive $0xFFFF;
	s2 =	simm.s32 @!p0 $0x1C03  }
0x26b: {  	[timem:s3], [sflag:s2] =	dma.local @!p0 [hbm:s0], s1  }
0x26c: {  	s0 =	simm.s32 @!p0 $0x3  }
0x26d: {  	_ =	swait.ge @!p0 [sflag:s0], s1  }
0x26e: {  	s1 =	ssub.s32 @!p0 $0x0, s1;
	[sflag:s0] =	ssyncset.done @!p0 $0x0  }
0x26f: {  	[sflag:s0] =	ssyncadd.s32 @!p0 s1  }
0x270: {  	[bflag:$0x3] =	sbarrier.arrive $0xFFFF  }
0x271: {  	_ =	shalt  }

</sc_bundles>
